<compile_context>
chip_gen: v7x
topology: tpu7x:2x2x1
jax: 0.10.2.dev20260603
libtpu: 0.0.44.dev20260713+nightly
codegen_flags: <defaults>
</compile_context>

<pallas_src>
import functools

import jax
import jax.numpy as jnp
from jax import lax
from jax.experimental import pallas as pl
from jax.experimental.pallas import tpu as pltpu
from jax.experimental.pallas import tpu_sc as plsc

_ENTITY_NUM = 1000000
_RELATION_NUM = 1000
_EMB_DIM = 64
_MARGIN = 5.0
_BATCH = 16384

_NC = 2
_NS = 16
_NW = _NC * _NS
_BPW = _BATCH // _NW
_NPASS = 2
_HPW = _BPW // _NPASS


def _sc_gather_body(hidx_hbm, tidx_hbm, ridx_hbm, ent_hbm, rel_hbm,
                    out_h, out_t, out_r, idx_v, rows_h, rows_t,
                    rows_r, sem):
    wid = lax.axis_index("s") * _NC + lax.axis_index("c")
    base = wid * _BPW

    jobs = ((ent_hbm, rows_h, out_h),
            (ent_hbm, rows_t, out_t),
            (rel_hbm, rows_r, out_r))

    for k, idx_hbm in enumerate((hidx_hbm, tidx_hbm, ridx_hbm)):
        pltpu.sync_copy(idx_hbm.at[pl.ds(wid * _BPW, _BPW)],
                        idx_v.at[pl.ds(k * _BPW, _BPW)])

    for p in range(_NPASS):
        for k, (table, rows, _) in enumerate(jobs):
            def fire(g, _, k=k, p=p, table=table, rows=rows):
                vec = idx_v[pl.ds(k * _BPW + p * _HPW + g * 16, 16)]
                for lane in range(16):
                    pltpu.async_copy(table.at[pl.ds(vec[lane], 1)],
                                     rows.at[pl.ds(g * 16 + lane, 1)], sem)
                return 0
            lax.fori_loop(0, _HPW // 16, fire, 0)
        for k, (table, rows, _) in enumerate(jobs):
            pltpu.make_async_copy(table.at[pl.ds(0, _HPW)], rows, sem).wait()
        for _, rows, out in jobs:
            pltpu.sync_copy(rows, out.at[pl.ds(base + p * _HPW, _HPW)])


@functools.lru_cache(maxsize=None)
def _make_sc_gather():
    return pl.kernel(
        _sc_gather_body,
        out_type=[jax.ShapeDtypeStruct((_BATCH, _EMB_DIM), jnp.float32)] * 3,
        mesh=plsc.VectorSubcoreMesh(core_axis_name="c", subcore_axis_name="s",
                                    num_cores=_NC, num_subcores=_NS),
        scratch_types=[
            pltpu.VMEM((3 * _BPW,), jnp.int32),
            pltpu.VMEM((_HPW, _EMB_DIM), jnp.float32),
            pltpu.VMEM((_HPW, _EMB_DIM), jnp.float32),
            pltpu.VMEM((_HPW, _EMB_DIM), jnp.float32),
            pltpu.SemaphoreType.DMA,
        ],
    )


def _tc_loss_body(head_ref, tail_ref, rel_ref, wt_ref, mask_ref, out_ref):
    diff = head_ref[...] - tail_ref[...]
    proj = lax.dot_general(diff, wt_ref[...], (((1,), (1,)), ((), ())),
                           preferred_element_type=jnp.float32)
    rel = rel_ref[...]
    n = jnp.sqrt(jnp.sum(rel * rel, axis=1, keepdims=True))
    rel_n = rel / jnp.maximum(n, 1e-12)
    v = proj + rel_n + 1e-6
    dis = jnp.sqrt(jnp.sum(v * v, axis=1, keepdims=True))
    m = mask_ref[...]
    pos_cnt = jnp.sum(m)
    neg_cnt = jnp.float32(_BATCH) - pos_cnt
    pos_sum = jnp.sum(dis * m)
    neg_sum = jnp.sum(dis) - pos_sum
    dp = jnp.where(pos_cnt > 0, pos_sum / pos_cnt, jnp.float32(0.0))
    dn = jnp.where(neg_cnt > 0, neg_sum / neg_cnt, jnp.float32(0.0))
    out_ref[0, 0] = jnp.maximum(jnp.float32(0.0), dp - dn + _MARGIN)


def kernel(head_entity, tail_entity, relation, mask, ent_table, rel_table, W, b):
    del b
    head_rows, tail_rows, rel_rows = _make_sc_gather()(
        head_entity.astype(jnp.int32), tail_entity.astype(jnp.int32),
        relation.astype(jnp.int32), ent_table, rel_table)

    mask_f = mask.astype(jnp.float32).reshape(_BATCH, 1)
    out = pl.pallas_call(
        _tc_loss_body,
        out_shape=jax.ShapeDtypeStruct((1, 1), jnp.float32),
        out_specs=pl.BlockSpec(memory_space=pltpu.SMEM),
    )(head_rows, tail_rows, rel_rows, W, mask_f)
    return out.reshape(1)

# --- scband reference (transcript-rebuilt; emitter-appended) ---
"""Pipeline reference for scband-trans-r-40973988004091 (READ-ONLY COPY).

The authoritative reference and input builder live on the scoring server;
editing this copy changes nothing except your own understanding.
"""

import jax, jax.numpy as jnp
import numpy as np

ENTITY_NUM = 1000000
RELATION_NUM = 1000
EMB_DIM = 64
OUT_FEAT = 64
MARGIN = 5.0
BATCH = 16384


def setup_inputs(seed: int = 0) -> dict:
    key = jax.random.key(seed)
    ks = jax.random.split(key, 8)
    head_entity = jax.random.randint(ks[0], (BATCH,), 0, ENTITY_NUM)
    tail_entity = jax.random.randint(ks[1], (BATCH,), 0, ENTITY_NUM)
    relation = jax.random.randint(ks[2], (BATCH,), 0, RELATION_NUM)
    mask = jax.random.randint(ks[3], (BATCH,), 0, 2).astype(bool)
    ent_table = jax.random.normal(ks[4], (ENTITY_NUM, EMB_DIM), dtype=jnp.float32)
    rel_table = jax.random.normal(ks[5], (RELATION_NUM, EMB_DIM), dtype=jnp.float32)
    W = jax.random.normal(ks[6], (OUT_FEAT, EMB_DIM), dtype=jnp.float32) * (1.0 / np.sqrt(EMB_DIM))
    b = jax.random.normal(ks[7], (OUT_FEAT,), dtype=jnp.float32) * 0.01
    return {"head_entity": head_entity, "tail_entity": tail_entity, "relation": relation,
            "mask": mask, "ent_table": ent_table, "rel_table": rel_table, "W": W, "b": b}


def _normalize(x, axis=1, eps=1e-12):
    n = jnp.linalg.norm(x, axis=axis, keepdims=True)
    return x / jnp.maximum(n, eps)


def reference(head_entity, tail_entity, relation, mask, ent_table, rel_table, W, b):
    # Embedding lookups (gather)
    head_emb = jnp.take(ent_table, head_entity, axis=0)
    tail_emb = jnp.take(ent_table, tail_entity, axis=0)
    relation_emb = jnp.take(rel_table, relation, axis=0)
    # Linear projection into relation space
    head = head_emb @ W.T + b
    tail = tail_emb @ W.T + b
    # F.normalize (head_emb/tail_emb normalized but unused downstream, kept faithful)
    head_emb_n = _normalize(head_emb)
    tail_emb_n = _normalize(tail_emb)
    relation_emb_n = _normalize(relation_emb)
    # PairwiseDistance(p=2), eps=1e-6 added to difference (torch semantics)
    dis = jnp.linalg.norm(head + relation_emb_n - tail + 1e-6, axis=1)
    pos_cnt = jnp.sum(mask.astype(jnp.float32))
    neg_cnt = jnp.sum((~mask).astype(jnp.float32))
    pos_sum = jnp.sum(jnp.where(mask, dis, jnp.zeros_like(dis)))
    neg_sum = jnp.sum(jnp.where(~mask, dis, jnp.zeros_like(dis)))
    dp = jnp.where(pos_cnt > 0, pos_sum / pos_cnt, jnp.asarray(0.0, jnp.float32))
    dn = jnp.where(neg_cnt > 0, neg_sum / neg_cnt, jnp.asarray(0.0, jnp.float32))
    min_val = jnp.zeros((1,), dtype=jnp.float32)
    return jnp.maximum(min_val, dp - dn + MARGIN)


if False:  # reference __main__ guard neutralized (emitter)
    out = reference(**setup_inputs())
    print(out.shape, out)

if __name__ == "__main__":
    import jax
    _d = setup_inputs()
    print(jax.jit(kernel)(*tuple(_d.values())))

</pallas_src>

<mosaic_0001>
#map = affine_map<(d0, d1) -> (0)>
#map1 = affine_map<(d0, d1) -> (0, 0)>
module attributes {stable_mosaic.version = 14 : i64} {
  func.func @_sc_gather_body(%arg0: i32, %arg1: i32, %arg2: memref<16384xi32, #tpu.memory_space<hbm>>, %arg3: memref<16384xi32, #tpu.memory_space<hbm>>, %arg4: memref<16384xi32, #tpu.memory_space<hbm>>, %arg5: memref<1000000x64xf32, #tpu.memory_space<hbm>>, %arg6: memref<1000x64xf32, #tpu.memory_space<hbm>>, %arg7: memref<16384x64xf32, #tpu.memory_space<hbm>>, %arg8: memref<16384x64xf32, #tpu.memory_space<hbm>>, %arg9: memref<16384x64xf32, #tpu.memory_space<hbm>>, %arg10: memref<1536xi32, #tpu.memory_space<vmem>>, %arg11: memref<256x64xf32, #tpu.memory_space<vmem>>, %arg12: memref<256x64xf32, #tpu.memory_space<vmem>>, %arg13: memref<256x64xf32, #tpu.memory_space<vmem>>, %arg14: memref<!tpu.dma_semaphore, #tpu.memory_space<semaphore_mem>>) attributes {dimension_semantics = [#tpu.dimension_semantics<core_parallel>, #tpu.dimension_semantics<subcore_parallel>], iteration_bounds = array<i64: 2, 16>, scalar_prefetch = 0 : i64, scratch_operands = 5 : i64, tpu.core_type = #tpu.core_type<sc_vector_subcore>, window_params = [{transform_indices = #map}, {transform_indices = #map}, {transform_indices = #map}, {transform_indices = #map1}, {transform_indices = #map1}, {transform_indices = #map1}, {transform_indices = #map1}, {transform_indices = #map1}]} {
    %mul3A = arith.constant 2 : i32
    %mul3A_0 = arith.muli %arg1, %mul3A : i32
    %add3A = arith.addi %mul3A_0, %arg0 : i32
    %mul3A_1 = arith.constant 512 : i32
    %mul3A_2 = arith.muli %add3A, %mul3A_1 : i32
    %mul3A_3 = arith.constant 512 : i32
    %mul3A_4 = arith.muli %add3A, %mul3A_3 : i32
    "tpu.region"() ({
      %run_scoped3A = tpu.sem_alloc : memref<!tpu.dma_semaphore, #tpu.memory_space<semaphore_mem>>
      %dma_start3A = arith.constant 0 : i32
      %dma_start3A_97 = tpu.memref_slice %arg10[%dma_start3A] : memref<1536xi32, #tpu.memory_space<vmem>> -> memref<512xi32, #tpu.memory_space<vmem>>
      %dma_start3A_98 = tpu.memref_slice %arg2[%mul3A_4] : memref<16384xi32, #tpu.memory_space<hbm>> -> memref<512xi32, #tpu.memory_space<hbm>>
      %dma_start3A_99 = arith.constant 0 : i32
      %dma_start3A_100 = tpu.memref_slice %arg10[%dma_start3A_99] : memref<1536xi32, #tpu.memory_space<vmem>> -> memref<512xi32, #tpu.memory_space<vmem>>
      %dma_start3A_101 = tpu.memref_slice %arg2[%mul3A_4] : memref<16384xi32, #tpu.memory_space<hbm>> -> memref<512xi32, #tpu.memory_space<hbm>>
      tpu.enqueue_dma source(%dma_start3A_101 : memref<512xi32, #tpu.memory_space<hbm>>) target(%dma_start3A_100 : memref<512xi32, #tpu.memory_space<vmem>>) target_semaphore(%run_scoped3A : memref<!tpu.dma_semaphore, #tpu.memory_space<semaphore_mem>>)
      %dma_wait3A_102 = arith.constant 0 : i32
      %dma_wait3A_103 = tpu.memref_slice %arg10[%dma_wait3A_102] : memref<1536xi32, #tpu.memory_space<vmem>> -> memref<512xi32, #tpu.memory_space<vmem>>
      %dma_wait3A_104 = tpu.memref_slice %arg2[%mul3A_4] : memref<16384xi32, #tpu.memory_space<hbm>> -> memref<512xi32, #tpu.memory_space<hbm>>
      %dma_wait3A_105 = arith.constant 0 : i32
      %dma_wait3A_106 = tpu.memref_slice %arg10[%dma_wait3A_105] : memref<1536xi32, #tpu.memory_space<vmem>> -> memref<512xi32, #tpu.memory_space<vmem>>
      %dma_wait3A_107 = tpu.memref_slice %arg2[%mul3A_4] : memref<16384xi32, #tpu.memory_space<hbm>> -> memref<512xi32, #tpu.memory_space<hbm>>
      tpu.wait_dma2 semaphore(%run_scoped3A : memref<!tpu.dma_semaphore, #tpu.memory_space<semaphore_mem>>) src(%dma_wait3A_107 : memref<512xi32, #tpu.memory_space<hbm>>) dst(%dma_wait3A_106 : memref<512xi32, #tpu.memory_space<vmem>>)
      tpu.yield
    }) : () -> ()
    %mul3A_5 = arith.constant 512 : i32
    %mul3A_6 = arith.muli %add3A, %mul3A_5 : i32
    "tpu.region"() ({
      %run_scoped3A = tpu.sem_alloc : memref<!tpu.dma_semaphore, #tpu.memory_space<semaphore_mem>>
      %dma_start3A = arith.constant 512 : i32
      %dma_start3A_97 = tpu.memref_slice %arg10[%dma_start3A] : memref<1536xi32, #tpu.memory_space<vmem>> -> memref<512xi32, #tpu.memory_space<vmem>>
      %dma_start3A_98 = tpu.memref_slice %arg3[%mul3A_6] : memref<16384xi32, #tpu.memory_space<hbm>> -> memref<512xi32, #tpu.memory_space<hbm>>
      %dma_start3A_99 = arith.constant 512 : i32
      %dma_start3A_100 = tpu.memref_slice %arg10[%dma_start3A_99] : memref<1536xi32, #tpu.memory_space<vmem>> -> memref<512xi32, #tpu.memory_space<vmem>>
      %dma_start3A_101 = tpu.memref_slice %arg3[%mul3A_6] : memref<16384xi32, #tpu.memory_space<hbm>> -> memref<512xi32, #tpu.memory_space<hbm>>
      tpu.enqueue_dma source(%dma_start3A_101 : memref<512xi32, #tpu.memory_space<hbm>>) target(%dma_start3A_100 : memref<512xi32, #tpu.memory_space<vmem>>) target_semaphore(%run_scoped3A : memref<!tpu.dma_semaphore, #tpu.memory_space<semaphore_mem>>)
      %dma_wait3A_102 = arith.constant 512 : i32
      %dma_wait3A_103 = tpu.memref_slice %arg10[%dma_wait3A_102] : memref<1536xi32, #tpu.memory_space<vmem>> -> memref<512xi32, #tpu.memory_space<vmem>>
      %dma_wait3A_104 = tpu.memref_slice %arg3[%mul3A_6] : memref<16384xi32, #tpu.memory_space<hbm>> -> memref<512xi32, #tpu.memory_space<hbm>>
      %dma_wait3A_105 = arith.constant 512 : i32
      %dma_wait3A_106 = tpu.memref_slice %arg10[%dma_wait3A_105] : memref<1536xi32, #tpu.memory_space<vmem>> -> memref<512xi32, #tpu.memory_space<vmem>>
      %dma_wait3A_107 = tpu.memref_slice %arg3[%mul3A_6] : memref<16384xi32, #tpu.memory_space<hbm>> -> memref<512xi32, #tpu.memory_space<hbm>>
      tpu.wait_dma2 semaphore(%run_scoped3A : memref<!tpu.dma_semaphore, #tpu.memory_space<semaphore_mem>>) src(%dma_wait3A_107 : memref<512xi32, #tpu.memory_space<hbm>>) dst(%dma_wait3A_106 : memref<512xi32, #tpu.memory_space<vmem>>)
      tpu.yield
    }) : () -> ()
    %mul3A_7 = arith.constant 512 : i32
    %mul3A_8 = arith.muli %add3A, %mul3A_7 : i32
    "tpu.region"() ({
      %run_scoped3A = tpu.sem_alloc : memref<!tpu.dma_semaphore, #tpu.memory_space<semaphore_mem>>
      %dma_start3A = arith.constant 1024 : i32
      %dma_start3A_97 = tpu.memref_slice %arg10[%dma_start3A] : memref<1536xi32, #tpu.memory_space<vmem>> -> memref<512xi32, #tpu.memory_space<vmem>>
      %dma_start3A_98 = tpu.memref_slice %arg4[%mul3A_8] : memref<16384xi32, #tpu.memory_space<hbm>> -> memref<512xi32, #tpu.memory_space<hbm>>
      %dma_start3A_99 = arith.constant 1024 : i32
      %dma_start3A_100 = tpu.memref_slice %arg10[%dma_start3A_99] : memref<1536xi32, #tpu.memory_space<vmem>> -> memref<512xi32, #tpu.memory_space<vmem>>
      %dma_start3A_101 = tpu.memref_slice %arg4[%mul3A_8] : memref<16384xi32, #tpu.memory_space<hbm>> -> memref<512xi32, #tpu.memory_space<hbm>>
      tpu.enqueue_dma source(%dma_start3A_101 : memref<512xi32, #tpu.memory_space<hbm>>) target(%dma_start3A_100 : memref<512xi32, #tpu.memory_space<vmem>>) target_semaphore(%run_scoped3A : memref<!tpu.dma_semaphore, #tpu.memory_space<semaphore_mem>>)
      %dma_wait3A_102 = arith.constant 1024 : i32
      %dma_wait3A_103 = tpu.memref_slice %arg10[%dma_wait3A_102] : memref<1536xi32, #tpu.memory_space<vmem>> -> memref<512xi32, #tpu.memory_space<vmem>>
      %dma_wait3A_104 = tpu.memref_slice %arg4[%mul3A_8] : memref<16384xi32, #tpu.memory_space<hbm>> -> memref<512xi32, #tpu.memory_space<hbm>>
      %dma_wait3A_105 = arith.constant 1024 : i32
      %dma_wait3A_106 = tpu.memref_slice %arg10[%dma_wait3A_105] : memref<1536xi32, #tpu.memory_space<vmem>> -> memref<512xi32, #tpu.memory_space<vmem>>
      %dma_wait3A_107 = tpu.memref_slice %arg4[%mul3A_8] : memref<16384xi32, #tpu.memory_space<hbm>> -> memref<512xi32, #tpu.memory_space<hbm>>
      tpu.wait_dma2 semaphore(%run_scoped3A : memref<!tpu.dma_semaphore, #tpu.memory_space<semaphore_mem>>) src(%dma_wait3A_107 : memref<512xi32, #tpu.memory_space<hbm>>) dst(%dma_wait3A_106 : memref<512xi32, #tpu.memory_space<vmem>>)
      tpu.yield
    }) : () -> ()
    %scan3A = arith.constant 0 : i32
    %scan3A_9 = arith.constant 0 : i32
    %scan3A_10 = arith.constant 16 : i32
    %scan3A_11 = arith.addi %scan3A_9, %scan3A_10 : i32
    %scan3A_12 = arith.constant 1 : i32
    %scan3A_13 = scf.for %scan3A_97 = %scan3A_9 to %scan3A_11 step %scan3A_12 iter_args(%scan3A_98 = %scan3A) -> (i32)  : i32 {
      %mul3A_99 = arith.constant 16 : i32
      %mul3A_100 = arith.muli %scan3A_97, %mul3A_99 : i32
      %add3A_101 = arith.constant 0 : i32
      %add3A_102 = arith.addi %add3A_101, %mul3A_100 : i32
      %get3A = arith.index_cast %add3A_102 : i32 to index
      %get3A_103 = tpu.vector_load %arg10[%get3A] {strides = array<i32>} : memref<1536xi32, #tpu.memory_space<vmem>>, vector<16xi32>,
      %get3A_104 = vector.shape_cast %get3A_103 : vector<16xi32> to vector<16xi32>
      %slice3A = vector.extract_strided_slice %get3A_104 {offsets = [0], sizes = [1], strides = [1]} : vector<16xi32> to vector<1xi32>
      %squeeze3A = vector.extract %slice3A[0] : i32 from vector<1xi32>
      %mul3A_105 = arith.constant 16 : i32
      %mul3A_106 = arith.muli %scan3A_97, %mul3A_105 : i32
      %add3A_107 = arith.constant 0 : i32
      %add3A_108 = arith.addi %mul3A_106, %add3A_107 : i32
      %dma_start3A = arith.constant 0 : i32
      %dma_start3A_109 = tpu.memref_slice %arg11[%add3A_108, %dma_start3A] : memref<256x64xf32, #tpu.memory_space<vmem>> -> memref<1x64xf32, #tpu.memory_space<vmem>>
      %dma_start3A_110 = arith.constant 0 : i32
      %dma_start3A_111 = tpu.memref_slice %arg5[%squeeze3A, %dma_start3A_110] : memref<1000000x64xf32, #tpu.memory_space<hbm>> -> memref<1x64xf32, #tpu.memory_space<hbm>>
      %dma_start3A_112 = arith.constant 0 : i32
      %dma_start3A_113 = tpu.memref_slice %arg11[%add3A_108, %dma_start3A_112] : memref<256x64xf32, #tpu.memory_space<vmem>> -> memref<1x64xf32, #tpu.memory_space<vmem>>
      %dma_start3A_114 = arith.constant 0 : i32
      %dma_start3A_115 = tpu.memref_slice %arg5[%squeeze3A, %dma_start3A_114] : memref<1000000x64xf32, #tpu.memory_space<hbm>> -> memref<1x64xf32, #tpu.memory_space<hbm>>
      tpu.enqueue_dma source(%dma_start3A_115 : memref<1x64xf32, #tpu.memory_space<hbm>>) target(%dma_start3A_113 : memref<1x64xf32, #tpu.memory_space<vmem>>) target_semaphore(%arg14 : memref<!tpu.dma_semaphore, #tpu.memory_space<semaphore_mem>>)
      %slice3A_116 = vector.extract_strided_slice %get3A_104 {offsets = [1], sizes = [1], strides = [1]} : vector<16xi32> to vector<1xi32>
      %squeeze3A_117 = vector.extract %slice3A_116[0] : i32 from vector<1xi32>
      %mul3A_118 = arith.constant 16 : i32
      %mul3A_119 = arith.muli %scan3A_97, %mul3A_118 : i32
      %add3A_120 = arith.constant 1 : i32
      %add3A_121 = arith.addi %mul3A_119, %add3A_120 : i32
      %dma_start3A_122 = arith.constant 0 : i32
      %dma_start3A_123 = tpu.memref_slice %arg11[%add3A_121, %dma_start3A_122] : memref<256x64xf32, #tpu.memory_space<vmem>> -> memref<1x64xf32, #tpu.memory_space<vmem>>
      %dma_start3A_124 = arith.constant 0 : i32
      %dma_start3A_125 = tpu.memref_slice %arg5[%squeeze3A_117, %dma_start3A_124] : memref<1000000x64xf32, #tpu.memory_space<hbm>> -> memref<1x64xf32, #tpu.memory_space<hbm>>
      %dma_start3A_126 = arith.constant 0 : i32
      %dma_start3A_127 = tpu.memref_slice %arg11[%add3A_121, %dma_start3A_126] : memref<256x64xf32, #tpu.memory_space<vmem>> -> memref<1x64xf32, #tpu.memory_space<vmem>>
      %dma_start3A_128 = arith.constant 0 : i32
      %dma_start3A_129 = tpu.memref_slice %arg5[%squeeze3A_117, %dma_start3A_128] : memref<1000000x64xf32, #tpu.memory_space<hbm>> -> memref<1x64xf32, #tpu.memory_space<hbm>>
      tpu.enqueue_dma source(%dma_start3A_129 : memref<1x64xf32, #tpu.memory_space<hbm>>) target(%dma_start3A_127 : memref<1x64xf32, #tpu.memory_space<vmem>>) target_semaphore(%arg14 : memref<!tpu.dma_semaphore, #tpu.memory_space<semaphore_mem>>)
      %slice3A_130 = vector.extract_strided_slice %get3A_104 {offsets = [2], sizes = [1], strides = [1]} : vector<16xi32> to vector<1xi32>
      %squeeze3A_131 = vector.extract %slice3A_130[0] : i32 from vector<1xi32>
      %mul3A_132 = arith.constant 16 : i32
      %mul3A_133 = arith.muli %scan3A_97, %mul3A_132 : i32
      %add3A_134 = arith.constant 2 : i32
      %add3A_135 = arith.addi %mul3A_133, %add3A_134 : i32
      %dma_start3A_136 = arith.constant 0 : i32
      %dma_start3A_137 = tpu.memref_slice %arg11[%add3A_135, %dma_start3A_136] : memref<256x64xf32, #tpu.memory_space<vmem>> -> memref<1x64xf32, #tpu.memory_space<vmem>>
      %dma_start3A_138 = arith.constant 0 : i32
      %dma_start3A_139 = tpu.memref_slice %arg5[%squeeze3A_131, %dma_start3A_138] : memref<1000000x64xf32, #tpu.memory_space<hbm>> -> memref<1x64xf32, #tpu.memory_space<hbm>>
      %dma_start3A_140 = arith.constant 0 : i32
      %dma_start3A_141 = tpu.memref_slice %arg11[%add3A_135, %dma_start3A_140] : memref<256x64xf32, #tpu.memory_space<vmem>> -> memref<1x64xf32, #tpu.memory_space<vmem>>
      %dma_start3A_142 = arith.constant 0 : i32
      %dma_start3A_143 = tpu.memref_slice %arg5[%squeeze3A_131, %dma_start3A_142] : memref<1000000x64xf32, #tpu.memory_space<hbm>> -> memref<1x64xf32, #tpu.memory_space<hbm>>
      tpu.enqueue_dma source(%dma_start3A_143 : memref<1x64xf32, #tpu.memory_space<hbm>>) target(%dma_start3A_141 : memref<1x64xf32, #tpu.memory_space<vmem>>) target_semaphore(%arg14 : memref<!tpu.dma_semaphore, #tpu.memory_space<semaphore_mem>>)
      %slice3A_144 = vector.extract_strided_slice %get3A_104 {offsets = [3], sizes = [1], strides = [1]} : vector<16xi32> to vector<1xi32>
      %squeeze3A_145 = vector.extract %slice3A_144[0] : i32 from vector<1xi32>
      %mul3A_146 = arith.constant 16 : i32
      %mul3A_147 = arith.muli %scan3A_97, %mul3A_146 : i32
      %add3A_148 = arith.constant 3 : i32
      %add3A_149 = arith.addi %mul3A_147, %add3A_148 : i32
      %dma_start3A_150 = arith.constant 0 : i32
      %dma_start3A_151 = tpu.memref_slice %arg11[%add3A_149, %dma_start3A_150] : memref<256x64xf32, #tpu.memory_space<vmem>> -> memref<1x64xf32, #tpu.memory_space<vmem>>
      %dma_start3A_152 = arith.constant 0 : i32
      %dma_start3A_153 = tpu.memref_slice %arg5[%squeeze3A_145, %dma_start3A_152] : memref<1000000x64xf32, #tpu.memory_space<hbm>> -> memref<1x64xf32, #tpu.memory_space<hbm>>
      %dma_start3A_154 = arith.constant 0 : i32
      %dma_start3A_155 = tpu.memref_slice %arg11[%add3A_149, %dma_start3A_154] : memref<256x64xf32, #tpu.memory_space<vmem>> -> memref<1x64xf32, #tpu.memory_space<vmem>>
      %dma_start3A_156 = arith.constant 0 : i32
      %dma_start3A_157 = tpu.memref_slice %arg5[%squeeze3A_145, %dma_start3A_156] : memref<1000000x64xf32, #tpu.memory_space<hbm>> -> memref<1x64xf32, #tpu.memory_space<hbm>>
      tpu.enqueue_dma source(%dma_start3A_157 : memref<1x64xf32, #tpu.memory_space<hbm>>) target(%dma_start3A_155 : memref<1x64xf32, #tpu.memory_space<vmem>>) target_semaphore(%arg14 : memref<!tpu.dma_semaphore, #tpu.memory_space<semaphore_mem>>)
      %slice3A_158 = vector.extract_strided_slice %get3A_104 {offsets = [4], sizes = [1], strides = [1]} : vector<16xi32> to vector<1xi32>
      %squeeze3A_159 = vector.extract %slice3A_158[0] : i32 from vector<1xi32>
      %mul3A_160 = arith.constant 16 : i32
      %mul3A_161 = arith.muli %scan3A_97, %mul3A_160 : i32
      %add3A_162 = arith.constant 4 : i32
      %add3A_163 = arith.addi %mul3A_161, %add3A_162 : i32
      %dma_start3A_164 = arith.constant 0 : i32
      %dma_start3A_165 = tpu.memref_slice %arg11[%add3A_163, %dma_start3A_164] : memref<256x64xf32, #tpu.memory_space<vmem>> -> memref<1x64xf32, #tpu.memory_space<vmem>>
      %dma_start3A_166 = arith.constant 0 : i32
      %dma_start3A_167 = tpu.memref_slice %arg5[%squeeze3A_159, %dma_start3A_166] : memref<1000000x64xf32, #tpu.memory_space<hbm>> -> memref<1x64xf32, #tpu.memory_space<hbm>>
      %dma_start3A_168 = arith.constant 0 : i32
      %dma_start3A_169 = tpu.memref_slice %arg11[%add3A_163, %dma_start3A_168] : memref<256x64xf32, #tpu.memory_space<vmem>> -> memref<1x64xf32, #tpu.memory_space<vmem>>
      %dma_start3A_170 = arith.constant 0 : i32
      %dma_start3A_171 = tpu.memref_slice %arg5[%squeeze3A_159, %dma_start3A_170] : memref<1000000x64xf32, #tpu.memory_space<hbm>> -> memref<1x64xf32, #tpu.memory_space<hbm>>
      tpu.enqueue_dma source(%dma_start3A_171 : memref<1x64xf32, #tpu.memory_space<hbm>>) target(%dma_start3A_169 : memref<1x64xf32, #tpu.memory_space<vmem>>) target_semaphore(%arg14 : memref<!tpu.dma_semaphore, #tpu.memory_space<semaphore_mem>>)
      %slice3A_172 = vector.extract_strided_slice %get3A_104 {offsets = [5], sizes = [1], strides = [1]} : vector<16xi32> to vector<1xi32>
      %squeeze3A_173 = vector.extract %slice3A_172[0] : i32 from vector<1xi32>
      %mul3A_174 = arith.constant 16 : i32
      %mul3A_175 = arith.muli %scan3A_97, %mul3A_174 : i32
      %add3A_176 = arith.constant 5 : i32
      %add3A_177 = arith.addi %mul3A_175, %add3A_176 : i32
      %dma_start3A_178 = arith.constant 0 : i32
      %dma_start3A_179 = tpu.memref_slice %arg11[%add3A_177, %dma_start3A_178] : memref<256x64xf32, #tpu.memory_space<vmem>> -> memref<1x64xf32, #tpu.memory_space<vmem>>
      %dma_start3A_180 = arith.constant 0 : i32
      %dma_start3A_181 = tpu.memref_slice %arg5[%squeeze3A_173, %dma_start3A_180] : memref<1000000x64xf32, #tpu.memory_space<hbm>> -> memref<1x64xf32, #tpu.memory_space<hbm>>
      %dma_start3A_182 = arith.constant 0 : i32
      %dma_start3A_183 = tpu.memref_slice %arg11[%add3A_177, %dma_start3A_182] : memref<256x64xf32, #tpu.memory_space<vmem>> -> memref<1x64xf32, #tpu.memory_space<vmem>>
      %dma_start3A_184 = arith.constant 0 : i32
      %dma_start3A_185 = tpu.memref_slice %arg5[%squeeze3A_173, %dma_start3A_184] : memref<1000000x64xf32, #tpu.memory_space<hbm>> -> memref<1x64xf32, #tpu.memory_space<hbm>>
      tpu.enqueue_dma source(%dma_start3A_185 : memref<1x64xf32, #tpu.memory_space<hbm>>) target(%dma_start3A_183 : memref<1x64xf32, #tpu.memory_space<vmem>>) target_semaphore(%arg14 : memref<!tpu.dma_semaphore, #tpu.memory_space<semaphore_mem>>)
      %slice3A_186 = vector.extract_strided_slice %get3A_104 {offsets = [6], sizes = [1], strides = [1]} : vector<16xi32> to vector<1xi32>
      %squeeze3A_187 = vector.extract %slice3A_186[0] : i32 from vector<1xi32>
      %mul3A_188 = arith.constant 16 : i32
      %mul3A_189 = arith.muli %scan3A_97, %mul3A_188 : i32
      %add3A_190 = arith.constant 6 : i32
      %add3A_191 = arith.addi %mul3A_189, %add3A_190 : i32
      %dma_start3A_192 = arith.constant 0 : i32
      %dma_start3A_193 = tpu.memref_slice %arg11[%add3A_191, %dma_start3A_192] : memref<256x64xf32, #tpu.memory_space<vmem>> -> memref<1x64xf32, #tpu.memory_space<vmem>>
      %dma_start3A_194 = arith.constant 0 : i32
      %dma_start3A_195 = tpu.memref_slice %arg5[%squeeze3A_187, %dma_start3A_194] : memref<1000000x64xf32, #tpu.memory_space<hbm>> -> memref<1x64xf32, #tpu.memory_space<hbm>>
      %dma_start3A_196 = arith.constant 0 : i32
      %dma_start3A_197 = tpu.memref_slice %arg11[%add3A_191, %dma_start3A_196] : memref<256x64xf32, #tpu.memory_space<vmem>> -> memref<1x64xf32, #tpu.memory_space<vmem>>
      %dma_start3A_198 = arith.constant 0 : i32
      %dma_start3A_199 = tpu.memref_slice %arg5[%squeeze3A_187, %dma_start3A_198] : memref<1000000x64xf32, #tpu.memory_space<hbm>> -> memref<1x64xf32, #tpu.memory_space<hbm>>
      tpu.enqueue_dma source(%dma_start3A_199 : memref<1x64xf32, #tpu.memory_space<hbm>>) target(%dma_start3A_197 : memref<1x64xf32, #tpu.memory_space<vmem>>) target_semaphore(%arg14 : memref<!tpu.dma_semaphore, #tpu.memory_space<semaphore_mem>>)
      %slice3A_200 = vector.extract_strided_slice %get3A_104 {offsets = [7], sizes = [1], strides = [1]} : vector<16xi32> to vector<1xi32>
      %squeeze3A_201 = vector.extract %slice3A_200[0] : i32 from vector<1xi32>
      %mul3A_202 = arith.constant 16 : i32
      %mul3A_203 = arith.muli %scan3A_97, %mul3A_202 : i32
      %add3A_204 = arith.constant 7 : i32
      %add3A_205 = arith.addi %mul3A_203, %add3A_204 : i32
      %dma_start3A_206 = arith.constant 0 : i32
      %dma_start3A_207 = tpu.memref_slice %arg11[%add3A_205, %dma_start3A_206] : memref<256x64xf32, #tpu.memory_space<vmem>> -> memref<1x64xf32, #tpu.memory_space<vmem>>
      %dma_start3A_208 = arith.constant 0 : i32
      %dma_start3A_209 = tpu.memref_slice %arg5[%squeeze3A_201, %dma_start3A_208] : memref<1000000x64xf32, #tpu.memory_space<hbm>> -> memref<1x64xf32, #tpu.memory_space<hbm>>
      %dma_start3A_210 = arith.constant 0 : i32
      %dma_start3A_211 = tpu.memref_slice %arg11[%add3A_205, %dma_start3A_210] : memref<256x64xf32, #tpu.memory_space<vmem>> -> memref<1x64xf32, #tpu.memory_space<vmem>>
      %dma_start3A_212 = arith.constant 0 : i32
      %dma_start3A_213 = tpu.memref_slice %arg5[%squeeze3A_201, %dma_start3A_212] : memref<1000000x64xf32, #tpu.memory_space<hbm>> -> memref<1x64xf32, #tpu.memory_space<hbm>>
      tpu.enqueue_dma source(%dma_start3A_213 : memref<1x64xf32, #tpu.memory_space<hbm>>) target(%dma_start3A_211 : memref<1x64xf32, #tpu.memory_space<vmem>>) target_semaphore(%arg14 : memref<!tpu.dma_semaphore, #tpu.memory_space<semaphore_mem>>)
      %slice3A_214 = vector.extract_strided_slice %get3A_104 {offsets = [8], sizes = [1], strides = [1]} : vector<16xi32> to vector<1xi32>
      %squeeze3A_215 = vector.extract %slice3A_214[0] : i32 from vector<1xi32>
      %mul3A_216 = arith.constant 16 : i32
      %mul3A_217 = arith.muli %scan3A_97, %mul3A_216 : i32
      %add3A_218 = arith.constant 8 : i32
      %add3A_219 = arith.addi %mul3A_217, %add3A_218 : i32
      %dma_start3A_220 = arith.constant 0 : i32
      %dma_start3A_221 = tpu.memref_slice %arg11[%add3A_219, %dma_start3A_220] : memref<256x64xf32, #tpu.memory_space<vmem>> -> memref<1x64xf32, #tpu.memory_space<vmem>>
      %dma_start3A_222 = arith.constant 0 : i32
      %dma_start3A_223 = tpu.memref_slice %arg5[%squeeze3A_215, %dma_start3A_222] : memref<1000000x64xf32, #tpu.memory_space<hbm>> -> memref<1x64xf32, #tpu.memory_space<hbm>>
      %dma_start3A_224 = arith.constant 0 : i32
      %dma_start3A_225 = tpu.memref_slice %arg11[%add3A_219, %dma_start3A_224] : memref<256x64xf32, #tpu.memory_space<vmem>> -> memref<1x64xf32, #tpu.memory_space<vmem>>
      %dma_start3A_226 = arith.constant 0 : i32
      %dma_start3A_227 = tpu.memref_slice %arg5[%squeeze3A_215, %dma_start3A_226] : memref<1000000x64xf32, #tpu.memory_space<hbm>> -> memref<1x64xf32, #tpu.memory_space<hbm>>
      tpu.enqueue_dma source(%dma_start3A_227 : memref<1x64xf32, #tpu.memory_space<hbm>>) target(%dma_start3A_225 : memref<1x64xf32, #tpu.memory_space<vmem>>) target_semaphore(%arg14 : memref<!tpu.dma_semaphore, #tpu.memory_space<semaphore_mem>>)
      %slice3A_228 = vector.extract_strided_slice %get3A_104 {offsets = [9], sizes = [1], strides = [1]} : vector<16xi32> to vector<1xi32>
      %squeeze3A_229 = vector.extract %slice3A_228[0] : i32 from vector<1xi32>
      %mul3A_230 = arith.constant 16 : i32
      %mul3A_231 = arith.muli %scan3A_97, %mul3A_230 : i32
      %add3A_232 = arith.constant 9 : i32
      %add3A_233 = arith.addi %mul3A_231, %add3A_232 : i32
      %dma_start3A_234 = arith.constant 0 : i32
      %dma_start3A_235 = tpu.memref_slice %arg11[%add3A_233, %dma_start3A_234] : memref<256x64xf32, #tpu.memory_space<vmem>> -> memref<1x64xf32, #tpu.memory_space<vmem>>
      %dma_start3A_236 = arith.constant 0 : i32
      %dma_start3A_237 = tpu.memref_slice %arg5[%squeeze3A_229, %dma_start3A_236] : memref<1000000x64xf32, #tpu.memory_space<hbm>> -> memref<1x64xf32, #tpu.memory_space<hbm>>
      %dma_start3A_238 = arith.constant 0 : i32
      %dma_start3A_239 = tpu.memref_slice %arg11[%add3A_233, %dma_start3A_238] : memref<256x64xf32, #tpu.memory_space<vmem>> -> memref<1x64xf32, #tpu.memory_space<vmem>>
      %dma_start3A_240 = arith.constant 0 : i32
      %dma_start3A_241 = tpu.memref_slice %arg5[%squeeze3A_229, %dma_start3A_240] : memref<1000000x64xf32, #tpu.memory_space<hbm>> -> memref<1x64xf32, #tpu.memory_space<hbm>>
      tpu.enqueue_dma source(%dma_start3A_241 : memref<1x64xf32, #tpu.memory_space<hbm>>) target(%dma_start3A_239 : memref<1x64xf32, #tpu.memory_space<vmem>>) target_semaphore(%arg14 : memref<!tpu.dma_semaphore, #tpu.memory_space<semaphore_mem>>)
      %slice3A_242 = vector.extract_strided_slice %get3A_104 {offsets = [10], sizes = [1], strides = [1]} : vector<16xi32> to vector<1xi32>
      %squeeze3A_243 = vector.extract %slice3A_242[0] : i32 from vector<1xi32>
      %mul3A_244 = arith.constant 16 : i32
      %mul3A_245 = arith.muli %scan3A_97, %mul3A_244 : i32
      %add3A_246 = arith.constant 10 : i32
      %add3A_247 = arith.addi %mul3A_245, %add3A_246 : i32
      %dma_start3A_248 = arith.constant 0 : i32
      %dma_start3A_249 = tpu.memref_slice %arg11[%add3A_247, %dma_start3A_248] : memref<256x64xf32, #tpu.memory_space<vmem>> -> memref<1x64xf32, #tpu.memory_space<vmem>>
      %dma_start3A_250 = arith.constant 0 : i32
      %dma_start3A_251 = tpu.memref_slice %arg5[%squeeze3A_243, %dma_start3A_250] : memref<1000000x64xf32, #tpu.memory_space<hbm>> -> memref<1x64xf32, #tpu.memory_space<hbm>>
      %dma_start3A_252 = arith.constant 0 : i32
      %dma_start3A_253 = tpu.memref_slice %arg11[%add3A_247, %dma_start3A_252] : memref<256x64xf32, #tpu.memory_space<vmem>> -> memref<1x64xf32, #tpu.memory_space<vmem>>
      %dma_start3A_254 = arith.constant 0 : i32
      %dma_start3A_255 = tpu.memref_slice %arg5[%squeeze3A_243, %dma_start3A_254] : memref<1000000x64xf32, #tpu.memory_space<hbm>> -> memref<1x64xf32, #tpu.memory_space<hbm>>
      tpu.enqueue_dma source(%dma_start3A_255 : memref<1x64xf32, #tpu.memory_space<hbm>>) target(%dma_start3A_253 : memref<1x64xf32, #tpu.memory_space<vmem>>) target_semaphore(%arg14 : memref<!tpu.dma_semaphore, #tpu.memory_space<semaphore_mem>>)
      %slice3A_256 = vector.extract_strided_slice %get3A_104 {offsets = [11], sizes = [1], strides = [1]} : vector<16xi32> to vector<1xi32>
      %squeeze3A_257 = vector.extract %slice3A_256[0] : i32 from vector<1xi32>
      %mul3A_258 = arith.constant 16 : i32
      %mul3A_259 = arith.muli %scan3A_97, %mul3A_258 : i32
      %add3A_260 = arith.constant 11 : i32
      %add3A_261 = arith.addi %mul3A_259, %add3A_260 : i32
      %dma_start3A_262 = arith.constant 0 : i32
      %dma_start3A_263 = tpu.memref_slice %arg11[%add3A_261, %dma_start3A_262] : memref<256x64xf32, #tpu.memory_space<vmem>> -> memref<1x64xf32, #tpu.memory_space<vmem>>
      %dma_start3A_264 = arith.constant 0 : i32
      %dma_start3A_265 = tpu.memref_slice %arg5[%squeeze3A_257, %dma_start3A_264] : memref<1000000x64xf32, #tpu.memory_space<hbm>> -> memref<1x64xf32, #tpu.memory_space<hbm>>
      %dma_start3A_266 = arith.constant 0 : i32
      %dma_start3A_267 = tpu.memref_slice %arg11[%add3A_261, %dma_start3A_266] : memref<256x64xf32, #tpu.memory_space<vmem>> -> memref<1x64xf32, #tpu.memory_space<vmem>>
      %dma_start3A_268 = arith.constant 0 : i32
      %dma_start3A_269 = tpu.memref_slice %arg5[%squeeze3A_257, %dma_start3A_268] : memref<1000000x64xf32, #tpu.memory_space<hbm>> -> memref<1x64xf32, #tpu.memory_space<hbm>>
      tpu.enqueue_dma source(%dma_start3A_269 : memref<1x64xf32, #tpu.memory_space<hbm>>) target(%dma_start3A_267 : memref<1x64xf32, #tpu.memory_space<vmem>>) target_semaphore(%arg14 : memref<!tpu.dma_semaphore, #tpu.memory_space<semaphore_mem>>)
      %slice3A_270 = vector.extract_strided_slice %get3A_104 {offsets = [12], sizes = [1], strides = [1]} : vector<16xi32> to vector<1xi32>
      %squeeze3A_271 = vector.extract %slice3A_270[0] : i32 from vector<1xi32>
      %mul3A_272 = arith.constant 16 : i32
      %mul3A_273 = arith.muli %scan3A_97, %mul3A_272 : i32
      %add3A_274 = arith.constant 12 : i32
      %add3A_275 = arith.addi %mul3A_273, %add3A_274 : i32
      %dma_start3A_276 = arith.constant 0 : i32
      %dma_start3A_277 = tpu.memref_slice %arg11[%add3A_275, %dma_start3A_276] : memref<256x64xf32, #tpu.memory_space<vmem>> -> memref<1x64xf32, #tpu.memory_space<vmem>>
      %dma_start3A_278 = arith.constant 0 : i32
      %dma_start3A_279 = tpu.memref_slice %arg5[%squeeze3A_271, %dma_start3A_278] : memref<1000000x64xf32, #tpu.memory_space<hbm>> -> memref<1x64xf32, #tpu.memory_space<hbm>>
      %dma_start3A_280 = arith.constant 0 : i32
      %dma_start3A_281 = tpu.memref_slice %arg11[%add3A_275, %dma_start3A_280] : memref<256x64xf32, #tpu.memory_space<vmem>> -> memref<1x64xf32, #tpu.memory_space<vmem>>
      %dma_start3A_282 = arith.constant 0 : i32
      %dma_start3A_283 = tpu.memref_slice %arg5[%squeeze3A_271, %dma_start3A_282] : memref<1000000x64xf32, #tpu.memory_space<hbm>> -> memref<1x64xf32, #tpu.memory_space<hbm>>
      tpu.enqueue_dma source(%dma_start3A_283 : memref<1x64xf32, #tpu.memory_space<hbm>>) target(%dma_start3A_281 : memref<1x64xf32, #tpu.memory_space<vmem>>) target_semaphore(%arg14 : memref<!tpu.dma_semaphore, #tpu.memory_space<semaphore_mem>>)
      %slice3A_284 = vector.extract_strided_slice %get3A_104 {offsets = [13], sizes = [1], strides = [1]} : vector<16xi32> to vector<1xi32>
      %squeeze3A_285 = vector.extract %slice3A_284[0] : i32 from vector<1xi32>
      %mul3A_286 = arith.constant 16 : i32
      %mul3A_287 = arith.muli %scan3A_97, %mul3A_286 : i32
      %add3A_288 = arith.constant 13 : i32
      %add3A_289 = arith.addi %mul3A_287, %add3A_288 : i32
      %dma_start3A_290 = arith.constant 0 : i32
      %dma_start3A_291 = tpu.memref_slice %arg11[%add3A_289, %dma_start3A_290] : memref<256x64xf32, #tpu.memory_space<vmem>> -> memref<1x64xf32, #tpu.memory_space<vmem>>
      %dma_start3A_292 = arith.constant 0 : i32
      %dma_start3A_293 = tpu.memref_slice %arg5[%squeeze3A_285, %dma_start3A_292] : memref<1000000x64xf32, #tpu.memory_space<hbm>> -> memref<1x64xf32, #tpu.memory_space<hbm>>
      %dma_start3A_294 = arith.constant 0 : i32
      %dma_start3A_295 = tpu.memref_slice %arg11[%add3A_289, %dma_start3A_294] : memref<256x64xf32, #tpu.memory_space<vmem>> -> memref<1x64xf32, #tpu.memory_space<vmem>>
      %dma_start3A_296 = arith.constant 0 : i32
      %dma_start3A_297 = tpu.memref_slice %arg5[%squeeze3A_285, %dma_start3A_296] : memref<1000000x64xf32, #tpu.memory_space<hbm>> -> memref<1x64xf32, #tpu.memory_space<hbm>>
      tpu.enqueue_dma source(%dma_start3A_297 : memref<1x64xf32, #tpu.memory_space<hbm>>) target(%dma_start3A_295 : memref<1x64xf32, #tpu.memory_space<vmem>>) target_semaphore(%arg14 : memref<!tpu.dma_semaphore, #tpu.memory_space<semaphore_mem>>)
      %slice3A_298 = vector.extract_strided_slice %get3A_104 {offsets = [14], sizes = [1], strides = [1]} : vector<16xi32> to vector<1xi32>
      %squeeze3A_299 = vector.extract %slice3A_298[0] : i32 from vector<1xi32>
      %mul3A_300 = arith.constant 16 : i32
      %mul3A_301 = arith.muli %scan3A_97, %mul3A_300 : i32
      %add3A_302 = arith.constant 14 : i32
      %add3A_303 = arith.addi %mul3A_301, %add3A_302 : i32
      %dma_start3A_304 = arith.constant 0 : i32
      %dma_start3A_305 = tpu.memref_slice %arg11[%add3A_303, %dma_start3A_304] : memref<256x64xf32, #tpu.memory_space<vmem>> -> memref<1x64xf32, #tpu.memory_space<vmem>>
      %dma_start3A_306 = arith.constant 0 : i32
      %dma_start3A_307 = tpu.memref_slice %arg5[%squeeze3A_299, %dma_start3A_306] : memref<1000000x64xf32, #tpu.memory_space<hbm>> -> memref<1x64xf32, #tpu.memory_space<hbm>>
      %dma_start3A_308 = arith.constant 0 : i32
      %dma_start3A_309 = tpu.memref_slice %arg11[%add3A_303, %dma_start3A_308] : memref<256x64xf32, #tpu.memory_space<vmem>> -> memref<1x64xf32, #tpu.memory_space<vmem>>
      %dma_start3A_310 = arith.constant 0 : i32
      %dma_start3A_311 = tpu.memref_slice %arg5[%squeeze3A_299, %dma_start3A_310] : memref<1000000x64xf32, #tpu.memory_space<hbm>> -> memref<1x64xf32, #tpu.memory_space<hbm>>
      tpu.enqueue_dma source(%dma_start3A_311 : memref<1x64xf32, #tpu.memory_space<hbm>>) target(%dma_start3A_309 : memref<1x64xf32, #tpu.memory_space<vmem>>) target_semaphore(%arg14 : memref<!tpu.dma_semaphore, #tpu.memory_space<semaphore_mem>>)
      %slice3A_312 = vector.extract_strided_slice %get3A_104 {offsets = [15], sizes = [1], strides = [1]} : vector<16xi32> to vector<1xi32>
      %squeeze3A_313 = vector.extract %slice3A_312[0] : i32 from vector<1xi32>
      %mul3A_314 = arith.constant 16 : i32
      %mul3A_315 = arith.muli %scan3A_97, %mul3A_314 : i32
      %add3A_316 = arith.constant 15 : i32
      %add3A_317 = arith.addi %mul3A_315, %add3A_316 : i32
      %dma_start3A_318 = arith.constant 0 : i32
      %dma_start3A_319 = tpu.memref_slice %arg11[%add3A_317, %dma_start3A_318] : memref<256x64xf32, #tpu.memory_space<vmem>> -> memref<1x64xf32, #tpu.memory_space<vmem>>
      %dma_start3A_320 = arith.constant 0 : i32
      %dma_start3A_321 = tpu.memref_slice %arg5[%squeeze3A_313, %dma_start3A_320] : memref<1000000x64xf32, #tpu.memory_space<hbm>> -> memref<1x64xf32, #tpu.memory_space<hbm>>
      %dma_start3A_322 = arith.constant 0 : i32
      %dma_start3A_323 = tpu.memref_slice %arg11[%add3A_317, %dma_start3A_322] : memref<256x64xf32, #tpu.memory_space<vmem>> -> memref<1x64xf32, #tpu.memory_space<vmem>>
      %dma_start3A_324 = arith.constant 0 : i32
      %dma_start3A_325 = tpu.memref_slice %arg5[%squeeze3A_313, %dma_start3A_324] : memref<1000000x64xf32, #tpu.memory_space<hbm>> -> memref<1x64xf32, #tpu.memory_space<hbm>>
      tpu.enqueue_dma source(%dma_start3A_325 : memref<1x64xf32, #tpu.memory_space<hbm>>) target(%dma_start3A_323 : memref<1x64xf32, #tpu.memory_space<vmem>>) target_semaphore(%arg14 : memref<!tpu.dma_semaphore, #tpu.memory_space<semaphore_mem>>)
      %scan3A_326 = arith.constant 0 : i32
      scf.yield %scan3A_326 : i32
    }
    %scan3A_14 = arith.constant 16 : i32
    %scan3A_15 = arith.constant 0 : i32
    %scan3A_16 = arith.constant 0 : i32
    %scan3A_17 = arith.constant 16 : i32
    %scan3A_18 = arith.addi %scan3A_16, %scan3A_17 : i32
    %scan3A_19 = arith.constant 1 : i32
    %scan3A_20 = scf.for %scan3A_97 = %scan3A_16 to %scan3A_18 step %scan3A_19 iter_args(%scan3A_98 = %scan3A_15) -> (i32)  : i32 {
      %mul3A_99 = arith.constant 16 : i32
      %mul3A_100 = arith.muli %scan3A_97, %mul3A_99 : i32
      %add3A_101 = arith.constant 512 : i32
      %add3A_102 = arith.addi %add3A_101, %mul3A_100 : i32
      %get3A = arith.index_cast %add3A_102 : i32 to index
      %get3A_103 = tpu.vector_load %arg10[%get3A] {strides = array<i32>} : memref<1536xi32, #tpu.memory_space<vmem>>, vector<16xi32>,
      %get3A_104 = vector.shape_cast %get3A_103 : vector<16xi32> to vector<16xi32>
      %slice3A = vector.extract_strided_slice %get3A_104 {offsets = [0], sizes = [1], strides = [1]} : vector<16xi32> to vector<1xi32>
      %squeeze3A = vector.extract %slice3A[0] : i32 from vector<1xi32>
      %mul3A_105 = arith.constant 16 : i32
      %mul3A_106 = arith.muli %scan3A_97, %mul3A_105 : i32
      %add3A_107 = arith.constant 0 : i32
      %add3A_108 = arith.addi %mul3A_106, %add3A_107 : i32
      %dma_start3A = arith.constant 0 : i32
      %dma_start3A_109 = tpu.memref_slice %arg12[%add3A_108, %dma_start3A] : memref<256x64xf32, #tpu.memory_space<vmem>> -> memref<1x64xf32, #tpu.memory_space<vmem>>
      %dma_start3A_110 = arith.constant 0 : i32
      %dma_start3A_111 = tpu.memref_slice %arg5[%squeeze3A, %dma_start3A_110] : memref<1000000x64xf32, #tpu.memory_space<hbm>> -> memref<1x64xf32, #tpu.memory_space<hbm>>
      %dma_start3A_112 = arith.constant 0 : i32
      %dma_start3A_113 = tpu.memref_slice %arg12[%add3A_108, %dma_start3A_112] : memref<256x64xf32, #tpu.memory_space<vmem>> -> memref<1x64xf32, #tpu.memory_space<vmem>>
      %dma_start3A_114 = arith.constant 0 : i32
      %dma_start3A_115 = tpu.memref_slice %arg5[%squeeze3A, %dma_start3A_114] : memref<1000000x64xf32, #tpu.memory_space<hbm>> -> memref<1x64xf32, #tpu.memory_space<hbm>>
      tpu.enqueue_dma source(%dma_start3A_115 : memref<1x64xf32, #tpu.memory_space<hbm>>) target(%dma_start3A_113 : memref<1x64xf32, #tpu.memory_space<vmem>>) target_semaphore(%arg14 : memref<!tpu.dma_semaphore, #tpu.memory_space<semaphore_mem>>)
      %slice3A_116 = vector.extract_strided_slice %get3A_104 {offsets = [1], sizes = [1], strides = [1]} : vector<16xi32> to vector<1xi32>
      %squeeze3A_117 = vector.extract %slice3A_116[0] : i32 from vector<1xi32>
      %mul3A_118 = arith.constant 16 : i32
      %mul3A_119 = arith.muli %scan3A_97, %mul3A_118 : i32
      %add3A_120 = arith.constant 1 : i32
      %add3A_121 = arith.addi %mul3A_119, %add3A_120 : i32
      %dma_start3A_122 = arith.constant 0 : i32
      %dma_start3A_123 = tpu.memref_slice %arg12[%add3A_121, %dma_start3A_122] : memref<256x64xf32, #tpu.memory_space<vmem>> -> memref<1x64xf32, #tpu.memory_space<vmem>>
      %dma_start3A_124 = arith.constant 0 : i32
      %dma_start3A_125 = tpu.memref_slice %arg5[%squeeze3A_117, %dma_start3A_124] : memref<1000000x64xf32, #tpu.memory_space<hbm>> -> memref<1x64xf32, #tpu.memory_space<hbm>>
      %dma_start3A_126 = arith.constant 0 : i32
      %dma_start3A_127 = tpu.memref_slice %arg12[%add3A_121, %dma_start3A_126] : memref<256x64xf32, #tpu.memory_space<vmem>> -> memref<1x64xf32, #tpu.memory_space<vmem>>
      %dma_start3A_128 = arith.constant 0 : i32
      %dma_start3A_129 = tpu.memref_slice %arg5[%squeeze3A_117, %dma_start3A_128] : memref<1000000x64xf32, #tpu.memory_space<hbm>> -> memref<1x64xf32, #tpu.memory_space<hbm>>
      tpu.enqueue_dma source(%dma_start3A_129 : memref<1x64xf32, #tpu.memory_space<hbm>>) target(%dma_start3A_127 : memref<1x64xf32, #tpu.memory_space<vmem>>) target_semaphore(%arg14 : memref<!tpu.dma_semaphore, #tpu.memory_space<semaphore_mem>>)
      %slice3A_130 = vector.extract_strided_slice %get3A_104 {offsets = [2], sizes = [1], strides = [1]} : vector<16xi32> to vector<1xi32>
      %squeeze3A_131 = vector.extract %slice3A_130[0] : i32 from vector<1xi32>
      %mul3A_132 = arith.constant 16 : i32
      %mul3A_133 = arith.muli %scan3A_97, %mul3A_132 : i32
      %add3A_134 = arith.constant 2 : i32
      %add3A_135 = arith.addi %mul3A_133, %add3A_134 : i32
      %dma_start3A_136 = arith.constant 0 : i32
      %dma_start3A_137 = tpu.memref_slice %arg12[%add3A_135, %dma_start3A_136] : memref<256x64xf32, #tpu.memory_space<vmem>> -> memref<1x64xf32, #tpu.memory_space<vmem>>
      %dma_start3A_138 = arith.constant 0 : i32
      %dma_start3A_139 = tpu.memref_slice %arg5[%squeeze3A_131, %dma_start3A_138] : memref<1000000x64xf32, #tpu.memory_space<hbm>> -> memref<1x64xf32, #tpu.memory_space<hbm>>
      %dma_start3A_140 = arith.constant 0 : i32
      %dma_start3A_141 = tpu.memref_slice %arg12[%add3A_135, %dma_start3A_140] : memref<256x64xf32, #tpu.memory_space<vmem>> -> memref<1x64xf32, #tpu.memory_space<vmem>>
      %dma_start3A_142 = arith.constant 0 : i32
      %dma_start3A_143 = tpu.memref_slice %arg5[%squeeze3A_131, %dma_start3A_142] : memref<1000000x64xf32, #tpu.memory_space<hbm>> -> memref<1x64xf32, #tpu.memory_space<hbm>>
      tpu.enqueue_dma source(%dma_start3A_143 : memref<1x64xf32, #tpu.memory_space<hbm>>) target(%dma_start3A_141 : memref<1x64xf32, #tpu.memory_space<vmem>>) target_semaphore(%arg14 : memref<!tpu.dma_semaphore, #tpu.memory_space<semaphore_mem>>)
      %slice3A_144 = vector.extract_strided_slice %get3A_104 {offsets = [3], sizes = [1], strides = [1]} : vector<16xi32> to vector<1xi32>
      %squeeze3A_145 = vector.extract %slice3A_144[0] : i32 from vector<1xi32>
      %mul3A_146 = arith.constant 16 : i32
      %mul3A_147 = arith.muli %scan3A_97, %mul3A_146 : i32
      %add3A_148 = arith.constant 3 : i32
      %add3A_149 = arith.addi %mul3A_147, %add3A_148 : i32
      %dma_start3A_150 = arith.constant 0 : i32
      %dma_start3A_151 = tpu.memref_slice %arg12[%add3A_149, %dma_start3A_150] : memref<256x64xf32, #tpu.memory_space<vmem>> -> memref<1x64xf32, #tpu.memory_space<vmem>>
      %dma_start3A_152 = arith.constant 0 : i32
      %dma_start3A_153 = tpu.memref_slice %arg5[%squeeze3A_145, %dma_start3A_152] : memref<1000000x64xf32, #tpu.memory_space<hbm>> -> memref<1x64xf32, #tpu.memory_space<hbm>>
      %dma_start3A_154 = arith.constant 0 : i32
      %dma_start3A_155 = tpu.memref_slice %arg12[%add3A_149, %dma_start3A_154] : memref<256x64xf32, #tpu.memory_space<vmem>> -> memref<1x64xf32, #tpu.memory_space<vmem>>
      %dma_start3A_156 = arith.constant 0 : i32
      %dma_start3A_157 = tpu.memref_slice %arg5[%squeeze3A_145, %dma_start3A_156] : memref<1000000x64xf32, #tpu.memory_space<hbm>> -> memref<1x64xf32, #tpu.memory_space<hbm>>
      tpu.enqueue_dma source(%dma_start3A_157 : memref<1x64xf32, #tpu.memory_space<hbm>>) target(%dma_start3A_155 : memref<1x64xf32, #tpu.memory_space<vmem>>) target_semaphore(%arg14 : memref<!tpu.dma_semaphore, #tpu.memory_space<semaphore_mem>>)
      %slice3A_158 = vector.extract_strided_slice %get3A_104 {offsets = [4], sizes = [1], strides = [1]} : vector<16xi32> to vector<1xi32>
      %squeeze3A_159 = vector.extract %slice3A_158[0] : i32 from vector<1xi32>
      %mul3A_160 = arith.constant 16 : i32
      %mul3A_161 = arith.muli %scan3A_97, %mul3A_160 : i32
      %add3A_162 = arith.constant 4 : i32
      %add3A_163 = arith.addi %mul3A_161, %add3A_162 : i32
      %dma_start3A_164 = arith.constant 0 : i32
      %dma_start3A_165 = tpu.memref_slice %arg12[%add3A_163, %dma_start3A_164] : memref<256x64xf32, #tpu.memory_space<vmem>> -> memref<1x64xf32, #tpu.memory_space<vmem>>
      %dma_start3A_166 = arith.constant 0 : i32
      %dma_start3A_167 = tpu.memref_slice %arg5[%squeeze3A_159, %dma_start3A_166] : memref<1000000x64xf32, #tpu.memory_space<hbm>> -> memref<1x64xf32, #tpu.memory_space<hbm>>
      %dma_start3A_168 = arith.constant 0 : i32
      %dma_start3A_169 = tpu.memref_slice %arg12[%add3A_163, %dma_start3A_168] : memref<256x64xf32, #tpu.memory_space<vmem>> -> memref<1x64xf32, #tpu.memory_space<vmem>>
      %dma_start3A_170 = arith.constant 0 : i32
      %dma_start3A_171 = tpu.memref_slice %arg5[%squeeze3A_159, %dma_start3A_170] : memref<1000000x64xf32, #tpu.memory_space<hbm>> -> memref<1x64xf32, #tpu.memory_space<hbm>>
      tpu.enqueue_dma source(%dma_start3A_171 : memref<1x64xf32, #tpu.memory_space<hbm>>) target(%dma_start3A_169 : memref<1x64xf32, #tpu.memory_space<vmem>>) target_semaphore(%arg14 : memref<!tpu.dma_semaphore, #tpu.memory_space<semaphore_mem>>)
      %slice3A_172 = vector.extract_strided_slice %get3A_104 {offsets = [5], sizes = [1], strides = [1]} : vector<16xi32> to vector<1xi32>
      %squeeze3A_173 = vector.extract %slice3A_172[0] : i32 from vector<1xi32>
      %mul3A_174 = arith.constant 16 : i32
      %mul3A_175 = arith.muli %scan3A_97, %mul3A_174 : i32
      %add3A_176 = arith.constant 5 : i32
      %add3A_177 = arith.addi %mul3A_175, %add3A_176 : i32
      %dma_start3A_178 = arith.constant 0 : i32
      %dma_start3A_179 = tpu.memref_slice %arg12[%add3A_177, %dma_start3A_178] : memref<256x64xf32, #tpu.memory_space<vmem>> -> memref<1x64xf32, #tpu.memory_space<vmem>>
      %dma_start3A_180 = arith.constant 0 : i32
      %dma_start3A_181 = tpu.memref_slice %arg5[%squeeze3A_173, %dma_start3A_180] : memref<1000000x64xf32, #tpu.memory_space<hbm>> -> memref<1x64xf32, #tpu.memory_space<hbm>>
      %dma_start3A_182 = arith.constant 0 : i32
      %dma_start3A_183 = tpu.memref_slice %arg12[%add3A_177, %dma_start3A_182] : memref<256x64xf32, #tpu.memory_space<vmem>> -> memref<1x64xf32, #tpu.memory_space<vmem>>
      %dma_start3A_184 = arith.constant 0 : i32
      %dma_start3A_185 = tpu.memref_slice %arg5[%squeeze3A_173, %dma_start3A_184] : memref<1000000x64xf32, #tpu.memory_space<hbm>> -> memref<1x64xf32, #tpu.memory_space<hbm>>
      tpu.enqueue_dma source(%dma_start3A_185 : memref<1x64xf32, #tpu.memory_space<hbm>>) target(%dma_start3A_183 : memref<1x64xf32, #tpu.memory_space<vmem>>) target_semaphore(%arg14 : memref<!tpu.dma_semaphore, #tpu.memory_space<semaphore_mem>>)
      %slice3A_186 = vector.extract_strided_slice %get3A_104 {offsets = [6], sizes = [1], strides = [1]} : vector<16xi32> to vector<1xi32>
      %squeeze3A_187 = vector.extract %slice3A_186[0] : i32 from vector<1xi32>
      %mul3A_188 = arith.constant 16 : i32
      %mul3A_189 = arith.muli %scan3A_97, %mul3A_188 : i32
      %add3A_190 = arith.constant 6 : i32
      %add3A_191 = arith.addi %mul3A_189, %add3A_190 : i32
      %dma_start3A_192 = arith.constant 0 : i32
      %dma_start3A_193 = tpu.memref_slice %arg12[%add3A_191, %dma_start3A_192] : memref<256x64xf32, #tpu.memory_space<vmem>> -> memref<1x64xf32, #tpu.memory_space<vmem>>
      %dma_start3A_194 = arith.constant 0 : i32
      %dma_start3A_195 = tpu.memref_slice %arg5[%squeeze3A_187, %dma_start3A_194] : memref<1000000x64xf32, #tpu.memory_space<hbm>> -> memref<1x64xf32, #tpu.memory_space<hbm>>
      %dma_start3A_196 = arith.constant 0 : i32
      %dma_start3A_197 = tpu.memref_slice %arg12[%add3A_191, %dma_start3A_196] : memref<256x64xf32, #tpu.memory_space<vmem>> -> memref<1x64xf32, #tpu.memory_space<vmem>>
      %dma_start3A_198 = arith.constant 0 : i32
      %dma_start3A_199 = tpu.memref_slice %arg5[%squeeze3A_187, %dma_start3A_198] : memref<1000000x64xf32, #tpu.memory_space<hbm>> -> memref<1x64xf32, #tpu.memory_space<hbm>>
      tpu.enqueue_dma source(%dma_start3A_199 : memref<1x64xf32, #tpu.memory_space<hbm>>) target(%dma_start3A_197 : memref<1x64xf32, #tpu.memory_space<vmem>>) target_semaphore(%arg14 : memref<!tpu.dma_semaphore, #tpu.memory_space<semaphore_mem>>)
      %slice3A_200 = vector.extract_strided_slice %get3A_104 {offsets = [7], sizes = [1], strides = [1]} : vector<16xi32> to vector<1xi32>
      %squeeze3A_201 = vector.extract %slice3A_200[0] : i32 from vector<1xi32>
      %mul3A_202 = arith.constant 16 : i32
      %mul3A_203 = arith.muli %scan3A_97, %mul3A_202 : i32
      %add3A_204 = arith.constant 7 : i32
      %add3A_205 = arith.addi %mul3A_203, %add3A_204 : i32
      %dma_start3A_206 = arith.constant 0 : i32
      %dma_start3A_207 = tpu.memref_slice %arg12[%add3A_205, %dma_start3A_206] : memref<256x64xf32, #tpu.memory_space<vmem>> -> memref<1x64xf32, #tpu.memory_space<vmem>>
      %dma_start3A_208 = arith.constant 0 : i32
      %dma_start3A_209 = tpu.memref_slice %arg5[%squeeze3A_201, %dma_start3A_208] : memref<1000000x64xf32, #tpu.memory_space<hbm>> -> memref<1x64xf32, #tpu.memory_space<hbm>>
      %dma_start3A_210 = arith.constant 0 : i32
      %dma_start3A_211 = tpu.memref_slice %arg12[%add3A_205, %dma_start3A_210] : memref<256x64xf32, #tpu.memory_space<vmem>> -> memref<1x64xf32, #tpu.memory_space<vmem>>
      %dma_start3A_212 = arith.constant 0 : i32
      %dma_start3A_213 = tpu.memref_slice %arg5[%squeeze3A_201, %dma_start3A_212] : memref<1000000x64xf32, #tpu.memory_space<hbm>> -> memref<1x64xf32, #tpu.memory_space<hbm>>
      tpu.enqueue_dma source(%dma_start3A_213 : memref<1x64xf32, #tpu.memory_space<hbm>>) target(%dma_start3A_211 : memref<1x64xf32, #tpu.memory_space<vmem>>) target_semaphore(%arg14 : memref<!tpu.dma_semaphore, #tpu.memory_space<semaphore_mem>>)
      %slice3A_214 = vector.extract_strided_slice %get3A_104 {offsets = [8], sizes = [1], strides = [1]} : vector<16xi32> to vector<1xi32>
      %squeeze3A_215 = vector.extract %slice3A_214[0] : i32 from vector<1xi32>
      %mul3A_216 = arith.constant 16 : i32
      %mul3A_217 = arith.muli %scan3A_97, %mul3A_216 : i32
      %add3A_218 = arith.constant 8 : i32
      %add3A_219 = arith.addi %mul3A_217, %add3A_218 : i32
      %dma_start3A_220 = arith.constant 0 : i32
      %dma_start3A_221 = tpu.memref_slice %arg12[%add3A_219, %dma_start3A_220] : memref<256x64xf32, #tpu.memory_space<vmem>> -> memref<1x64xf32, #tpu.memory_space<vmem>>
      %dma_start3A_222 = arith.constant 0 : i32
      %dma_start3A_223 = tpu.memref_slice %arg5[%squeeze3A_215, %dma_start3A_222] : memref<1000000x64xf32, #tpu.memory_space<hbm>> -> memref<1x64xf32, #tpu.memory_space<hbm>>
      %dma_start3A_224 = arith.constant 0 : i32
      %dma_start3A_225 = tpu.memref_slice %arg12[%add3A_219, %dma_start3A_224] : memref<256x64xf32, #tpu.memory_space<vmem>> -> memref<1x64xf32, #tpu.memory_space<vmem>>
      %dma_start3A_226 = arith.constant 0 : i32
      %dma_start3A_227 = tpu.memref_slice %arg5[%squeeze3A_215, %dma_start3A_226] : memref<1000000x64xf32, #tpu.memory_space<hbm>> -> memref<1x64xf32, #tpu.memory_space<hbm>>
      tpu.enqueue_dma source(%dma_start3A_227 : memref<1x64xf32, #tpu.memory_space<hbm>>) target(%dma_start3A_225 : memref<1x64xf32, #tpu.memory_space<vmem>>) target_semaphore(%arg14 : memref<!tpu.dma_semaphore, #tpu.memory_space<semaphore_mem>>)
      %slice3A_228 = vector.extract_strided_slice %get3A_104 {offsets = [9], sizes = [1], strides = [1]} : vector<16xi32> to vector<1xi32>
      %squeeze3A_229 = vector.extract %slice3A_228[0] : i32 from vector<1xi32>
      %mul3A_230 = arith.constant 16 : i32
      %mul3A_231 = arith.muli %scan3A_97, %mul3A_230 : i32
      %add3A_232 = arith.constant 9 : i32
      %add3A_233 = arith.addi %mul3A_231, %add3A_232 : i32
      %dma_start3A_234 = arith.constant 0 : i32
      %dma_start3A_235 = tpu.memref_slice %arg12[%add3A_233, %dma_start3A_234] : memref<256x64xf32, #tpu.memory_space<vmem>> -> memref<1x64xf32, #tpu.memory_space<vmem>>
      %dma_start3A_236 = arith.constant 0 : i32
      %dma_start3A_237 = tpu.memref_slice %arg5[%squeeze3A_229, %dma_start3A_236] : memref<1000000x64xf32, #tpu.memory_space<hbm>> -> memref<1x64xf32, #tpu.memory_space<hbm>>
      %dma_start3A_238 = arith.constant 0 : i32
      %dma_start3A_239 = tpu.memref_slice %arg12[%add3A_233, %dma_start3A_238] : memref<256x64xf32, #tpu.memory_space<vmem>> -> memref<1x64xf32, #tpu.memory_space<vmem>>
      %dma_start3A_240 = arith.constant 0 : i32
      %dma_start3A_241 = tpu.memref_slice %arg5[%squeeze3A_229, %dma_start3A_240] : memref<1000000x64xf32, #tpu.memory_space<hbm>> -> memref<1x64xf32, #tpu.memory_space<hbm>>
      tpu.enqueue_dma source(%dma_start3A_241 : memref<1x64xf32, #tpu.memory_space<hbm>>) target(%dma_start3A_239 : memref<1x64xf32, #tpu.memory_space<vmem>>) target_semaphore(%arg14 : memref<!tpu.dma_semaphore, #tpu.memory_space<semaphore_mem>>)
      %slice3A_242 = vector.extract_strided_slice %get3A_104 {offsets = [10], sizes = [1], strides = [1]} : vector<16xi32> to vector<1xi32>
      %squeeze3A_243 = vector.extract %slice3A_242[0] : i32 from vector<1xi32>
      %mul3A_244 = arith.constant 16 : i32
      %mul3A_245 = arith.muli %scan3A_97, %mul3A_244 : i32
      %add3A_246 = arith.constant 10 : i32
      %add3A_247 = arith.addi %mul3A_245, %add3A_246 : i32
      %dma_start3A_248 = arith.constant 0 : i32
      %dma_start3A_249 = tpu.memref_slice %arg12[%add3A_247, %dma_start3A_248] : memref<256x64xf32, #tpu.memory_space<vmem>> -> memref<1x64xf32, #tpu.memory_space<vmem>>
      %dma_start3A_250 = arith.constant 0 : i32
      %dma_start3A_251 = tpu.memref_slice %arg5[%squeeze3A_243, %dma_start3A_250] : memref<1000000x64xf32, #tpu.memory_space<hbm>> -> memref<1x64xf32, #tpu.memory_space<hbm>>
      %dma_start3A_252 = arith.constant 0 : i32
      %dma_start3A_253 = tpu.memref_slice %arg12[%add3A_247, %dma_start3A_252] : memref<256x64xf32, #tpu.memory_space<vmem>> -> memref<1x64xf32, #tpu.memory_space<vmem>>
      %dma_start3A_254 = arith.constant 0 : i32
      %dma_start3A_255 = tpu.memref_slice %arg5[%squeeze3A_243, %dma_start3A_254] : memref<1000000x64xf32, #tpu.memory_space<hbm>> -> memref<1x64xf32, #tpu.memory_space<hbm>>
      tpu.enqueue_dma source(%dma_start3A_255 : memref<1x64xf32, #tpu.memory_space<hbm>>) target(%dma_start3A_253 : memref<1x64xf32, #tpu.memory_space<vmem>>) target_semaphore(%arg14 : memref<!tpu.dma_semaphore, #tpu.memory_space<semaphore_mem>>)
      %slice3A_256 = vector.extract_strided_slice %get3A_104 {offsets = [11], sizes = [1], strides = [1]} : vector<16xi32> to vector<1xi32>
      %squeeze3A_257 = vector.extract %slice3A_256[0] : i32 from vector<1xi32>
      %mul3A_258 = arith.constant 16 : i32
      %mul3A_259 = arith.muli %scan3A_97, %mul3A_258 : i32
      %add3A_260 = arith.constant 11 : i32
      %add3A_261 = arith.addi %mul3A_259, %add3A_260 : i32
      %dma_start3A_262 = arith.constant 0 : i32
      %dma_start3A_263 = tpu.memref_slice %arg12[%add3A_261, %dma_start3A_262] : memref<256x64xf32, #tpu.memory_space<vmem>> -> memref<1x64xf32, #tpu.memory_space<vmem>>
      %dma_start3A_264 = arith.constant 0 : i32
      %dma_start3A_265 = tpu.memref_slice %arg5[%squeeze3A_257, %dma_start3A_264] : memref<1000000x64xf32, #tpu.memory_space<hbm>> -> memref<1x64xf32, #tpu.memory_space<hbm>>
      %dma_start3A_266 = arith.constant 0 : i32
      %dma_start3A_267 = tpu.memref_slice %arg12[%add3A_261, %dma_start3A_266] : memref<256x64xf32, #tpu.memory_space<vmem>> -> memref<1x64xf32, #tpu.memory_space<vmem>>
      %dma_start3A_268 = arith.constant 0 : i32
      %dma_start3A_269 = tpu.memref_slice %arg5[%squeeze3A_257, %dma_start3A_268] : memref<1000000x64xf32, #tpu.memory_space<hbm>> -> memref<1x64xf32, #tpu.memory_space<hbm>>
      tpu.enqueue_dma source(%dma_start3A_269 : memref<1x64xf32, #tpu.memory_space<hbm>>) target(%dma_start3A_267 : memref<1x64xf32, #tpu.memory_space<vmem>>) target_semaphore(%arg14 : memref<!tpu.dma_semaphore, #tpu.memory_space<semaphore_mem>>)
      %slice3A_270 = vector.extract_strided_slice %get3A_104 {offsets = [12], sizes = [1], strides = [1]} : vector<16xi32> to vector<1xi32>
      %squeeze3A_271 = vector.extract %slice3A_270[0] : i32 from vector<1xi32>
      %mul3A_272 = arith.constant 16 : i32
      %mul3A_273 = arith.muli %scan3A_97, %mul3A_272 : i32
      %add3A_274 = arith.constant 12 : i32
      %add3A_275 = arith.addi %mul3A_273, %add3A_274 : i32
      %dma_start3A_276 = arith.constant 0 : i32
      %dma_start3A_277 = tpu.memref_slice %arg12[%add3A_275, %dma_start3A_276] : memref<256x64xf32, #tpu.memory_space<vmem>> -> memref<1x64xf32, #tpu.memory_space<vmem>>
      %dma_start3A_278 = arith.constant 0 : i32
      %dma_start3A_279 = tpu.memref_slice %arg5[%squeeze3A_271, %dma_start3A_278] : memref<1000000x64xf32, #tpu.memory_space<hbm>> -> memref<1x64xf32, #tpu.memory_space<hbm>>
      %dma_start3A_280 = arith.constant 0 : i32
      %dma_start3A_281 = tpu.memref_slice %arg12[%add3A_275, %dma_start3A_280] : memref<256x64xf32, #tpu.memory_space<vmem>> -> memref<1x64xf32, #tpu.memory_space<vmem>>
      %dma_start3A_282 = arith.constant 0 : i32
      %dma_start3A_283 = tpu.memref_slice %arg5[%squeeze3A_271, %dma_start3A_282] : memref<1000000x64xf32, #tpu.memory_space<hbm>> -> memref<1x64xf32, #tpu.memory_space<hbm>>
      tpu.enqueue_dma source(%dma_start3A_283 : memref<1x64xf32, #tpu.memory_space<hbm>>) target(%dma_start3A_281 : memref<1x64xf32, #tpu.memory_space<vmem>>) target_semaphore(%arg14 : memref<!tpu.dma_semaphore, #tpu.memory_space<semaphore_mem>>)
      %slice3A_284 = vector.extract_strided_slice %get3A_104 {offsets = [13], sizes = [1], strides = [1]} : vector<16xi32> to vector<1xi32>
      %squeeze3A_285 = vector.extract %slice3A_284[0] : i32 from vector<1xi32>
      %mul3A_286 = arith.constant 16 : i32
      %mul3A_287 = arith.muli %scan3A_97, %mul3A_286 : i32
      %add3A_288 = arith.constant 13 : i32
      %add3A_289 = arith.addi %mul3A_287, %add3A_288 : i32
      %dma_start3A_290 = arith.constant 0 : i32
      %dma_start3A_291 = tpu.memref_slice %arg12[%add3A_289, %dma_start3A_290] : memref<256x64xf32, #tpu.memory_space<vmem>> -> memref<1x64xf32, #tpu.memory_space<vmem>>
      %dma_start3A_292 = arith.constant 0 : i32
      %dma_start3A_293 = tpu.memref_slice %arg5[%squeeze3A_285, %dma_start3A_292] : memref<1000000x64xf32, #tpu.memory_space<hbm>> -> memref<1x64xf32, #tpu.memory_space<hbm>>
      %dma_start3A_294 = arith.constant 0 : i32
      %dma_start3A_295 = tpu.memref_slice %arg12[%add3A_289, %dma_start3A_294] : memref<256x64xf32, #tpu.memory_space<vmem>> -> memref<1x64xf32, #tpu.memory_space<vmem>>
      %dma_start3A_296 = arith.constant 0 : i32
      %dma_start3A_297 = tpu.memref_slice %arg5[%squeeze3A_285, %dma_start3A_296] : memref<1000000x64xf32, #tpu.memory_space<hbm>> -> memref<1x64xf32, #tpu.memory_space<hbm>>
      tpu.enqueue_dma source(%dma_start3A_297 : memref<1x64xf32, #tpu.memory_space<hbm>>) target(%dma_start3A_295 : memref<1x64xf32, #tpu.memory_space<vmem>>) target_semaphore(%arg14 : memref<!tpu.dma_semaphore, #tpu.memory_space<semaphore_mem>>)
      %slice3A_298 = vector.extract_strided_slice %get3A_104 {offsets = [14], sizes = [1], strides = [1]} : vector<16xi32> to vector<1xi32>
      %squeeze3A_299 = vector.extract %slice3A_298[0] : i32 from vector<1xi32>
      %mul3A_300 = arith.constant 16 : i32
      %mul3A_301 = arith.muli %scan3A_97, %mul3A_300 : i32
      %add3A_302 = arith.constant 14 : i32
      %add3A_303 = arith.addi %mul3A_301, %add3A_302 : i32
      %dma_start3A_304 = arith.constant 0 : i32
      %dma_start3A_305 = tpu.memref_slice %arg12[%add3A_303, %dma_start3A_304] : memref<256x64xf32, #tpu.memory_space<vmem>> -> memref<1x64xf32, #tpu.memory_space<vmem>>
      %dma_start3A_306 = arith.constant 0 : i32
      %dma_start3A_307 = tpu.memref_slice %arg5[%squeeze3A_299, %dma_start3A_306] : memref<1000000x64xf32, #tpu.memory_space<hbm>> -> memref<1x64xf32, #tpu.memory_space<hbm>>
      %dma_start3A_308 = arith.constant 0 : i32
      %dma_start3A_309 = tpu.memref_slice %arg12[%add3A_303, %dma_start3A_308] : memref<256x64xf32, #tpu.memory_space<vmem>> -> memref<1x64xf32, #tpu.memory_space<vmem>>
      %dma_start3A_310 = arith.constant 0 : i32
      %dma_start3A_311 = tpu.memref_slice %arg5[%squeeze3A_299, %dma_start3A_310] : memref<1000000x64xf32, #tpu.memory_space<hbm>> -> memref<1x64xf32, #tpu.memory_space<hbm>>
      tpu.enqueue_dma source(%dma_start3A_311 : memref<1x64xf32, #tpu.memory_space<hbm>>) target(%dma_start3A_309 : memref<1x64xf32, #tpu.memory_space<vmem>>) target_semaphore(%arg14 : memref<!tpu.dma_semaphore, #tpu.memory_space<semaphore_mem>>)
      %slice3A_312 = vector.extract_strided_slice %get3A_104 {offsets = [15], sizes = [1], strides = [1]} : vector<16xi32> to vector<1xi32>
      %squeeze3A_313 = vector.extract %slice3A_312[0] : i32 from vector<1xi32>
      %mul3A_314 = arith.constant 16 : i32
      %mul3A_315 = arith.muli %scan3A_97, %mul3A_314 : i32
      %add3A_316 = arith.constant 15 : i32
      %add3A_317 = arith.addi %mul3A_315, %add3A_316 : i32
      %dma_start3A_318 = arith.constant 0 : i32
      %dma_start3A_319 = tpu.memref_slice %arg12[%add3A_317, %dma_start3A_318] : memref<256x64xf32, #tpu.memory_space<vmem>> -> memref<1x64xf32, #tpu.memory_space<vmem>>
      %dma_start3A_320 = arith.constant 0 : i32
      %dma_start3A_321 = tpu.memref_slice %arg5[%squeeze3A_313, %dma_start3A_320] : memref<1000000x64xf32, #tpu.memory_space<hbm>> -> memref<1x64xf32, #tpu.memory_space<hbm>>
      %dma_start3A_322 = arith.constant 0 : i32
      %dma_start3A_323 = tpu.memref_slice %arg12[%add3A_317, %dma_start3A_322] : memref<256x64xf32, #tpu.memory_space<vmem>> -> memref<1x64xf32, #tpu.memory_space<vmem>>
      %dma_start3A_324 = arith.constant 0 : i32
      %dma_start3A_325 = tpu.memref_slice %arg5[%squeeze3A_313, %dma_start3A_324] : memref<1000000x64xf32, #tpu.memory_space<hbm>> -> memref<1x64xf32, #tpu.memory_space<hbm>>
      tpu.enqueue_dma source(%dma_start3A_325 : memref<1x64xf32, #tpu.memory_space<hbm>>) target(%dma_start3A_323 : memref<1x64xf32, #tpu.memory_space<vmem>>) target_semaphore(%arg14 : memref<!tpu.dma_semaphore, #tpu.memory_space<semaphore_mem>>)
      %scan3A_326 = arith.constant 0 : i32
      scf.yield %scan3A_326 : i32
    }
    %scan3A_21 = arith.constant 16 : i32
    %scan3A_22 = arith.constant 0 : i32
    %scan3A_23 = arith.constant 0 : i32
    %scan3A_24 = arith.constant 16 : i32
    %scan3A_25 = arith.addi %scan3A_23, %scan3A_24 : i32
    %scan3A_26 = arith.constant 1 : i32
    %scan3A_27 = scf.for %scan3A_97 = %scan3A_23 to %scan3A_25 step %scan3A_26 iter_args(%scan3A_98 = %scan3A_22) -> (i32)  : i32 {
      %mul3A_99 = arith.constant 16 : i32
      %mul3A_100 = arith.muli %scan3A_97, %mul3A_99 : i32
      %add3A_101 = arith.constant 1024 : i32
      %add3A_102 = arith.addi %add3A_101, %mul3A_100 : i32
      %get3A = arith.index_cast %add3A_102 : i32 to index
      %get3A_103 = tpu.vector_load %arg10[%get3A] {strides = array<i32>} : memref<1536xi32, #tpu.memory_space<vmem>>, vector<16xi32>,
      %get3A_104 = vector.shape_cast %get3A_103 : vector<16xi32> to vector<16xi32>
      %slice3A = vector.extract_strided_slice %get3A_104 {offsets = [0], sizes = [1], strides = [1]} : vector<16xi32> to vector<1xi32>
      %squeeze3A = vector.extract %slice3A[0] : i32 from vector<1xi32>
      %mul3A_105 = arith.constant 16 : i32
      %mul3A_106 = arith.muli %scan3A_97, %mul3A_105 : i32
      %add3A_107 = arith.constant 0 : i32
      %add3A_108 = arith.addi %mul3A_106, %add3A_107 : i32
      %dma_start3A = arith.constant 0 : i32
      %dma_start3A_109 = tpu.memref_slice %arg13[%add3A_108, %dma_start3A] : memref<256x64xf32, #tpu.memory_space<vmem>> -> memref<1x64xf32, #tpu.memory_space<vmem>>
      %dma_start3A_110 = arith.constant 0 : i32
      %dma_start3A_111 = tpu.memref_slice %arg6[%squeeze3A, %dma_start3A_110] : memref<1000x64xf32, #tpu.memory_space<hbm>> -> memref<1x64xf32, #tpu.memory_space<hbm>>
      %dma_start3A_112 = arith.constant 0 : i32
      %dma_start3A_113 = tpu.memref_slice %arg13[%add3A_108, %dma_start3A_112] : memref<256x64xf32, #tpu.memory_space<vmem>> -> memref<1x64xf32, #tpu.memory_space<vmem>>
      %dma_start3A_114 = arith.constant 0 : i32
      %dma_start3A_115 = tpu.memref_slice %arg6[%squeeze3A, %dma_start3A_114] : memref<1000x64xf32, #tpu.memory_space<hbm>> -> memref<1x64xf32, #tpu.memory_space<hbm>>
      tpu.enqueue_dma source(%dma_start3A_115 : memref<1x64xf32, #tpu.memory_space<hbm>>) target(%dma_start3A_113 : memref<1x64xf32, #tpu.memory_space<vmem>>) target_semaphore(%arg14 : memref<!tpu.dma_semaphore, #tpu.memory_space<semaphore_mem>>)
      %slice3A_116 = vector.extract_strided_slice %get3A_104 {offsets = [1], sizes = [1], strides = [1]} : vector<16xi32> to vector<1xi32>
      %squeeze3A_117 = vector.extract %slice3A_116[0] : i32 from vector<1xi32>
      %mul3A_118 = arith.constant 16 : i32
      %mul3A_119 = arith.muli %scan3A_97, %mul3A_118 : i32
      %add3A_120 = arith.constant 1 : i32
      %add3A_121 = arith.addi %mul3A_119, %add3A_120 : i32
      %dma_start3A_122 = arith.constant 0 : i32
      %dma_start3A_123 = tpu.memref_slice %arg13[%add3A_121, %dma_start3A_122] : memref<256x64xf32, #tpu.memory_space<vmem>> -> memref<1x64xf32, #tpu.memory_space<vmem>>
      %dma_start3A_124 = arith.constant 0 : i32
      %dma_start3A_125 = tpu.memref_slice %arg6[%squeeze3A_117, %dma_start3A_124] : memref<1000x64xf32, #tpu.memory_space<hbm>> -> memref<1x64xf32, #tpu.memory_space<hbm>>
      %dma_start3A_126 = arith.constant 0 : i32
      %dma_start3A_127 = tpu.memref_slice %arg13[%add3A_121, %dma_start3A_126] : memref<256x64xf32, #tpu.memory_space<vmem>> -> memref<1x64xf32, #tpu.memory_space<vmem>>
      %dma_start3A_128 = arith.constant 0 : i32
      %dma_start3A_129 = tpu.memref_slice %arg6[%squeeze3A_117, %dma_start3A_128] : memref<1000x64xf32, #tpu.memory_space<hbm>> -> memref<1x64xf32, #tpu.memory_space<hbm>>
      tpu.enqueue_dma source(%dma_start3A_129 : memref<1x64xf32, #tpu.memory_space<hbm>>) target(%dma_start3A_127 : memref<1x64xf32, #tpu.memory_space<vmem>>) target_semaphore(%arg14 : memref<!tpu.dma_semaphore, #tpu.memory_space<semaphore_mem>>)
      %slice3A_130 = vector.extract_strided_slice %get3A_104 {offsets = [2], sizes = [1], strides = [1]} : vector<16xi32> to vector<1xi32>
      %squeeze3A_131 = vector.extract %slice3A_130[0] : i32 from vector<1xi32>
      %mul3A_132 = arith.constant 16 : i32
      %mul3A_133 = arith.muli %scan3A_97, %mul3A_132 : i32
      %add3A_134 = arith.constant 2 : i32
      %add3A_135 = arith.addi %mul3A_133, %add3A_134 : i32
      %dma_start3A_136 = arith.constant 0 : i32
      %dma_start3A_137 = tpu.memref_slice %arg13[%add3A_135, %dma_start3A_136] : memref<256x64xf32, #tpu.memory_space<vmem>> -> memref<1x64xf32, #tpu.memory_space<vmem>>
      %dma_start3A_138 = arith.constant 0 : i32
      %dma_start3A_139 = tpu.memref_slice %arg6[%squeeze3A_131, %dma_start3A_138] : memref<1000x64xf32, #tpu.memory_space<hbm>> -> memref<1x64xf32, #tpu.memory_space<hbm>>
      %dma_start3A_140 = arith.constant 0 : i32
      %dma_start3A_141 = tpu.memref_slice %arg13[%add3A_135, %dma_start3A_140] : memref<256x64xf32, #tpu.memory_space<vmem>> -> memref<1x64xf32, #tpu.memory_space<vmem>>
      %dma_start3A_142 = arith.constant 0 : i32
      %dma_start3A_143 = tpu.memref_slice %arg6[%squeeze3A_131, %dma_start3A_142] : memref<1000x64xf32, #tpu.memory_space<hbm>> -> memref<1x64xf32, #tpu.memory_space<hbm>>
      tpu.enqueue_dma source(%dma_start3A_143 : memref<1x64xf32, #tpu.memory_space<hbm>>) target(%dma_start3A_141 : memref<1x64xf32, #tpu.memory_space<vmem>>) target_semaphore(%arg14 : memref<!tpu.dma_semaphore, #tpu.memory_space<semaphore_mem>>)
      %slice3A_144 = vector.extract_strided_slice %get3A_104 {offsets = [3], sizes = [1], strides = [1]} : vector<16xi32> to vector<1xi32>
      %squeeze3A_145 = vector.extract %slice3A_144[0] : i32 from vector<1xi32>
      %mul3A_146 = arith.constant 16 : i32
      %mul3A_147 = arith.muli %scan3A_97, %mul3A_146 : i32
      %add3A_148 = arith.constant 3 : i32
      %add3A_149 = arith.addi %mul3A_147, %add3A_148 : i32
      %dma_start3A_150 = arith.constant 0 : i32
      %dma_start3A_151 = tpu.memref_slice %arg13[%add3A_149, %dma_start3A_150] : memref<256x64xf32, #tpu.memory_space<vmem>> -> memref<1x64xf32, #tpu.memory_space<vmem>>
      %dma_start3A_152 = arith.constant 0 : i32
      %dma_start3A_153 = tpu.memref_slice %arg6[%squeeze3A_145, %dma_start3A_152] : memref<1000x64xf32, #tpu.memory_space<hbm>> -> memref<1x64xf32, #tpu.memory_space<hbm>>
      %dma_start3A_154 = arith.constant 0 : i32
      %dma_start3A_155 = tpu.memref_slice %arg13[%add3A_149, %dma_start3A_154] : memref<256x64xf32, #tpu.memory_space<vmem>> -> memref<1x64xf32, #tpu.memory_space<vmem>>
      %dma_start3A_156 = arith.constant 0 : i32
      %dma_start3A_157 = tpu.memref_slice %arg6[%squeeze3A_145, %dma_start3A_156] : memref<1000x64xf32, #tpu.memory_space<hbm>> -> memref<1x64xf32, #tpu.memory_space<hbm>>
      tpu.enqueue_dma source(%dma_start3A_157 : memref<1x64xf32, #tpu.memory_space<hbm>>) target(%dma_start3A_155 : memref<1x64xf32, #tpu.memory_space<vmem>>) target_semaphore(%arg14 : memref<!tpu.dma_semaphore, #tpu.memory_space<semaphore_mem>>)
      %slice3A_158 = vector.extract_strided_slice %get3A_104 {offsets = [4], sizes = [1], strides = [1]} : vector<16xi32> to vector<1xi32>
      %squeeze3A_159 = vector.extract %slice3A_158[0] : i32 from vector<1xi32>
      %mul3A_160 = arith.constant 16 : i32
      %mul3A_161 = arith.muli %scan3A_97, %mul3A_160 : i32
      %add3A_162 = arith.constant 4 : i32
      %add3A_163 = arith.addi %mul3A_161, %add3A_162 : i32
      %dma_start3A_164 = arith.constant 0 : i32
      %dma_start3A_165 = tpu.memref_slice %arg13[%add3A_163, %dma_start3A_164] : memref<256x64xf32, #tpu.memory_space<vmem>> -> memref<1x64xf32, #tpu.memory_space<vmem>>
      %dma_start3A_166 = arith.constant 0 : i32
      %dma_start3A_167 = tpu.memref_slice %arg6[%squeeze3A_159, %dma_start3A_166] : memref<1000x64xf32, #tpu.memory_space<hbm>> -> memref<1x64xf32, #tpu.memory_space<hbm>>
      %dma_start3A_168 = arith.constant 0 : i32
      %dma_start3A_169 = tpu.memref_slice %arg13[%add3A_163, %dma_start3A_168] : memref<256x64xf32, #tpu.memory_space<vmem>> -> memref<1x64xf32, #tpu.memory_space<vmem>>
      %dma_start3A_170 = arith.constant 0 : i32
      %dma_start3A_171 = tpu.memref_slice %arg6[%squeeze3A_159, %dma_start3A_170] : memref<1000x64xf32, #tpu.memory_space<hbm>> -> memref<1x64xf32, #tpu.memory_space<hbm>>
      tpu.enqueue_dma source(%dma_start3A_171 : memref<1x64xf32, #tpu.memory_space<hbm>>) target(%dma_start3A_169 : memref<1x64xf32, #tpu.memory_space<vmem>>) target_semaphore(%arg14 : memref<!tpu.dma_semaphore, #tpu.memory_space<semaphore_mem>>)
      %slice3A_172 = vector.extract_strided_slice %get3A_104 {offsets = [5], sizes = [1], strides = [1]} : vector<16xi32> to vector<1xi32>
      %squeeze3A_173 = vector.extract %slice3A_172[0] : i32 from vector<1xi32>
      %mul3A_174 = arith.constant 16 : i32
      %mul3A_175 = arith.muli %scan3A_97, %mul3A_174 : i32
      %add3A_176 = arith.constant 5 : i32
      %add3A_177 = arith.addi %mul3A_175, %add3A_176 : i32
      %dma_start3A_178 = arith.constant 0 : i32
      %dma_start3A_179 = tpu.memref_slice %arg13[%add3A_177, %dma_start3A_178] : memref<256x64xf32, #tpu.memory_space<vmem>> -> memref<1x64xf32, #tpu.memory_space<vmem>>
      %dma_start3A_180 = arith.constant 0 : i32
      %dma_start3A_181 = tpu.memref_slice %arg6[%squeeze3A_173, %dma_start3A_180] : memref<1000x64xf32, #tpu.memory_space<hbm>> -> memref<1x64xf32, #tpu.memory_space<hbm>>
      %dma_start3A_182 = arith.constant 0 : i32
      %dma_start3A_183 = tpu.memref_slice %arg13[%add3A_177, %dma_start3A_182] : memref<256x64xf32, #tpu.memory_space<vmem>> -> memref<1x64xf32, #tpu.memory_space<vmem>>
      %dma_start3A_184 = arith.constant 0 : i32
      %dma_start3A_185 = tpu.memref_slice %arg6[%squeeze3A_173, %dma_start3A_184] : memref<1000x64xf32, #tpu.memory_space<hbm>> -> memref<1x64xf32, #tpu.memory_space<hbm>>
      tpu.enqueue_dma source(%dma_start3A_185 : memref<1x64xf32, #tpu.memory_space<hbm>>) target(%dma_start3A_183 : memref<1x64xf32, #tpu.memory_space<vmem>>) target_semaphore(%arg14 : memref<!tpu.dma_semaphore, #tpu.memory_space<semaphore_mem>>)
      %slice3A_186 = vector.extract_strided_slice %get3A_104 {offsets = [6], sizes = [1], strides = [1]} : vector<16xi32> to vector<1xi32>
      %squeeze3A_187 = vector.extract %slice3A_186[0] : i32 from vector<1xi32>
      %mul3A_188 = arith.constant 16 : i32
      %mul3A_189 = arith.muli %scan3A_97, %mul3A_188 : i32
      %add3A_190 = arith.constant 6 : i32
      %add3A_191 = arith.addi %mul3A_189, %add3A_190 : i32
      %dma_start3A_192 = arith.constant 0 : i32
      %dma_start3A_193 = tpu.memref_slice %arg13[%add3A_191, %dma_start3A_192] : memref<256x64xf32, #tpu.memory_space<vmem>> -> memref<1x64xf32, #tpu.memory_space<vmem>>
      %dma_start3A_194 = arith.constant 0 : i32
      %dma_start3A_195 = tpu.memref_slice %arg6[%squeeze3A_187, %dma_start3A_194] : memref<1000x64xf32, #tpu.memory_space<hbm>> -> memref<1x64xf32, #tpu.memory_space<hbm>>
      %dma_start3A_196 = arith.constant 0 : i32
      %dma_start3A_197 = tpu.memref_slice %arg13[%add3A_191, %dma_start3A_196] : memref<256x64xf32, #tpu.memory_space<vmem>> -> memref<1x64xf32, #tpu.memory_space<vmem>>
      %dma_start3A_198 = arith.constant 0 : i32
      %dma_start3A_199 = tpu.memref_slice %arg6[%squeeze3A_187, %dma_start3A_198] : memref<1000x64xf32, #tpu.memory_space<hbm>> -> memref<1x64xf32, #tpu.memory_space<hbm>>
      tpu.enqueue_dma source(%dma_start3A_199 : memref<1x64xf32, #tpu.memory_space<hbm>>) target(%dma_start3A_197 : memref<1x64xf32, #tpu.memory_space<vmem>>) target_semaphore(%arg14 : memref<!tpu.dma_semaphore, #tpu.memory_space<semaphore_mem>>)
      %slice3A_200 = vector.extract_strided_slice %get3A_104 {offsets = [7], sizes = [1], strides = [1]} : vector<16xi32> to vector<1xi32>
      %squeeze3A_201 = vector.extract %slice3A_200[0] : i32 from vector<1xi32>
      %mul3A_202 = arith.constant 16 : i32
      %mul3A_203 = arith.muli %scan3A_97, %mul3A_202 : i32
      %add3A_204 = arith.constant 7 : i32
      %add3A_205 = arith.addi %mul3A_203, %add3A_204 : i32
      %dma_start3A_206 = arith.constant 0 : i32
      %dma_start3A_207 = tpu.memref_slice %arg13[%add3A_205, %dma_start3A_206] : memref<256x64xf32, #tpu.memory_space<vmem>> -> memref<1x64xf32, #tpu.memory_space<vmem>>
      %dma_start3A_208 = arith.constant 0 : i32
      %dma_start3A_209 = tpu.memref_slice %arg6[%squeeze3A_201, %dma_start3A_208] : memref<1000x64xf32, #tpu.memory_space<hbm>> -> memref<1x64xf32, #tpu.memory_space<hbm>>
      %dma_start3A_210 = arith.constant 0 : i32
      %dma_start3A_211 = tpu.memref_slice %arg13[%add3A_205, %dma_start3A_210] : memref<256x64xf32, #tpu.memory_space<vmem>> -> memref<1x64xf32, #tpu.memory_space<vmem>>
      %dma_start3A_212 = arith.constant 0 : i32
      %dma_start3A_213 = tpu.memref_slice %arg6[%squeeze3A_201, %dma_start3A_212] : memref<1000x64xf32, #tpu.memory_space<hbm>> -> memref<1x64xf32, #tpu.memory_space<hbm>>
      tpu.enqueue_dma source(%dma_start3A_213 : memref<1x64xf32, #tpu.memory_space<hbm>>) target(%dma_start3A_211 : memref<1x64xf32, #tpu.memory_space<vmem>>) target_semaphore(%arg14 : memref<!tpu.dma_semaphore, #tpu.memory_space<semaphore_mem>>)
      %slice3A_214 = vector.extract_strided_slice %get3A_104 {offsets = [8], sizes = [1], strides = [1]} : vector<16xi32> to vector<1xi32>
      %squeeze3A_215 = vector.extract %slice3A_214[0] : i32 from vector<1xi32>
      %mul3A_216 = arith.constant 16 : i32
      %mul3A_217 = arith.muli %scan3A_97, %mul3A_216 : i32
      %add3A_218 = arith.constant 8 : i32
      %add3A_219 = arith.addi %mul3A_217, %add3A_218 : i32
      %dma_start3A_220 = arith.constant 0 : i32
      %dma_start3A_221 = tpu.memref_slice %arg13[%add3A_219, %dma_start3A_220] : memref<256x64xf32, #tpu.memory_space<vmem>> -> memref<1x64xf32, #tpu.memory_space<vmem>>
      %dma_start3A_222 = arith.constant 0 : i32
      %dma_start3A_223 = tpu.memref_slice %arg6[%squeeze3A_215, %dma_start3A_222] : memref<1000x64xf32, #tpu.memory_space<hbm>> -> memref<1x64xf32, #tpu.memory_space<hbm>>
      %dma_start3A_224 = arith.constant 0 : i32
      %dma_start3A_225 = tpu.memref_slice %arg13[%add3A_219, %dma_start3A_224] : memref<256x64xf32, #tpu.memory_space<vmem>> -> memref<1x64xf32, #tpu.memory_space<vmem>>
      %dma_start3A_226 = arith.constant 0 : i32
      %dma_start3A_227 = tpu.memref_slice %arg6[%squeeze3A_215, %dma_start3A_226] : memref<1000x64xf32, #tpu.memory_space<hbm>> -> memref<1x64xf32, #tpu.memory_space<hbm>>
      tpu.enqueue_dma source(%dma_start3A_227 : memref<1x64xf32, #tpu.memory_space<hbm>>) target(%dma_start3A_225 : memref<1x64xf32, #tpu.memory_space<vmem>>) target_semaphore(%arg14 : memref<!tpu.dma_semaphore, #tpu.memory_space<semaphore_mem>>)
      %slice3A_228 = vector.extract_strided_slice %get3A_104 {offsets = [9], sizes = [1], strides = [1]} : vector<16xi32> to vector<1xi32>
      %squeeze3A_229 = vector.extract %slice3A_228[0] : i32 from vector<1xi32>
      %mul3A_230 = arith.constant 16 : i32
      %mul3A_231 = arith.muli %scan3A_97, %mul3A_230 : i32
      %add3A_232 = arith.constant 9 : i32
      %add3A_233 = arith.addi %mul3A_231, %add3A_232 : i32
      %dma_start3A_234 = arith.constant 0 : i32
      %dma_start3A_235 = tpu.memref_slice %arg13[%add3A_233, %dma_start3A_234] : memref<256x64xf32, #tpu.memory_space<vmem>> -> memref<1x64xf32, #tpu.memory_space<vmem>>
      %dma_start3A_236 = arith.constant 0 : i32
      %dma_start3A_237 = tpu.memref_slice %arg6[%squeeze3A_229, %dma_start3A_236] : memref<1000x64xf32, #tpu.memory_space<hbm>> -> memref<1x64xf32, #tpu.memory_space<hbm>>
      %dma_start3A_238 = arith.constant 0 : i32
      %dma_start3A_239 = tpu.memref_slice %arg13[%add3A_233, %dma_start3A_238] : memref<256x64xf32, #tpu.memory_space<vmem>> -> memref<1x64xf32, #tpu.memory_space<vmem>>
      %dma_start3A_240 = arith.constant 0 : i32
      %dma_start3A_241 = tpu.memref_slice %arg6[%squeeze3A_229, %dma_start3A_240] : memref<1000x64xf32, #tpu.memory_space<hbm>> -> memref<1x64xf32, #tpu.memory_space<hbm>>
      tpu.enqueue_dma source(%dma_start3A_241 : memref<1x64xf32, #tpu.memory_space<hbm>>) target(%dma_start3A_239 : memref<1x64xf32, #tpu.memory_space<vmem>>) target_semaphore(%arg14 : memref<!tpu.dma_semaphore, #tpu.memory_space<semaphore_mem>>)
      %slice3A_242 = vector.extract_strided_slice %get3A_104 {offsets = [10], sizes = [1], strides = [1]} : vector<16xi32> to vector<1xi32>
      %squeeze3A_243 = vector.extract %slice3A_242[0] : i32 from vector<1xi32>
      %mul3A_244 = arith.constant 16 : i32
      %mul3A_245 = arith.muli %scan3A_97, %mul3A_244 : i32
      %add3A_246 = arith.constant 10 : i32
      %add3A_247 = arith.addi %mul3A_245, %add3A_246 : i32
      %dma_start3A_248 = arith.constant 0 : i32
      %dma_start3A_249 = tpu.memref_slice %arg13[%add3A_247, %dma_start3A_248] : memref<256x64xf32, #tpu.memory_space<vmem>> -> memref<1x64xf32, #tpu.memory_space<vmem>>
      %dma_start3A_250 = arith.constant 0 : i32
      %dma_start3A_251 = tpu.memref_slice %arg6[%squeeze3A_243, %dma_start3A_250] : memref<1000x64xf32, #tpu.memory_space<hbm>> -> memref<1x64xf32, #tpu.memory_space<hbm>>
      %dma_start3A_252 = arith.constant 0 : i32
      %dma_start3A_253 = tpu.memref_slice %arg13[%add3A_247, %dma_start3A_252] : memref<256x64xf32, #tpu.memory_space<vmem>> -> memref<1x64xf32, #tpu.memory_space<vmem>>
      %dma_start3A_254 = arith.constant 0 : i32
      %dma_start3A_255 = tpu.memref_slice %arg6[%squeeze3A_243, %dma_start3A_254] : memref<1000x64xf32, #tpu.memory_space<hbm>> -> memref<1x64xf32, #tpu.memory_space<hbm>>
      tpu.enqueue_dma source(%dma_start3A_255 : memref<1x64xf32, #tpu.memory_space<hbm>>) target(%dma_start3A_253 : memref<1x64xf32, #tpu.memory_space<vmem>>) target_semaphore(%arg14 : memref<!tpu.dma_semaphore, #tpu.memory_space<semaphore_mem>>)
      %slice3A_256 = vector.extract_strided_slice %get3A_104 {offsets = [11], sizes = [1], strides = [1]} : vector<16xi32> to vector<1xi32>
      %squeeze3A_257 = vector.extract %slice3A_256[0] : i32 from vector<1xi32>
      %mul3A_258 = arith.constant 16 : i32
      %mul3A_259 = arith.muli %scan3A_97, %mul3A_258 : i32
      %add3A_260 = arith.constant 11 : i32
      %add3A_261 = arith.addi %mul3A_259, %add3A_260 : i32
      %dma_start3A_262 = arith.constant 0 : i32
      %dma_start3A_263 = tpu.memref_slice %arg13[%add3A_261, %dma_start3A_262] : memref<256x64xf32, #tpu.memory_space<vmem>> -> memref<1x64xf32, #tpu.memory_space<vmem>>
      %dma_start3A_264 = arith.constant 0 : i32
      %dma_start3A_265 = tpu.memref_slice %arg6[%squeeze3A_257, %dma_start3A_264] : memref<1000x64xf32, #tpu.memory_space<hbm>> -> memref<1x64xf32, #tpu.memory_space<hbm>>
      %dma_start3A_266 = arith.constant 0 : i32
      %dma_start3A_267 = tpu.memref_slice %arg13[%add3A_261, %dma_start3A_266] : memref<256x64xf32, #tpu.memory_space<vmem>> -> memref<1x64xf32, #tpu.memory_space<vmem>>
      %dma_start3A_268 = arith.constant 0 : i32
      %dma_start3A_269 = tpu.memref_slice %arg6[%squeeze3A_257, %dma_start3A_268] : memref<1000x64xf32, #tpu.memory_space<hbm>> -> memref<1x64xf32, #tpu.memory_space<hbm>>
      tpu.enqueue_dma source(%dma_start3A_269 : memref<1x64xf32, #tpu.memory_space<hbm>>) target(%dma_start3A_267 : memref<1x64xf32, #tpu.memory_space<vmem>>) target_semaphore(%arg14 : memref<!tpu.dma_semaphore, #tpu.memory_space<semaphore_mem>>)
      %slice3A_270 = vector.extract_strided_slice %get3A_104 {offsets = [12], sizes = [1], strides = [1]} : vector<16xi32> to vector<1xi32>
      %squeeze3A_271 = vector.extract %slice3A_270[0] : i32 from vector<1xi32>
      %mul3A_272 = arith.constant 16 : i32
      %mul3A_273 = arith.muli %scan3A_97, %mul3A_272 : i32
      %add3A_274 = arith.constant 12 : i32
      %add3A_275 = arith.addi %mul3A_273, %add3A_274 : i32
      %dma_start3A_276 = arith.constant 0 : i32
      %dma_start3A_277 = tpu.memref_slice %arg13[%add3A_275, %dma_start3A_276] : memref<256x64xf32, #tpu.memory_space<vmem>> -> memref<1x64xf32, #tpu.memory_space<vmem>>
      %dma_start3A_278 = arith.constant 0 : i32
      %dma_start3A_279 = tpu.memref_slice %arg6[%squeeze3A_271, %dma_start3A_278] : memref<1000x64xf32, #tpu.memory_space<hbm>> -> memref<1x64xf32, #tpu.memory_space<hbm>>
      %dma_start3A_280 = arith.constant 0 : i32
      %dma_start3A_281 = tpu.memref_slice %arg13[%add3A_275, %dma_start3A_280] : memref<256x64xf32, #tpu.memory_space<vmem>> -> memref<1x64xf32, #tpu.memory_space<vmem>>
      %dma_start3A_282 = arith.constant 0 : i32
      %dma_start3A_283 = tpu.memref_slice %arg6[%squeeze3A_271, %dma_start3A_282] : memref<1000x64xf32, #tpu.memory_space<hbm>> -> memref<1x64xf32, #tpu.memory_space<hbm>>
      tpu.enqueue_dma source(%dma_start3A_283 : memref<1x64xf32, #tpu.memory_space<hbm>>) target(%dma_start3A_281 : memref<1x64xf32, #tpu.memory_space<vmem>>) target_semaphore(%arg14 : memref<!tpu.dma_semaphore, #tpu.memory_space<semaphore_mem>>)
      %slice3A_284 = vector.extract_strided_slice %get3A_104 {offsets = [13], sizes = [1], strides = [1]} : vector<16xi32> to vector<1xi32>
      %squeeze3A_285 = vector.extract %slice3A_284[0] : i32 from vector<1xi32>
      %mul3A_286 = arith.constant 16 : i32
      %mul3A_287 = arith.muli %scan3A_97, %mul3A_286 : i32
      %add3A_288 = arith.constant 13 : i32
      %add3A_289 = arith.addi %mul3A_287, %add3A_288 : i32
      %dma_start3A_290 = arith.constant 0 : i32
      %dma_start3A_291 = tpu.memref_slice %arg13[%add3A_289, %dma_start3A_290] : memref<256x64xf32, #tpu.memory_space<vmem>> -> memref<1x64xf32, #tpu.memory_space<vmem>>
      %dma_start3A_292 = arith.constant 0 : i32
      %dma_start3A_293 = tpu.memref_slice %arg6[%squeeze3A_285, %dma_start3A_292] : memref<1000x64xf32, #tpu.memory_space<hbm>> -> memref<1x64xf32, #tpu.memory_space<hbm>>
      %dma_start3A_294 = arith.constant 0 : i32
      %dma_start3A_295 = tpu.memref_slice %arg13[%add3A_289, %dma_start3A_294] : memref<256x64xf32, #tpu.memory_space<vmem>> -> memref<1x64xf32, #tpu.memory_space<vmem>>
      %dma_start3A_296 = arith.constant 0 : i32
      %dma_start3A_297 = tpu.memref_slice %arg6[%squeeze3A_285, %dma_start3A_296] : memref<1000x64xf32, #tpu.memory_space<hbm>> -> memref<1x64xf32, #tpu.memory_space<hbm>>
      tpu.enqueue_dma source(%dma_start3A_297 : memref<1x64xf32, #tpu.memory_space<hbm>>) target(%dma_start3A_295 : memref<1x64xf32, #tpu.memory_space<vmem>>) target_semaphore(%arg14 : memref<!tpu.dma_semaphore, #tpu.memory_space<semaphore_mem>>)
      %slice3A_298 = vector.extract_strided_slice %get3A_104 {offsets = [14], sizes = [1], strides = [1]} : vector<16xi32> to vector<1xi32>
      %squeeze3A_299 = vector.extract %slice3A_298[0] : i32 from vector<1xi32>
      %mul3A_300 = arith.constant 16 : i32
      %mul3A_301 = arith.muli %scan3A_97, %mul3A_300 : i32
      %add3A_302 = arith.constant 14 : i32
      %add3A_303 = arith.addi %mul3A_301, %add3A_302 : i32
      %dma_start3A_304 = arith.constant 0 : i32
      %dma_start3A_305 = tpu.memref_slice %arg13[%add3A_303, %dma_start3A_304] : memref<256x64xf32, #tpu.memory_space<vmem>> -> memref<1x64xf32, #tpu.memory_space<vmem>>
      %dma_start3A_306 = arith.constant 0 : i32
      %dma_start3A_307 = tpu.memref_slice %arg6[%squeeze3A_299, %dma_start3A_306] : memref<1000x64xf32, #tpu.memory_space<hbm>> -> memref<1x64xf32, #tpu.memory_space<hbm>>
      %dma_start3A_308 = arith.constant 0 : i32
      %dma_start3A_309 = tpu.memref_slice %arg13[%add3A_303, %dma_start3A_308] : memref<256x64xf32, #tpu.memory_space<vmem>> -> memref<1x64xf32, #tpu.memory_space<vmem>>
      %dma_start3A_310 = arith.constant 0 : i32
      %dma_start3A_311 = tpu.memref_slice %arg6[%squeeze3A_299, %dma_start3A_310] : memref<1000x64xf32, #tpu.memory_space<hbm>> -> memref<1x64xf32, #tpu.memory_space<hbm>>
      tpu.enqueue_dma source(%dma_start3A_311 : memref<1x64xf32, #tpu.memory_space<hbm>>) target(%dma_start3A_309 : memref<1x64xf32, #tpu.memory_space<vmem>>) target_semaphore(%arg14 : memref<!tpu.dma_semaphore, #tpu.memory_space<semaphore_mem>>)
      %slice3A_312 = vector.extract_strided_slice %get3A_104 {offsets = [15], sizes = [1], strides = [1]} : vector<16xi32> to vector<1xi32>
      %squeeze3A_313 = vector.extract %slice3A_312[0] : i32 from vector<1xi32>
      %mul3A_314 = arith.constant 16 : i32
      %mul3A_315 = arith.muli %scan3A_97, %mul3A_314 : i32
      %add3A_316 = arith.constant 15 : i32
      %add3A_317 = arith.addi %mul3A_315, %add3A_316 : i32
      %dma_start3A_318 = arith.constant 0 : i32
      %dma_start3A_319 = tpu.memref_slice %arg13[%add3A_317, %dma_start3A_318] : memref<256x64xf32, #tpu.memory_space<vmem>> -> memref<1x64xf32, #tpu.memory_space<vmem>>
      %dma_start3A_320 = arith.constant 0 : i32
      %dma_start3A_321 = tpu.memref_slice %arg6[%squeeze3A_313, %dma_start3A_320] : memref<1000x64xf32, #tpu.memory_space<hbm>> -> memref<1x64xf32, #tpu.memory_space<hbm>>
      %dma_start3A_322 = arith.constant 0 : i32
      %dma_start3A_323 = tpu.memref_slice %arg13[%add3A_317, %dma_start3A_322] : memref<256x64xf32, #tpu.memory_space<vmem>> -> memref<1x64xf32, #tpu.memory_space<vmem>>
      %dma_start3A_324 = arith.constant 0 : i32
      %dma_start3A_325 = tpu.memref_slice %arg6[%squeeze3A_313, %dma_start3A_324] : memref<1000x64xf32, #tpu.memory_space<hbm>> -> memref<1x64xf32, #tpu.memory_space<hbm>>
      tpu.enqueue_dma source(%dma_start3A_325 : memref<1x64xf32, #tpu.memory_space<hbm>>) target(%dma_start3A_323 : memref<1x64xf32, #tpu.memory_space<vmem>>) target_semaphore(%arg14 : memref<!tpu.dma_semaphore, #tpu.memory_space<semaphore_mem>>)
      %scan3A_326 = arith.constant 0 : i32
      scf.yield %scan3A_326 : i32
    }
    %scan3A_28 = arith.constant 16 : i32
    %dma_wait3A = arith.constant 0 : i32
    %dma_wait3A_29 = arith.constant 0 : i32
    %dma_wait3A_30 = tpu.memref_slice %arg5[%dma_wait3A, %dma_wait3A_29] : memref<1000000x64xf32, #tpu.memory_space<hbm>> -> memref<256x64xf32, #tpu.memory_space<hbm>>
    %dma_wait3A_31 = arith.constant 0 : i32
    %dma_wait3A_32 = arith.constant 0 : i32
    %dma_wait3A_33 = tpu.memref_slice %arg5[%dma_wait3A_31, %dma_wait3A_32] : memref<1000000x64xf32, #tpu.memory_space<hbm>> -> memref<256x64xf32, #tpu.memory_space<hbm>>
    tpu.wait_dma2 semaphore(%arg14 : memref<!tpu.dma_semaphore, #tpu.memory_space<semaphore_mem>>) src(%dma_wait3A_33 : memref<256x64xf32, #tpu.memory_space<hbm>>) dst(%arg11 : memref<256x64xf32, #tpu.memory_space<vmem>>)
    %dma_wait3A_34 = arith.constant 0 : i32
    %dma_wait3A_35 = arith.constant 0 : i32
    %dma_wait3A_36 = tpu.memref_slice %arg5[%dma_wait3A_34, %dma_wait3A_35] : memref<1000000x64xf32, #tpu.memory_space<hbm>> -> memref<256x64xf32, #tpu.memory_space<hbm>>
    %dma_wait3A_37 = arith.constant 0 : i32
    %dma_wait3A_38 = arith.constant 0 : i32
    %dma_wait3A_39 = tpu.memref_slice %arg5[%dma_wait3A_37, %dma_wait3A_38] : memref<1000000x64xf32, #tpu.memory_space<hbm>> -> memref<256x64xf32, #tpu.memory_space<hbm>>
    tpu.wait_dma2 semaphore(%arg14 : memref<!tpu.dma_semaphore, #tpu.memory_space<semaphore_mem>>) src(%dma_wait3A_39 : memref<256x64xf32, #tpu.memory_space<hbm>>) dst(%arg12 : memref<256x64xf32, #tpu.memory_space<vmem>>)
    %dma_wait3A_40 = arith.constant 0 : i32
    %dma_wait3A_41 = arith.constant 0 : i32
    %dma_wait3A_42 = tpu.memref_slice %arg6[%dma_wait3A_40, %dma_wait3A_41] : memref<1000x64xf32, #tpu.memory_space<hbm>> -> memref<256x64xf32, #tpu.memory_space<hbm>>
    %dma_wait3A_43 = arith.constant 0 : i32
    %dma_wait3A_44 = arith.constant 0 : i32
    %dma_wait3A_45 = tpu.memref_slice %arg6[%dma_wait3A_43, %dma_wait3A_44] : memref<1000x64xf32, #tpu.memory_space<hbm>> -> memref<256x64xf32, #tpu.memory_space<hbm>>
    tpu.wait_dma2 semaphore(%arg14 : memref<!tpu.dma_semaphore, #tpu.memory_space<semaphore_mem>>) src(%dma_wait3A_45 : memref<256x64xf32, #tpu.memory_space<hbm>>) dst(%arg13 : memref<256x64xf32, #tpu.memory_space<vmem>>)
    %add3A_46 = arith.constant 0 : i32
    %add3A_47 = arith.addi %mul3A_2, %add3A_46 : i32
    "tpu.region"() ({
      %run_scoped3A = tpu.sem_alloc : memref<!tpu.dma_semaphore, #tpu.memory_space<semaphore_mem>>
      %dma_start3A = arith.constant 0 : i32
      %dma_start3A_97 = tpu.memref_slice %arg7[%add3A_47, %dma_start3A] : memref<16384x64xf32, #tpu.memory_space<hbm>> -> memref<256x64xf32, #tpu.memory_space<hbm>>
      %dma_start3A_98 = arith.constant 0 : i32
      %dma_start3A_99 = tpu.memref_slice %arg7[%add3A_47, %dma_start3A_98] : memref<16384x64xf32, #tpu.memory_space<hbm>> -> memref<256x64xf32, #tpu.memory_space<hbm>>
      tpu.enqueue_dma source(%arg11 : memref<256x64xf32, #tpu.memory_space<vmem>>) target(%dma_start3A_99 : memref<256x64xf32, #tpu.memory_space<hbm>>) target_semaphore(%run_scoped3A : memref<!tpu.dma_semaphore, #tpu.memory_space<semaphore_mem>>)
      %dma_wait3A_100 = arith.constant 0 : i32
      %dma_wait3A_101 = tpu.memref_slice %arg7[%add3A_47, %dma_wait3A_100] : memref<16384x64xf32, #tpu.memory_space<hbm>> -> memref<256x64xf32, #tpu.memory_space<hbm>>
      %dma_wait3A_102 = arith.constant 0 : i32
      %dma_wait3A_103 = tpu.memref_slice %arg7[%add3A_47, %dma_wait3A_102] : memref<16384x64xf32, #tpu.memory_space<hbm>> -> memref<256x64xf32, #tpu.memory_space<hbm>>
      tpu.wait_dma2 semaphore(%run_scoped3A : memref<!tpu.dma_semaphore, #tpu.memory_space<semaphore_mem>>) src(%arg11 : memref<256x64xf32, #tpu.memory_space<vmem>>) dst(%dma_wait3A_103 : memref<256x64xf32, #tpu.memory_space<hbm>>)
      tpu.yield
    }) : () -> ()
    %add3A_48 = arith.constant 0 : i32
    %add3A_49 = arith.addi %mul3A_2, %add3A_48 : i32
    "tpu.region"() ({
      %run_scoped3A = tpu.sem_alloc : memref<!tpu.dma_semaphore, #tpu.memory_space<semaphore_mem>>
      %dma_start3A = arith.constant 0 : i32
      %dma_start3A_97 = tpu.memref_slice %arg8[%add3A_49, %dma_start3A] : memref<16384x64xf32, #tpu.memory_space<hbm>> -> memref<256x64xf32, #tpu.memory_space<hbm>>
      %dma_start3A_98 = arith.constant 0 : i32
      %dma_start3A_99 = tpu.memref_slice %arg8[%add3A_49, %dma_start3A_98] : memref<16384x64xf32, #tpu.memory_space<hbm>> -> memref<256x64xf32, #tpu.memory_space<hbm>>
      tpu.enqueue_dma source(%arg12 : memref<256x64xf32, #tpu.memory_space<vmem>>) target(%dma_start3A_99 : memref<256x64xf32, #tpu.memory_space<hbm>>) target_semaphore(%run_scoped3A : memref<!tpu.dma_semaphore, #tpu.memory_space<semaphore_mem>>)
      %dma_wait3A_100 = arith.constant 0 : i32
      %dma_wait3A_101 = tpu.memref_slice %arg8[%add3A_49, %dma_wait3A_100] : memref<16384x64xf32, #tpu.memory_space<hbm>> -> memref<256x64xf32, #tpu.memory_space<hbm>>
      %dma_wait3A_102 = arith.constant 0 : i32
      %dma_wait3A_103 = tpu.memref_slice %arg8[%add3A_49, %dma_wait3A_102] : memref<16384x64xf32, #tpu.memory_space<hbm>> -> memref<256x64xf32, #tpu.memory_space<hbm>>
      tpu.wait_dma2 semaphore(%run_scoped3A : memref<!tpu.dma_semaphore, #tpu.memory_space<semaphore_mem>>) src(%arg12 : memref<256x64xf32, #tpu.memory_space<vmem>>) dst(%dma_wait3A_103 : memref<256x64xf32, #tpu.memory_space<hbm>>)
      tpu.yield
    }) : () -> ()
    %add3A_50 = arith.constant 0 : i32
    %add3A_51 = arith.addi %mul3A_2, %add3A_50 : i32
    "tpu.region"() ({
      %run_scoped3A = tpu.sem_alloc : memref<!tpu.dma_semaphore, #tpu.memory_space<semaphore_mem>>
      %dma_start3A = arith.constant 0 : i32
      %dma_start3A_97 = tpu.memref_slice %arg9[%add3A_51, %dma_start3A] : memref<16384x64xf32, #tpu.memory_space<hbm>> -> memref<256x64xf32, #tpu.memory_space<hbm>>
      %dma_start3A_98 = arith.constant 0 : i32
      %dma_start3A_99 = tpu.memref_slice %arg9[%add3A_51, %dma_start3A_98] : memref<16384x64xf32, #tpu.memory_space<hbm>> -> memref<256x64xf32, #tpu.memory_space<hbm>>
      tpu.enqueue_dma source(%arg13 : memref<256x64xf32, #tpu.memory_space<vmem>>) target(%dma_start3A_99 : memref<256x64xf32, #tpu.memory_space<hbm>>) target_semaphore(%run_scoped3A : memref<!tpu.dma_semaphore, #tpu.memory_space<semaphore_mem>>)
      %dma_wait3A_100 = arith.constant 0 : i32
      %dma_wait3A_101 = tpu.memref_slice %arg9[%add3A_51, %dma_wait3A_100] : memref<16384x64xf32, #tpu.memory_space<hbm>> -> memref<256x64xf32, #tpu.memory_space<hbm>>
      %dma_wait3A_102 = arith.constant 0 : i32
      %dma_wait3A_103 = tpu.memref_slice %arg9[%add3A_51, %dma_wait3A_102] : memref<16384x64xf32, #tpu.memory_space<hbm>> -> memref<256x64xf32, #tpu.memory_space<hbm>>
      tpu.wait_dma2 semaphore(%run_scoped3A : memref<!tpu.dma_semaphore, #tpu.memory_space<semaphore_mem>>) src(%arg13 : memref<256x64xf32, #tpu.memory_space<vmem>>) dst(%dma_wait3A_103 : memref<256x64xf32, #tpu.memory_space<hbm>>)
      tpu.yield
    }) : () -> ()
    %scan3A_52 = arith.constant 0 : i32
    %scan3A_53 = arith.constant 0 : i32
    %scan3A_54 = arith.constant 16 : i32
    %scan3A_55 = arith.addi %scan3A_53, %scan3A_54 : i32
    %scan3A_56 = arith.constant 1 : i32
    %scan3A_57 = scf.for %scan3A_97 = %scan3A_53 to %scan3A_55 step %scan3A_56 iter_args(%scan3A_98 = %scan3A_52) -> (i32)  : i32 {
      %mul3A_99 = arith.constant 16 : i32
      %mul3A_100 = arith.muli %scan3A_97, %mul3A_99 : i32
      %add3A_101 = arith.constant 256 : i32
      %add3A_102 = arith.addi %add3A_101, %mul3A_100 : i32
      %get3A = arith.index_cast %add3A_102 : i32 to index
      %get3A_103 = tpu.vector_load %arg10[%get3A] {strides = array<i32>} : memref<1536xi32, #tpu.memory_space<vmem>>, vector<16xi32>,
      %get3A_104 = vector.shape_cast %get3A_103 : vector<16xi32> to vector<16xi32>
      %slice3A = vector.extract_strided_slice %get3A_104 {offsets = [0], sizes = [1], strides = [1]} : vector<16xi32> to vector<1xi32>
      %squeeze3A = vector.extract %slice3A[0] : i32 from vector<1xi32>
      %mul3A_105 = arith.constant 16 : i32
      %mul3A_106 = arith.muli %scan3A_97, %mul3A_105 : i32
      %add3A_107 = arith.constant 0 : i32
      %add3A_108 = arith.addi %mul3A_106, %add3A_107 : i32
      %dma_start3A = arith.constant 0 : i32
      %dma_start3A_109 = tpu.memref_slice %arg11[%add3A_108, %dma_start3A] : memref<256x64xf32, #tpu.memory_space<vmem>> -> memref<1x64xf32, #tpu.memory_space<vmem>>
      %dma_start3A_110 = arith.constant 0 : i32
      %dma_start3A_111 = tpu.memref_slice %arg5[%squeeze3A, %dma_start3A_110] : memref<1000000x64xf32, #tpu.memory_space<hbm>> -> memref<1x64xf32, #tpu.memory_space<hbm>>
      %dma_start3A_112 = arith.constant 0 : i32
      %dma_start3A_113 = tpu.memref_slice %arg11[%add3A_108, %dma_start3A_112] : memref<256x64xf32, #tpu.memory_space<vmem>> -> memref<1x64xf32, #tpu.memory_space<vmem>>
      %dma_start3A_114 = arith.constant 0 : i32
      %dma_start3A_115 = tpu.memref_slice %arg5[%squeeze3A, %dma_start3A_114] : memref<1000000x64xf32, #tpu.memory_space<hbm>> -> memref<1x64xf32, #tpu.memory_space<hbm>>
      tpu.enqueue_dma source(%dma_start3A_115 : memref<1x64xf32, #tpu.memory_space<hbm>>) target(%dma_start3A_113 : memref<1x64xf32, #tpu.memory_space<vmem>>) target_semaphore(%arg14 : memref<!tpu.dma_semaphore, #tpu.memory_space<semaphore_mem>>)
      %slice3A_116 = vector.extract_strided_slice %get3A_104 {offsets = [1], sizes = [1], strides = [1]} : vector<16xi32> to vector<1xi32>
      %squeeze3A_117 = vector.extract %slice3A_116[0] : i32 from vector<1xi32>
      %mul3A_118 = arith.constant 16 : i32
      %mul3A_119 = arith.muli %scan3A_97, %mul3A_118 : i32
      %add3A_120 = arith.constant 1 : i32
      %add3A_121 = arith.addi %mul3A_119, %add3A_120 : i32
      %dma_start3A_122 = arith.constant 0 : i32
      %dma_start3A_123 = tpu.memref_slice %arg11[%add3A_121, %dma_start3A_122] : memref<256x64xf32, #tpu.memory_space<vmem>> -> memref<1x64xf32, #tpu.memory_space<vmem>>
      %dma_start3A_124 = arith.constant 0 : i32
      %dma_start3A_125 = tpu.memref_slice %arg5[%squeeze3A_117, %dma_start3A_124] : memref<1000000x64xf32, #tpu.memory_space<hbm>> -> memref<1x64xf32, #tpu.memory_space<hbm>>
      %dma_start3A_126 = arith.constant 0 : i32
      %dma_start3A_127 = tpu.memref_slice %arg11[%add3A_121, %dma_start3A_126] : memref<256x64xf32, #tpu.memory_space<vmem>> -> memref<1x64xf32, #tpu.memory_space<vmem>>
      %dma_start3A_128 = arith.constant 0 : i32
      %dma_start3A_129 = tpu.memref_slice %arg5[%squeeze3A_117, %dma_start3A_128] : memref<1000000x64xf32, #tpu.memory_space<hbm>> -> memref<1x64xf32, #tpu.memory_space<hbm>>
      tpu.enqueue_dma source(%dma_start3A_129 : memref<1x64xf32, #tpu.memory_space<hbm>>) target(%dma_start3A_127 : memref<1x64xf32, #tpu.memory_space<vmem>>) target_semaphore(%arg14 : memref<!tpu.dma_semaphore, #tpu.memory_space<semaphore_mem>>)
      %slice3A_130 = vector.extract_strided_slice %get3A_104 {offsets = [2], sizes = [1], strides = [1]} : vector<16xi32> to vector<1xi32>
      %squeeze3A_131 = vector.extract %slice3A_130[0] : i32 from vector<1xi32>
      %mul3A_132 = arith.constant 16 : i32
      %mul3A_133 = arith.muli %scan3A_97, %mul3A_132 : i32
      %add3A_134 = arith.constant 2 : i32
      %add3A_135 = arith.addi %mul3A_133, %add3A_134 : i32
      %dma_start3A_136 = arith.constant 0 : i32
      %dma_start3A_137 = tpu.memref_slice %arg11[%add3A_135, %dma_start3A_136] : memref<256x64xf32, #tpu.memory_space<vmem>> -> memref<1x64xf32, #tpu.memory_space<vmem>>
      %dma_start3A_138 = arith.constant 0 : i32
      %dma_start3A_139 = tpu.memref_slice %arg5[%squeeze3A_131, %dma_start3A_138] : memref<1000000x64xf32, #tpu.memory_space<hbm>> -> memref<1x64xf32, #tpu.memory_space<hbm>>
      %dma_start3A_140 = arith.constant 0 : i32
      %dma_start3A_141 = tpu.memref_slice %arg11[%add3A_135, %dma_start3A_140] : memref<256x64xf32, #tpu.memory_space<vmem>> -> memref<1x64xf32, #tpu.memory_space<vmem>>
      %dma_start3A_142 = arith.constant 0 : i32
      %dma_start3A_143 = tpu.memref_slice %arg5[%squeeze3A_131, %dma_start3A_142] : memref<1000000x64xf32, #tpu.memory_space<hbm>> -> memref<1x64xf32, #tpu.memory_space<hbm>>
      tpu.enqueue_dma source(%dma_start3A_143 : memref<1x64xf32, #tpu.memory_space<hbm>>) target(%dma_start3A_141 : memref<1x64xf32, #tpu.memory_space<vmem>>) target_semaphore(%arg14 : memref<!tpu.dma_semaphore, #tpu.memory_space<semaphore_mem>>)
      %slice3A_144 = vector.extract_strided_slice %get3A_104 {offsets = [3], sizes = [1], strides = [1]} : vector<16xi32> to vector<1xi32>
      %squeeze3A_145 = vector.extract %slice3A_144[0] : i32 from vector<1xi32>
      %mul3A_146 = arith.constant 16 : i32
      %mul3A_147 = arith.muli %scan3A_97, %mul3A_146 : i32
      %add3A_148 = arith.constant 3 : i32
      %add3A_149 = arith.addi %mul3A_147, %add3A_148 : i32
      %dma_start3A_150 = arith.constant 0 : i32
      %dma_start3A_151 = tpu.memref_slice %arg11[%add3A_149, %dma_start3A_150] : memref<256x64xf32, #tpu.memory_space<vmem>> -> memref<1x64xf32, #tpu.memory_space<vmem>>
      %dma_start3A_152 = arith.constant 0 : i32
      %dma_start3A_153 = tpu.memref_slice %arg5[%squeeze3A_145, %dma_start3A_152] : memref<1000000x64xf32, #tpu.memory_space<hbm>> -> memref<1x64xf32, #tpu.memory_space<hbm>>
      %dma_start3A_154 = arith.constant 0 : i32
      %dma_start3A_155 = tpu.memref_slice %arg11[%add3A_149, %dma_start3A_154] : memref<256x64xf32, #tpu.memory_space<vmem>> -> memref<1x64xf32, #tpu.memory_space<vmem>>
      %dma_start3A_156 = arith.constant 0 : i32
      %dma_start3A_157 = tpu.memref_slice %arg5[%squeeze3A_145, %dma_start3A_156] : memref<1000000x64xf32, #tpu.memory_space<hbm>> -> memref<1x64xf32, #tpu.memory_space<hbm>>
      tpu.enqueue_dma source(%dma_start3A_157 : memref<1x64xf32, #tpu.memory_space<hbm>>) target(%dma_start3A_155 : memref<1x64xf32, #tpu.memory_space<vmem>>) target_semaphore(%arg14 : memref<!tpu.dma_semaphore, #tpu.memory_space<semaphore_mem>>)
      %slice3A_158 = vector.extract_strided_slice %get3A_104 {offsets = [4], sizes = [1], strides = [1]} : vector<16xi32> to vector<1xi32>
      %squeeze3A_159 = vector.extract %slice3A_158[0] : i32 from vector<1xi32>
      %mul3A_160 = arith.constant 16 : i32
      %mul3A_161 = arith.muli %scan3A_97, %mul3A_160 : i32
      %add3A_162 = arith.constant 4 : i32
      %add3A_163 = arith.addi %mul3A_161, %add3A_162 : i32
      %dma_start3A_164 = arith.constant 0 : i32
      %dma_start3A_165 = tpu.memref_slice %arg11[%add3A_163, %dma_start3A_164] : memref<256x64xf32, #tpu.memory_space<vmem>> -> memref<1x64xf32, #tpu.memory_space<vmem>>
      %dma_start3A_166 = arith.constant 0 : i32
      %dma_start3A_167 = tpu.memref_slice %arg5[%squeeze3A_159, %dma_start3A_166] : memref<1000000x64xf32, #tpu.memory_space<hbm>> -> memref<1x64xf32, #tpu.memory_space<hbm>>
      %dma_start3A_168 = arith.constant 0 : i32
      %dma_start3A_169 = tpu.memref_slice %arg11[%add3A_163, %dma_start3A_168] : memref<256x64xf32, #tpu.memory_space<vmem>> -> memref<1x64xf32, #tpu.memory_space<vmem>>
      %dma_start3A_170 = arith.constant 0 : i32
      %dma_start3A_171 = tpu.memref_slice %arg5[%squeeze3A_159, %dma_start3A_170] : memref<1000000x64xf32, #tpu.memory_space<hbm>> -> memref<1x64xf32, #tpu.memory_space<hbm>>
      tpu.enqueue_dma source(%dma_start3A_171 : memref<1x64xf32, #tpu.memory_space<hbm>>) target(%dma_start3A_169 : memref<1x64xf32, #tpu.memory_space<vmem>>) target_semaphore(%arg14 : memref<!tpu.dma_semaphore, #tpu.memory_space<semaphore_mem>>)
      %slice3A_172 = vector.extract_strided_slice %get3A_104 {offsets = [5], sizes = [1], strides = [1]} : vector<16xi32> to vector<1xi32>
      %squeeze3A_173 = vector.extract %slice3A_172[0] : i32 from vector<1xi32>
      %mul3A_174 = arith.constant 16 : i32
      %mul3A_175 = arith.muli %scan3A_97, %mul3A_174 : i32
      %add3A_176 = arith.constant 5 : i32
      %add3A_177 = arith.addi %mul3A_175, %add3A_176 : i32
      %dma_start3A_178 = arith.constant 0 : i32
      %dma_start3A_179 = tpu.memref_slice %arg11[%add3A_177, %dma_start3A_178] : memref<256x64xf32, #tpu.memory_space<vmem>> -> memref<1x64xf32, #tpu.memory_space<vmem>>
      %dma_start3A_180 = arith.constant 0 : i32
      %dma_start3A_181 = tpu.memref_slice %arg5[%squeeze3A_173, %dma_start3A_180] : memref<1000000x64xf32, #tpu.memory_space<hbm>> -> memref<1x64xf32, #tpu.memory_space<hbm>>
      %dma_start3A_182 = arith.constant 0 : i32
      %dma_start3A_183 = tpu.memref_slice %arg11[%add3A_177, %dma_start3A_182] : memref<256x64xf32, #tpu.memory_space<vmem>> -> memref<1x64xf32, #tpu.memory_space<vmem>>
      %dma_start3A_184 = arith.constant 0 : i32
      %dma_start3A_185 = tpu.memref_slice %arg5[%squeeze3A_173, %dma_start3A_184] : memref<1000000x64xf32, #tpu.memory_space<hbm>> -> memref<1x64xf32, #tpu.memory_space<hbm>>
      tpu.enqueue_dma source(%dma_start3A_185 : memref<1x64xf32, #tpu.memory_space<hbm>>) target(%dma_start3A_183 : memref<1x64xf32, #tpu.memory_space<vmem>>) target_semaphore(%arg14 : memref<!tpu.dma_semaphore, #tpu.memory_space<semaphore_mem>>)
      %slice3A_186 = vector.extract_strided_slice %get3A_104 {offsets = [6], sizes = [1], strides = [1]} : vector<16xi32> to vector<1xi32>
      %squeeze3A_187 = vector.extract %slice3A_186[0] : i32 from vector<1xi32>
      %mul3A_188 = arith.constant 16 : i32
      %mul3A_189 = arith.muli %scan3A_97, %mul3A_188 : i32
      %add3A_190 = arith.constant 6 : i32
      %add3A_191 = arith.addi %mul3A_189, %add3A_190 : i32
      %dma_start3A_192 = arith.constant 0 : i32
      %dma_start3A_193 = tpu.memref_slice %arg11[%add3A_191, %dma_start3A_192] : memref<256x64xf32, #tpu.memory_space<vmem>> -> memref<1x64xf32, #tpu.memory_space<vmem>>
      %dma_start3A_194 = arith.constant 0 : i32
      %dma_start3A_195 = tpu.memref_slice %arg5[%squeeze3A_187, %dma_start3A_194] : memref<1000000x64xf32, #tpu.memory_space<hbm>> -> memref<1x64xf32, #tpu.memory_space<hbm>>
      %dma_start3A_196 = arith.constant 0 : i32
      %dma_start3A_197 = tpu.memref_slice %arg11[%add3A_191, %dma_start3A_196] : memref<256x64xf32, #tpu.memory_space<vmem>> -> memref<1x64xf32, #tpu.memory_space<vmem>>
      %dma_start3A_198 = arith.constant 0 : i32
      %dma_start3A_199 = tpu.memref_slice %arg5[%squeeze3A_187, %dma_start3A_198] : memref<1000000x64xf32, #tpu.memory_space<hbm>> -> memref<1x64xf32, #tpu.memory_space<hbm>>
      tpu.enqueue_dma source(%dma_start3A_199 : memref<1x64xf32, #tpu.memory_space<hbm>>) target(%dma_start3A_197 : memref<1x64xf32, #tpu.memory_space<vmem>>) target_semaphore(%arg14 : memref<!tpu.dma_semaphore, #tpu.memory_space<semaphore_mem>>)
      %slice3A_200 = vector.extract_strided_slice %get3A_104 {offsets = [7], sizes = [1], strides = [1]} : vector<16xi32> to vector<1xi32>
      %squeeze3A_201 = vector.extract %slice3A_200[0] : i32 from vector<1xi32>
      %mul3A_202 = arith.constant 16 : i32
      %mul3A_203 = arith.muli %scan3A_97, %mul3A_202 : i32
      %add3A_204 = arith.constant 7 : i32
      %add3A_205 = arith.addi %mul3A_203, %add3A_204 : i32
      %dma_start3A_206 = arith.constant 0 : i32
      %dma_start3A_207 = tpu.memref_slice %arg11[%add3A_205, %dma_start3A_206] : memref<256x64xf32, #tpu.memory_space<vmem>> -> memref<1x64xf32, #tpu.memory_space<vmem>>
      %dma_start3A_208 = arith.constant 0 : i32
      %dma_start3A_209 = tpu.memref_slice %arg5[%squeeze3A_201, %dma_start3A_208] : memref<1000000x64xf32, #tpu.memory_space<hbm>> -> memref<1x64xf32, #tpu.memory_space<hbm>>
      %dma_start3A_210 = arith.constant 0 : i32
      %dma_start3A_211 = tpu.memref_slice %arg11[%add3A_205, %dma_start3A_210] : memref<256x64xf32, #tpu.memory_space<vmem>> -> memref<1x64xf32, #tpu.memory_space<vmem>>
      %dma_start3A_212 = arith.constant 0 : i32
      %dma_start3A_213 = tpu.memref_slice %arg5[%squeeze3A_201, %dma_start3A_212] : memref<1000000x64xf32, #tpu.memory_space<hbm>> -> memref<1x64xf32, #tpu.memory_space<hbm>>
      tpu.enqueue_dma source(%dma_start3A_213 : memref<1x64xf32, #tpu.memory_space<hbm>>) target(%dma_start3A_211 : memref<1x64xf32, #tpu.memory_space<vmem>>) target_semaphore(%arg14 : memref<!tpu.dma_semaphore, #tpu.memory_space<semaphore_mem>>)
      %slice3A_214 = vector.extract_strided_slice %get3A_104 {offsets = [8], sizes = [1], strides = [1]} : vector<16xi32> to vector<1xi32>
      %squeeze3A_215 = vector.extract %slice3A_214[0] : i32 from vector<1xi32>
      %mul3A_216 = arith.constant 16 : i32
      %mul3A_217 = arith.muli %scan3A_97, %mul3A_216 : i32
      %add3A_218 = arith.constant 8 : i32
      %add3A_219 = arith.addi %mul3A_217, %add3A_218 : i32
      %dma_start3A_220 = arith.constant 0 : i32
      %dma_start3A_221 = tpu.memref_slice %arg11[%add3A_219, %dma_start3A_220] : memref<256x64xf32, #tpu.memory_space<vmem>> -> memref<1x64xf32, #tpu.memory_space<vmem>>
      %dma_start3A_222 = arith.constant 0 : i32
      %dma_start3A_223 = tpu.memref_slice %arg5[%squeeze3A_215, %dma_start3A_222] : memref<1000000x64xf32, #tpu.memory_space<hbm>> -> memref<1x64xf32, #tpu.memory_space<hbm>>
      %dma_start3A_224 = arith.constant 0 : i32
      %dma_start3A_225 = tpu.memref_slice %arg11[%add3A_219, %dma_start3A_224] : memref<256x64xf32, #tpu.memory_space<vmem>> -> memref<1x64xf32, #tpu.memory_space<vmem>>
      %dma_start3A_226 = arith.constant 0 : i32
      %dma_start3A_227 = tpu.memref_slice %arg5[%squeeze3A_215, %dma_start3A_226] : memref<1000000x64xf32, #tpu.memory_space<hbm>> -> memref<1x64xf32, #tpu.memory_space<hbm>>
      tpu.enqueue_dma source(%dma_start3A_227 : memref<1x64xf32, #tpu.memory_space<hbm>>) target(%dma_start3A_225 : memref<1x64xf32, #tpu.memory_space<vmem>>) target_semaphore(%arg14 : memref<!tpu.dma_semaphore, #tpu.memory_space<semaphore_mem>>)
      %slice3A_228 = vector.extract_strided_slice %get3A_104 {offsets = [9], sizes = [1], strides = [1]} : vector<16xi32> to vector<1xi32>
      %squeeze3A_229 = vector.extract %slice3A_228[0] : i32 from vector<1xi32>
      %mul3A_230 = arith.constant 16 : i32
      %mul3A_231 = arith.muli %scan3A_97, %mul3A_230 : i32
      %add3A_232 = arith.constant 9 : i32
      %add3A_233 = arith.addi %mul3A_231, %add3A_232 : i32
      %dma_start3A_234 = arith.constant 0 : i32
      %dma_start3A_235 = tpu.memref_slice %arg11[%add3A_233, %dma_start3A_234] : memref<256x64xf32, #tpu.memory_space<vmem>> -> memref<1x64xf32, #tpu.memory_space<vmem>>
      %dma_start3A_236 = arith.constant 0 : i32
      %dma_start3A_237 = tpu.memref_slice %arg5[%squeeze3A_229, %dma_start3A_236] : memref<1000000x64xf32, #tpu.memory_space<hbm>> -> memref<1x64xf32, #tpu.memory_space<hbm>>
      %dma_start3A_238 = arith.constant 0 : i32
      %dma_start3A_239 = tpu.memref_slice %arg11[%add3A_233, %dma_start3A_238] : memref<256x64xf32, #tpu.memory_space<vmem>> -> memref<1x64xf32, #tpu.memory_space<vmem>>
      %dma_start3A_240 = arith.constant 0 : i32
      %dma_start3A_241 = tpu.memref_slice %arg5[%squeeze3A_229, %dma_start3A_240] : memref<1000000x64xf32, #tpu.memory_space<hbm>> -> memref<1x64xf32, #tpu.memory_space<hbm>>
      tpu.enqueue_dma source(%dma_start3A_241 : memref<1x64xf32, #tpu.memory_space<hbm>>) target(%dma_start3A_239 : memref<1x64xf32, #tpu.memory_space<vmem>>) target_semaphore(%arg14 : memref<!tpu.dma_semaphore, #tpu.memory_space<semaphore_mem>>)
      %slice3A_242 = vector.extract_strided_slice %get3A_104 {offsets = [10], sizes = [1], strides = [1]} : vector<16xi32> to vector<1xi32>
      %squeeze3A_243 = vector.extract %slice3A_242[0] : i32 from vector<1xi32>
      %mul3A_244 = arith.constant 16 : i32
      %mul3A_245 = arith.muli %scan3A_97, %mul3A_244 : i32
      %add3A_246 = arith.constant 10 : i32
      %add3A_247 = arith.addi %mul3A_245, %add3A_246 : i32
      %dma_start3A_248 = arith.constant 0 : i32
      %dma_start3A_249 = tpu.memref_slice %arg11[%add3A_247, %dma_start3A_248] : memref<256x64xf32, #tpu.memory_space<vmem>> -> memref<1x64xf32, #tpu.memory_space<vmem>>
      %dma_start3A_250 = arith.constant 0 : i32
      %dma_start3A_251 = tpu.memref_slice %arg5[%squeeze3A_243, %dma_start3A_250] : memref<1000000x64xf32, #tpu.memory_space<hbm>> -> memref<1x64xf32, #tpu.memory_space<hbm>>
      %dma_start3A_252 = arith.constant 0 : i32
      %dma_start3A_253 = tpu.memref_slice %arg11[%add3A_247, %dma_start3A_252] : memref<256x64xf32, #tpu.memory_space<vmem>> -> memref<1x64xf32, #tpu.memory_space<vmem>>
      %dma_start3A_254 = arith.constant 0 : i32
      %dma_start3A_255 = tpu.memref_slice %arg5[%squeeze3A_243, %dma_start3A_254] : memref<1000000x64xf32, #tpu.memory_space<hbm>> -> memref<1x64xf32, #tpu.memory_space<hbm>>
      tpu.enqueue_dma source(%dma_start3A_255 : memref<1x64xf32, #tpu.memory_space<hbm>>) target(%dma_start3A_253 : memref<1x64xf32, #tpu.memory_space<vmem>>) target_semaphore(%arg14 : memref<!tpu.dma_semaphore, #tpu.memory_space<semaphore_mem>>)
      %slice3A_256 = vector.extract_strided_slice %get3A_104 {offsets = [11], sizes = [1], strides = [1]} : vector<16xi32> to vector<1xi32>
      %squeeze3A_257 = vector.extract %slice3A_256[0] : i32 from vector<1xi32>
      %mul3A_258 = arith.constant 16 : i32
      %mul3A_259 = arith.muli %scan3A_97, %mul3A_258 : i32
      %add3A_260 = arith.constant 11 : i32
      %add3A_261 = arith.addi %mul3A_259, %add3A_260 : i32
      %dma_start3A_262 = arith.constant 0 : i32
      %dma_start3A_263 = tpu.memref_slice %arg11[%add3A_261, %dma_start3A_262] : memref<256x64xf32, #tpu.memory_space<vmem>> -> memref<1x64xf32, #tpu.memory_space<vmem>>
      %dma_start3A_264 = arith.constant 0 : i32
      %dma_start3A_265 = tpu.memref_slice %arg5[%squeeze3A_257, %dma_start3A_264] : memref<1000000x64xf32, #tpu.memory_space<hbm>> -> memref<1x64xf32, #tpu.memory_space<hbm>>
      %dma_start3A_266 = arith.constant 0 : i32
      %dma_start3A_267 = tpu.memref_slice %arg11[%add3A_261, %dma_start3A_266] : memref<256x64xf32, #tpu.memory_space<vmem>> -> memref<1x64xf32, #tpu.memory_space<vmem>>
      %dma_start3A_268 = arith.constant 0 : i32
      %dma_start3A_269 = tpu.memref_slice %arg5[%squeeze3A_257, %dma_start3A_268] : memref<1000000x64xf32, #tpu.memory_space<hbm>> -> memref<1x64xf32, #tpu.memory_space<hbm>>
      tpu.enqueue_dma source(%dma_start3A_269 : memref<1x64xf32, #tpu.memory_space<hbm>>) target(%dma_start3A_267 : memref<1x64xf32, #tpu.memory_space<vmem>>) target_semaphore(%arg14 : memref<!tpu.dma_semaphore, #tpu.memory_space<semaphore_mem>>)
      %slice3A_270 = vector.extract_strided_slice %get3A_104 {offsets = [12], sizes = [1], strides = [1]} : vector<16xi32> to vector<1xi32>
      %squeeze3A_271 = vector.extract %slice3A_270[0] : i32 from vector<1xi32>
      %mul3A_272 = arith.constant 16 : i32
      %mul3A_273 = arith.muli %scan3A_97, %mul3A_272 : i32
      %add3A_274 = arith.constant 12 : i32
      %add3A_275 = arith.addi %mul3A_273, %add3A_274 : i32
      %dma_start3A_276 = arith.constant 0 : i32
      %dma_start3A_277 = tpu.memref_slice %arg11[%add3A_275, %dma_start3A_276] : memref<256x64xf32, #tpu.memory_space<vmem>> -> memref<1x64xf32, #tpu.memory_space<vmem>>
      %dma_start3A_278 = arith.constant 0 : i32
      %dma_start3A_279 = tpu.memref_slice %arg5[%squeeze3A_271, %dma_start3A_278] : memref<1000000x64xf32, #tpu.memory_space<hbm>> -> memref<1x64xf32, #tpu.memory_space<hbm>>
      %dma_start3A_280 = arith.constant 0 : i32
      %dma_start3A_281 = tpu.memref_slice %arg11[%add3A_275, %dma_start3A_280] : memref<256x64xf32, #tpu.memory_space<vmem>> -> memref<1x64xf32, #tpu.memory_space<vmem>>
      %dma_start3A_282 = arith.constant 0 : i32
      %dma_start3A_283 = tpu.memref_slice %arg5[%squeeze3A_271, %dma_start3A_282] : memref<1000000x64xf32, #tpu.memory_space<hbm>> -> memref<1x64xf32, #tpu.memory_space<hbm>>
      tpu.enqueue_dma source(%dma_start3A_283 : memref<1x64xf32, #tpu.memory_space<hbm>>) target(%dma_start3A_281 : memref<1x64xf32, #tpu.memory_space<vmem>>) target_semaphore(%arg14 : memref<!tpu.dma_semaphore, #tpu.memory_space<semaphore_mem>>)
      %slice3A_284 = vector.extract_strided_slice %get3A_104 {offsets = [13], sizes = [1], strides = [1]} : vector<16xi32> to vector<1xi32>
      %squeeze3A_285 = vector.extract %slice3A_284[0] : i32 from vector<1xi32>
      %mul3A_286 = arith.constant 16 : i32
      %mul3A_287 = arith.muli %scan3A_97, %mul3A_286 : i32
      %add3A_288 = arith.constant 13 : i32
      %add3A_289 = arith.addi %mul3A_287, %add3A_288 : i32
      %dma_start3A_290 = arith.constant 0 : i32
      %dma_start3A_291 = tpu.memref_slice %arg11[%add3A_289, %dma_start3A_290] : memref<256x64xf32, #tpu.memory_space<vmem>> -> memref<1x64xf32, #tpu.memory_space<vmem>>
      %dma_start3A_292 = arith.constant 0 : i32
      %dma_start3A_293 = tpu.memref_slice %arg5[%squeeze3A_285, %dma_start3A_292] : memref<1000000x64xf32, #tpu.memory_space<hbm>> -> memref<1x64xf32, #tpu.memory_space<hbm>>
      %dma_start3A_294 = arith.constant 0 : i32
      %dma_start3A_295 = tpu.memref_slice %arg11[%add3A_289, %dma_start3A_294] : memref<256x64xf32, #tpu.memory_space<vmem>> -> memref<1x64xf32, #tpu.memory_space<vmem>>
      %dma_start3A_296 = arith.constant 0 : i32
      %dma_start3A_297 = tpu.memref_slice %arg5[%squeeze3A_285, %dma_start3A_296] : memref<1000000x64xf32, #tpu.memory_space<hbm>> -> memref<1x64xf32, #tpu.memory_space<hbm>>
      tpu.enqueue_dma source(%dma_start3A_297 : memref<1x64xf32, #tpu.memory_space<hbm>>) target(%dma_start3A_295 : memref<1x64xf32, #tpu.memory_space<vmem>>) target_semaphore(%arg14 : memref<!tpu.dma_semaphore, #tpu.memory_space<semaphore_mem>>)
      %slice3A_298 = vector.extract_strided_slice %get3A_104 {offsets = [14], sizes = [1], strides = [1]} : vector<16xi32> to vector<1xi32>
      %squeeze3A_299 = vector.extract %slice3A_298[0] : i32 from vector<1xi32>
      %mul3A_300 = arith.constant 16 : i32
      %mul3A_301 = arith.muli %scan3A_97, %mul3A_300 : i32
      %add3A_302 = arith.constant 14 : i32
      %add3A_303 = arith.addi %mul3A_301, %add3A_302 : i32
      %dma_start3A_304 = arith.constant 0 : i32
      %dma_start3A_305 = tpu.memref_slice %arg11[%add3A_303, %dma_start3A_304] : memref<256x64xf32, #tpu.memory_space<vmem>> -> memref<1x64xf32, #tpu.memory_space<vmem>>
      %dma_start3A_306 = arith.constant 0 : i32
      %dma_start3A_307 = tpu.memref_slice %arg5[%squeeze3A_299, %dma_start3A_306] : memref<1000000x64xf32, #tpu.memory_space<hbm>> -> memref<1x64xf32, #tpu.memory_space<hbm>>
      %dma_start3A_308 = arith.constant 0 : i32
      %dma_start3A_309 = tpu.memref_slice %arg11[%add3A_303, %dma_start3A_308] : memref<256x64xf32, #tpu.memory_space<vmem>> -> memref<1x64xf32, #tpu.memory_space<vmem>>
      %dma_start3A_310 = arith.constant 0 : i32
      %dma_start3A_311 = tpu.memref_slice %arg5[%squeeze3A_299, %dma_start3A_310] : memref<1000000x64xf32, #tpu.memory_space<hbm>> -> memref<1x64xf32, #tpu.memory_space<hbm>>
      tpu.enqueue_dma source(%dma_start3A_311 : memref<1x64xf32, #tpu.memory_space<hbm>>) target(%dma_start3A_309 : memref<1x64xf32, #tpu.memory_space<vmem>>) target_semaphore(%arg14 : memref<!tpu.dma_semaphore, #tpu.memory_space<semaphore_mem>>)
      %slice3A_312 = vector.extract_strided_slice %get3A_104 {offsets = [15], sizes = [1], strides = [1]} : vector<16xi32> to vector<1xi32>
      %squeeze3A_313 = vector.extract %slice3A_312[0] : i32 from vector<1xi32>
      %mul3A_314 = arith.constant 16 : i32
      %mul3A_315 = arith.muli %scan3A_97, %mul3A_314 : i32
      %add3A_316 = arith.constant 15 : i32
      %add3A_317 = arith.addi %mul3A_315, %add3A_316 : i32
      %dma_start3A_318 = arith.constant 0 : i32
      %dma_start3A_319 = tpu.memref_slice %arg11[%add3A_317, %dma_start3A_318] : memref<256x64xf32, #tpu.memory_space<vmem>> -> memref<1x64xf32, #tpu.memory_space<vmem>>
      %dma_start3A_320 = arith.constant 0 : i32
      %dma_start3A_321 = tpu.memref_slice %arg5[%squeeze3A_313, %dma_start3A_320] : memref<1000000x64xf32, #tpu.memory_space<hbm>> -> memref<1x64xf32, #tpu.memory_space<hbm>>
      %dma_start3A_322 = arith.constant 0 : i32
      %dma_start3A_323 = tpu.memref_slice %arg11[%add3A_317, %dma_start3A_322] : memref<256x64xf32, #tpu.memory_space<vmem>> -> memref<1x64xf32, #tpu.memory_space<vmem>>
      %dma_start3A_324 = arith.constant 0 : i32
      %dma_start3A_325 = tpu.memref_slice %arg5[%squeeze3A_313, %dma_start3A_324] : memref<1000000x64xf32, #tpu.memory_space<hbm>> -> memref<1x64xf32, #tpu.memory_space<hbm>>
      tpu.enqueue_dma source(%dma_start3A_325 : memref<1x64xf32, #tpu.memory_space<hbm>>) target(%dma_start3A_323 : memref<1x64xf32, #tpu.memory_space<vmem>>) target_semaphore(%arg14 : memref<!tpu.dma_semaphore, #tpu.memory_space<semaphore_mem>>)
      %scan3A_326 = arith.constant 0 : i32
      scf.yield %scan3A_326 : i32
    }
    %scan3A_58 = arith.constant 16 : i32
    %scan3A_59 = arith.constant 0 : i32
    %scan3A_60 = arith.constant 0 : i32
    %scan3A_61 = arith.constant 16 : i32
    %scan3A_62 = arith.addi %scan3A_60, %scan3A_61 : i32
    %scan3A_63 = arith.constant 1 : i32
    %scan3A_64 = scf.for %scan3A_97 = %scan3A_60 to %scan3A_62 step %scan3A_63 iter_args(%scan3A_98 = %scan3A_59) -> (i32)  : i32 {
      %mul3A_99 = arith.constant 16 : i32
      %mul3A_100 = arith.muli %scan3A_97, %mul3A_99 : i32
      %add3A_101 = arith.constant 768 : i32
      %add3A_102 = arith.addi %add3A_101, %mul3A_100 : i32
      %get3A = arith.index_cast %add3A_102 : i32 to index
      %get3A_103 = tpu.vector_load %arg10[%get3A] {strides = array<i32>} : memref<1536xi32, #tpu.memory_space<vmem>>, vector<16xi32>,
      %get3A_104 = vector.shape_cast %get3A_103 : vector<16xi32> to vector<16xi32>
      %slice3A = vector.extract_strided_slice %get3A_104 {offsets = [0], sizes = [1], strides = [1]} : vector<16xi32> to vector<1xi32>
      %squeeze3A = vector.extract %slice3A[0] : i32 from vector<1xi32>
      %mul3A_105 = arith.constant 16 : i32
      %mul3A_106 = arith.muli %scan3A_97, %mul3A_105 : i32
      %add3A_107 = arith.constant 0 : i32
      %add3A_108 = arith.addi %mul3A_106, %add3A_107 : i32
      %dma_start3A = arith.constant 0 : i32
      %dma_start3A_109 = tpu.memref_slice %arg12[%add3A_108, %dma_start3A] : memref<256x64xf32, #tpu.memory_space<vmem>> -> memref<1x64xf32, #tpu.memory_space<vmem>>
      %dma_start3A_110 = arith.constant 0 : i32
      %dma_start3A_111 = tpu.memref_slice %arg5[%squeeze3A, %dma_start3A_110] : memref<1000000x64xf32, #tpu.memory_space<hbm>> -> memref<1x64xf32, #tpu.memory_space<hbm>>
      %dma_start3A_112 = arith.constant 0 : i32
      %dma_start3A_113 = tpu.memref_slice %arg12[%add3A_108, %dma_start3A_112] : memref<256x64xf32, #tpu.memory_space<vmem>> -> memref<1x64xf32, #tpu.memory_space<vmem>>
      %dma_start3A_114 = arith.constant 0 : i32
      %dma_start3A_115 = tpu.memref_slice %arg5[%squeeze3A, %dma_start3A_114] : memref<1000000x64xf32, #tpu.memory_space<hbm>> -> memref<1x64xf32, #tpu.memory_space<hbm>>
      tpu.enqueue_dma source(%dma_start3A_115 : memref<1x64xf32, #tpu.memory_space<hbm>>) target(%dma_start3A_113 : memref<1x64xf32, #tpu.memory_space<vmem>>) target_semaphore(%arg14 : memref<!tpu.dma_semaphore, #tpu.memory_space<semaphore_mem>>)
      %slice3A_116 = vector.extract_strided_slice %get3A_104 {offsets = [1], sizes = [1], strides = [1]} : vector<16xi32> to vector<1xi32>
      %squeeze3A_117 = vector.extract %slice3A_116[0] : i32 from vector<1xi32>
      %mul3A_118 = arith.constant 16 : i32
      %mul3A_119 = arith.muli %scan3A_97, %mul3A_118 : i32
      %add3A_120 = arith.constant 1 : i32
      %add3A_121 = arith.addi %mul3A_119, %add3A_120 : i32
      %dma_start3A_122 = arith.constant 0 : i32
      %dma_start3A_123 = tpu.memref_slice %arg12[%add3A_121, %dma_start3A_122] : memref<256x64xf32, #tpu.memory_space<vmem>> -> memref<1x64xf32, #tpu.memory_space<vmem>>
      %dma_start3A_124 = arith.constant 0 : i32
      %dma_start3A_125 = tpu.memref_slice %arg5[%squeeze3A_117, %dma_start3A_124] : memref<1000000x64xf32, #tpu.memory_space<hbm>> -> memref<1x64xf32, #tpu.memory_space<hbm>>
      %dma_start3A_126 = arith.constant 0 : i32
      %dma_start3A_127 = tpu.memref_slice %arg12[%add3A_121, %dma_start3A_126] : memref<256x64xf32, #tpu.memory_space<vmem>> -> memref<1x64xf32, #tpu.memory_space<vmem>>
      %dma_start3A_128 = arith.constant 0 : i32
      %dma_start3A_129 = tpu.memref_slice %arg5[%squeeze3A_117, %dma_start3A_128] : memref<1000000x64xf32, #tpu.memory_space<hbm>> -> memref<1x64xf32, #tpu.memory_space<hbm>>
      tpu.enqueue_dma source(%dma_start3A_129 : memref<1x64xf32, #tpu.memory_space<hbm>>) target(%dma_start3A_127 : memref<1x64xf32, #tpu.memory_space<vmem>>) target_semaphore(%arg14 : memref<!tpu.dma_semaphore, #tpu.memory_space<semaphore_mem>>)
      %slice3A_130 = vector.extract_strided_slice %get3A_104 {offsets = [2], sizes = [1], strides = [1]} : vector<16xi32> to vector<1xi32>
      %squeeze3A_131 = vector.extract %slice3A_130[0] : i32 from vector<1xi32>
      %mul3A_132 = arith.constant 16 : i32
      %mul3A_133 = arith.muli %scan3A_97, %mul3A_132 : i32
      %add3A_134 = arith.constant 2 : i32
      %add3A_135 = arith.addi %mul3A_133, %add3A_134 : i32
      %dma_start3A_136 = arith.constant 0 : i32
      %dma_start3A_137 = tpu.memref_slice %arg12[%add3A_135, %dma_start3A_136] : memref<256x64xf32, #tpu.memory_space<vmem>> -> memref<1x64xf32, #tpu.memory_space<vmem>>
      %dma_start3A_138 = arith.constant 0 : i32
      %dma_start3A_139 = tpu.memref_slice %arg5[%squeeze3A_131, %dma_start3A_138] : memref<1000000x64xf32, #tpu.memory_space<hbm>> -> memref<1x64xf32, #tpu.memory_space<hbm>>
      %dma_start3A_140 = arith.constant 0 : i32
      %dma_start3A_141 = tpu.memref_slice %arg12[%add3A_135, %dma_start3A_140] : memref<256x64xf32, #tpu.memory_space<vmem>> -> memref<1x64xf32, #tpu.memory_space<vmem>>
      %dma_start3A_142 = arith.constant 0 : i32
      %dma_start3A_143 = tpu.memref_slice %arg5[%squeeze3A_131, %dma_start3A_142] : memref<1000000x64xf32, #tpu.memory_space<hbm>> -> memref<1x64xf32, #tpu.memory_space<hbm>>
      tpu.enqueue_dma source(%dma_start3A_143 : memref<1x64xf32, #tpu.memory_space<hbm>>) target(%dma_start3A_141 : memref<1x64xf32, #tpu.memory_space<vmem>>) target_semaphore(%arg14 : memref<!tpu.dma_semaphore, #tpu.memory_space<semaphore_mem>>)
      %slice3A_144 = vector.extract_strided_slice %get3A_104 {offsets = [3], sizes = [1], strides = [1]} : vector<16xi32> to vector<1xi32>
      %squeeze3A_145 = vector.extract %slice3A_144[0] : i32 from vector<1xi32>
      %mul3A_146 = arith.constant 16 : i32
      %mul3A_147 = arith.muli %scan3A_97, %mul3A_146 : i32
      %add3A_148 = arith.constant 3 : i32
      %add3A_149 = arith.addi %mul3A_147, %add3A_148 : i32
      %dma_start3A_150 = arith.constant 0 : i32
      %dma_start3A_151 = tpu.memref_slice %arg12[%add3A_149, %dma_start3A_150] : memref<256x64xf32, #tpu.memory_space<vmem>> -> memref<1x64xf32, #tpu.memory_space<vmem>>
      %dma_start3A_152 = arith.constant 0 : i32
      %dma_start3A_153 = tpu.memref_slice %arg5[%squeeze3A_145, %dma_start3A_152] : memref<1000000x64xf32, #tpu.memory_space<hbm>> -> memref<1x64xf32, #tpu.memory_space<hbm>>
      %dma_start3A_154 = arith.constant 0 : i32
      %dma_start3A_155 = tpu.memref_slice %arg12[%add3A_149, %dma_start3A_154] : memref<256x64xf32, #tpu.memory_space<vmem>> -> memref<1x64xf32, #tpu.memory_space<vmem>>
      %dma_start3A_156 = arith.constant 0 : i32
      %dma_start3A_157 = tpu.memref_slice %arg5[%squeeze3A_145, %dma_start3A_156] : memref<1000000x64xf32, #tpu.memory_space<hbm>> -> memref<1x64xf32, #tpu.memory_space<hbm>>
      tpu.enqueue_dma source(%dma_start3A_157 : memref<1x64xf32, #tpu.memory_space<hbm>>) target(%dma_start3A_155 : memref<1x64xf32, #tpu.memory_space<vmem>>) target_semaphore(%arg14 : memref<!tpu.dma_semaphore, #tpu.memory_space<semaphore_mem>>)
      %slice3A_158 = vector.extract_strided_slice %get3A_104 {offsets = [4], sizes = [1], strides = [1]} : vector<16xi32> to vector<1xi32>
      %squeeze3A_159 = vector.extract %slice3A_158[0] : i32 from vector<1xi32>
      %mul3A_160 = arith.constant 16 : i32
      %mul3A_161 = arith.muli %scan3A_97, %mul3A_160 : i32
      %add3A_162 = arith.constant 4 : i32
      %add3A_163 = arith.addi %mul3A_161, %add3A_162 : i32
      %dma_start3A_164 = arith.constant 0 : i32
      %dma_start3A_165 = tpu.memref_slice %arg12[%add3A_163, %dma_start3A_164] : memref<256x64xf32, #tpu.memory_space<vmem>> -> memref<1x64xf32, #tpu.memory_space<vmem>>
      %dma_start3A_166 = arith.constant 0 : i32
      %dma_start3A_167 = tpu.memref_slice %arg5[%squeeze3A_159, %dma_start3A_166] : memref<1000000x64xf32, #tpu.memory_space<hbm>> -> memref<1x64xf32, #tpu.memory_space<hbm>>
      %dma_start3A_168 = arith.constant 0 : i32
      %dma_start3A_169 = tpu.memref_slice %arg12[%add3A_163, %dma_start3A_168] : memref<256x64xf32, #tpu.memory_space<vmem>> -> memref<1x64xf32, #tpu.memory_space<vmem>>
      %dma_start3A_170 = arith.constant 0 : i32
      %dma_start3A_171 = tpu.memref_slice %arg5[%squeeze3A_159, %dma_start3A_170] : memref<1000000x64xf32, #tpu.memory_space<hbm>> -> memref<1x64xf32, #tpu.memory_space<hbm>>
      tpu.enqueue_dma source(%dma_start3A_171 : memref<1x64xf32, #tpu.memory_space<hbm>>) target(%dma_start3A_169 : memref<1x64xf32, #tpu.memory_space<vmem>>) target_semaphore(%arg14 : memref<!tpu.dma_semaphore, #tpu.memory_space<semaphore_mem>>)
      %slice3A_172 = vector.extract_strided_slice %get3A_104 {offsets = [5], sizes = [1], strides = [1]} : vector<16xi32> to vector<1xi32>
      %squeeze3A_173 = vector.extract %slice3A_172[0] : i32 from vector<1xi32>
      %mul3A_174 = arith.constant 16 : i32
      %mul3A_175 = arith.muli %scan3A_97, %mul3A_174 : i32
      %add3A_176 = arith.constant 5 : i32
      %add3A_177 = arith.addi %mul3A_175, %add3A_176 : i32
      %dma_start3A_178 = arith.constant 0 : i32
      %dma_start3A_179 = tpu.memref_slice %arg12[%add3A_177, %dma_start3A_178] : memref<256x64xf32, #tpu.memory_space<vmem>> -> memref<1x64xf32, #tpu.memory_space<vmem>>
      %dma_start3A_180 = arith.constant 0 : i32
      %dma_start3A_181 = tpu.memref_slice %arg5[%squeeze3A_173, %dma_start3A_180] : memref<1000000x64xf32, #tpu.memory_space<hbm>> -> memref<1x64xf32, #tpu.memory_space<hbm>>
      %dma_start3A_182 = arith.constant 0 : i32
      %dma_start3A_183 = tpu.memref_slice %arg12[%add3A_177, %dma_start3A_182] : memref<256x64xf32, #tpu.memory_space<vmem>> -> memref<1x64xf32, #tpu.memory_space<vmem>>
      %dma_start3A_184 = arith.constant 0 : i32
      %dma_start3A_185 = tpu.memref_slice %arg5[%squeeze3A_173, %dma_start3A_184] : memref<1000000x64xf32, #tpu.memory_space<hbm>> -> memref<1x64xf32, #tpu.memory_space<hbm>>
      tpu.enqueue_dma source(%dma_start3A_185 : memref<1x64xf32, #tpu.memory_space<hbm>>) target(%dma_start3A_183 : memref<1x64xf32, #tpu.memory_space<vmem>>) target_semaphore(%arg14 : memref<!tpu.dma_semaphore, #tpu.memory_space<semaphore_mem>>)
      %slice3A_186 = vector.extract_strided_slice %get3A_104 {offsets = [6], sizes = [1], strides = [1]} : vector<16xi32> to vector<1xi32>
      %squeeze3A_187 = vector.extract %slice3A_186[0] : i32 from vector<1xi32>
      %mul3A_188 = arith.constant 16 : i32
      %mul3A_189 = arith.muli %scan3A_97, %mul3A_188 : i32
      %add3A_190 = arith.constant 6 : i32
      %add3A_191 = arith.addi %mul3A_189, %add3A_190 : i32
      %dma_start3A_192 = arith.constant 0 : i32
      %dma_start3A_193 = tpu.memref_slice %arg12[%add3A_191, %dma_start3A_192] : memref<256x64xf32, #tpu.memory_space<vmem>> -> memref<1x64xf32, #tpu.memory_space<vmem>>
      %dma_start3A_194 = arith.constant 0 : i32
      %dma_start3A_195 = tpu.memref_slice %arg5[%squeeze3A_187, %dma_start3A_194] : memref<1000000x64xf32, #tpu.memory_space<hbm>> -> memref<1x64xf32, #tpu.memory_space<hbm>>
      %dma_start3A_196 = arith.constant 0 : i32
      %dma_start3A_197 = tpu.memref_slice %arg12[%add3A_191, %dma_start3A_196] : memref<256x64xf32, #tpu.memory_space<vmem>> -> memref<1x64xf32, #tpu.memory_space<vmem>>
      %dma_start3A_198 = arith.constant 0 : i32
      %dma_start3A_199 = tpu.memref_slice %arg5[%squeeze3A_187, %dma_start3A_198] : memref<1000000x64xf32, #tpu.memory_space<hbm>> -> memref<1x64xf32, #tpu.memory_space<hbm>>
      tpu.enqueue_dma source(%dma_start3A_199 : memref<1x64xf32, #tpu.memory_space<hbm>>) target(%dma_start3A_197 : memref<1x64xf32, #tpu.memory_space<vmem>>) target_semaphore(%arg14 : memref<!tpu.dma_semaphore, #tpu.memory_space<semaphore_mem>>)
      %slice3A_200 = vector.extract_strided_slice %get3A_104 {offsets = [7], sizes = [1], strides = [1]} : vector<16xi32> to vector<1xi32>
      %squeeze3A_201 = vector.extract %slice3A_200[0] : i32 from vector<1xi32>
      %mul3A_202 = arith.constant 16 : i32
      %mul3A_203 = arith.muli %scan3A_97, %mul3A_202 : i32
      %add3A_204 = arith.constant 7 : i32
      %add3A_205 = arith.addi %mul3A_203, %add3A_204 : i32
      %dma_start3A_206 = arith.constant 0 : i32
      %dma_start3A_207 = tpu.memref_slice %arg12[%add3A_205, %dma_start3A_206] : memref<256x64xf32, #tpu.memory_space<vmem>> -> memref<1x64xf32, #tpu.memory_space<vmem>>
      %dma_start3A_208 = arith.constant 0 : i32
      %dma_start3A_209 = tpu.memref_slice %arg5[%squeeze3A_201, %dma_start3A_208] : memref<1000000x64xf32, #tpu.memory_space<hbm>> -> memref<1x64xf32, #tpu.memory_space<hbm>>
      %dma_start3A_210 = arith.constant 0 : i32
      %dma_start3A_211 = tpu.memref_slice %arg12[%add3A_205, %dma_start3A_210] : memref<256x64xf32, #tpu.memory_space<vmem>> -> memref<1x64xf32, #tpu.memory_space<vmem>>
      %dma_start3A_212 = arith.constant 0 : i32
      %dma_start3A_213 = tpu.memref_slice %arg5[%squeeze3A_201, %dma_start3A_212] : memref<1000000x64xf32, #tpu.memory_space<hbm>> -> memref<1x64xf32, #tpu.memory_space<hbm>>
      tpu.enqueue_dma source(%dma_start3A_213 : memref<1x64xf32, #tpu.memory_space<hbm>>) target(%dma_start3A_211 : memref<1x64xf32, #tpu.memory_space<vmem>>) target_semaphore(%arg14 : memref<!tpu.dma_semaphore, #tpu.memory_space<semaphore_mem>>)
      %slice3A_214 = vector.extract_strided_slice %get3A_104 {offsets = [8], sizes = [1], strides = [1]} : vector<16xi32> to vector<1xi32>
      %squeeze3A_215 = vector.extract %slice3A_214[0] : i32 from vector<1xi32>
      %mul3A_216 = arith.constant 16 : i32
      %mul3A_217 = arith.muli %scan3A_97, %mul3A_216 : i32
      %add3A_218 = arith.constant 8 : i32
      %add3A_219 = arith.addi %mul3A_217, %add3A_218 : i32
      %dma_start3A_220 = arith.constant 0 : i32
      %dma_start3A_221 = tpu.memref_slice %arg12[%add3A_219, %dma_start3A_220] : memref<256x64xf32, #tpu.memory_space<vmem>> -> memref<1x64xf32, #tpu.memory_space<vmem>>
      %dma_start3A_222 = arith.constant 0 : i32
      %dma_start3A_223 = tpu.memref_slice %arg5[%squeeze3A_215, %dma_start3A_222] : memref<1000000x64xf32, #tpu.memory_space<hbm>> -> memref<1x64xf32, #tpu.memory_space<hbm>>
      %dma_start3A_224 = arith.constant 0 : i32
      %dma_start3A_225 = tpu.memref_slice %arg12[%add3A_219, %dma_start3A_224] : memref<256x64xf32, #tpu.memory_space<vmem>> -> memref<1x64xf32, #tpu.memory_space<vmem>>
      %dma_start3A_226 = arith.constant 0 : i32
      %dma_start3A_227 = tpu.memref_slice %arg5[%squeeze3A_215, %dma_start3A_226] : memref<1000000x64xf32, #tpu.memory_space<hbm>> -> memref<1x64xf32, #tpu.memory_space<hbm>>
      tpu.enqueue_dma source(%dma_start3A_227 : memref<1x64xf32, #tpu.memory_space<hbm>>) target(%dma_start3A_225 : memref<1x64xf32, #tpu.memory_space<vmem>>) target_semaphore(%arg14 : memref<!tpu.dma_semaphore, #tpu.memory_space<semaphore_mem>>)
      %slice3A_228 = vector.extract_strided_slice %get3A_104 {offsets = [9], sizes = [1], strides = [1]} : vector<16xi32> to vector<1xi32>
      %squeeze3A_229 = vector.extract %slice3A_228[0] : i32 from vector<1xi32>
      %mul3A_230 = arith.constant 16 : i32
      %mul3A_231 = arith.muli %scan3A_97, %mul3A_230 : i32
      %add3A_232 = arith.constant 9 : i32
      %add3A_233 = arith.addi %mul3A_231, %add3A_232 : i32
      %dma_start3A_234 = arith.constant 0 : i32
      %dma_start3A_235 = tpu.memref_slice %arg12[%add3A_233, %dma_start3A_234] : memref<256x64xf32, #tpu.memory_space<vmem>> -> memref<1x64xf32, #tpu.memory_space<vmem>>
      %dma_start3A_236 = arith.constant 0 : i32
      %dma_start3A_237 = tpu.memref_slice %arg5[%squeeze3A_229, %dma_start3A_236] : memref<1000000x64xf32, #tpu.memory_space<hbm>> -> memref<1x64xf32, #tpu.memory_space<hbm>>
      %dma_start3A_238 = arith.constant 0 : i32
      %dma_start3A_239 = tpu.memref_slice %arg12[%add3A_233, %dma_start3A_238] : memref<256x64xf32, #tpu.memory_space<vmem>> -> memref<1x64xf32, #tpu.memory_space<vmem>>
      %dma_start3A_240 = arith.constant 0 : i32
      %dma_start3A_241 = tpu.memref_slice %arg5[%squeeze3A_229, %dma_start3A_240] : memref<1000000x64xf32, #tpu.memory_space<hbm>> -> memref<1x64xf32, #tpu.memory_space<hbm>>
      tpu.enqueue_dma source(%dma_start3A_241 : memref<1x64xf32, #tpu.memory_space<hbm>>) target(%dma_start3A_239 : memref<1x64xf32, #tpu.memory_space<vmem>>) target_semaphore(%arg14 : memref<!tpu.dma_semaphore, #tpu.memory_space<semaphore_mem>>)
      %slice3A_242 = vector.extract_strided_slice %get3A_104 {offsets = [10], sizes = [1], strides = [1]} : vector<16xi32> to vector<1xi32>
      %squeeze3A_243 = vector.extract %slice3A_242[0] : i32 from vector<1xi32>
      %mul3A_244 = arith.constant 16 : i32
      %mul3A_245 = arith.muli %scan3A_97, %mul3A_244 : i32
      %add3A_246 = arith.constant 10 : i32
      %add3A_247 = arith.addi %mul3A_245, %add3A_246 : i32
      %dma_start3A_248 = arith.constant 0 : i32
      %dma_start3A_249 = tpu.memref_slice %arg12[%add3A_247, %dma_start3A_248] : memref<256x64xf32, #tpu.memory_space<vmem>> -> memref<1x64xf32, #tpu.memory_space<vmem>>
      %dma_start3A_250 = arith.constant 0 : i32
      %dma_start3A_251 = tpu.memref_slice %arg5[%squeeze3A_243, %dma_start3A_250] : memref<1000000x64xf32, #tpu.memory_space<hbm>> -> memref<1x64xf32, #tpu.memory_space<hbm>>
      %dma_start3A_252 = arith.constant 0 : i32
      %dma_start3A_253 = tpu.memref_slice %arg12[%add3A_247, %dma_start3A_252] : memref<256x64xf32, #tpu.memory_space<vmem>> -> memref<1x64xf32, #tpu.memory_space<vmem>>
      %dma_start3A_254 = arith.constant 0 : i32
      %dma_start3A_255 = tpu.memref_slice %arg5[%squeeze3A_243, %dma_start3A_254] : memref<1000000x64xf32, #tpu.memory_space<hbm>> -> memref<1x64xf32, #tpu.memory_space<hbm>>
      tpu.enqueue_dma source(%dma_start3A_255 : memref<1x64xf32, #tpu.memory_space<hbm>>) target(%dma_start3A_253 : memref<1x64xf32, #tpu.memory_space<vmem>>) target_semaphore(%arg14 : memref<!tpu.dma_semaphore, #tpu.memory_space<semaphore_mem>>)
      %slice3A_256 = vector.extract_strided_slice %get3A_104 {offsets = [11], sizes = [1], strides = [1]} : vector<16xi32> to vector<1xi32>
      %squeeze3A_257 = vector.extract %slice3A_256[0] : i32 from vector<1xi32>
      %mul3A_258 = arith.constant 16 : i32
      %mul3A_259 = arith.muli %scan3A_97, %mul3A_258 : i32
      %add3A_260 = arith.constant 11 : i32
      %add3A_261 = arith.addi %mul3A_259, %add3A_260 : i32
      %dma_start3A_262 = arith.constant 0 : i32
      %dma_start3A_263 = tpu.memref_slice %arg12[%add3A_261, %dma_start3A_262] : memref<256x64xf32, #tpu.memory_space<vmem>> -> memref<1x64xf32, #tpu.memory_space<vmem>>
      %dma_start3A_264 = arith.constant 0 : i32
      %dma_start3A_265 = tpu.memref_slice %arg5[%squeeze3A_257, %dma_start3A_264] : memref<1000000x64xf32, #tpu.memory_space<hbm>> -> memref<1x64xf32, #tpu.memory_space<hbm>>
      %dma_start3A_266 = arith.constant 0 : i32
      %dma_start3A_267 = tpu.memref_slice %arg12[%add3A_261, %dma_start3A_266] : memref<256x64xf32, #tpu.memory_space<vmem>> -> memref<1x64xf32, #tpu.memory_space<vmem>>
      %dma_start3A_268 = arith.constant 0 : i32
      %dma_start3A_269 = tpu.memref_slice %arg5[%squeeze3A_257, %dma_start3A_268] : memref<1000000x64xf32, #tpu.memory_space<hbm>> -> memref<1x64xf32, #tpu.memory_space<hbm>>
      tpu.enqueue_dma source(%dma_start3A_269 : memref<1x64xf32, #tpu.memory_space<hbm>>) target(%dma_start3A_267 : memref<1x64xf32, #tpu.memory_space<vmem>>) target_semaphore(%arg14 : memref<!tpu.dma_semaphore, #tpu.memory_space<semaphore_mem>>)
      %slice3A_270 = vector.extract_strided_slice %get3A_104 {offsets = [12], sizes = [1], strides = [1]} : vector<16xi32> to vector<1xi32>
      %squeeze3A_271 = vector.extract %slice3A_270[0] : i32 from vector<1xi32>
      %mul3A_272 = arith.constant 16 : i32
      %mul3A_273 = arith.muli %scan3A_97, %mul3A_272 : i32
      %add3A_274 = arith.constant 12 : i32
      %add3A_275 = arith.addi %mul3A_273, %add3A_274 : i32
      %dma_start3A_276 = arith.constant 0 : i32
      %dma_start3A_277 = tpu.memref_slice %arg12[%add3A_275, %dma_start3A_276] : memref<256x64xf32, #tpu.memory_space<vmem>> -> memref<1x64xf32, #tpu.memory_space<vmem>>
      %dma_start3A_278 = arith.constant 0 : i32
      %dma_start3A_279 = tpu.memref_slice %arg5[%squeeze3A_271, %dma_start3A_278] : memref<1000000x64xf32, #tpu.memory_space<hbm>> -> memref<1x64xf32, #tpu.memory_space<hbm>>
      %dma_start3A_280 = arith.constant 0 : i32
      %dma_start3A_281 = tpu.memref_slice %arg12[%add3A_275, %dma_start3A_280] : memref<256x64xf32, #tpu.memory_space<vmem>> -> memref<1x64xf32, #tpu.memory_space<vmem>>
      %dma_start3A_282 = arith.constant 0 : i32
      %dma_start3A_283 = tpu.memref_slice %arg5[%squeeze3A_271, %dma_start3A_282] : memref<1000000x64xf32, #tpu.memory_space<hbm>> -> memref<1x64xf32, #tpu.memory_space<hbm>>
      tpu.enqueue_dma source(%dma_start3A_283 : memref<1x64xf32, #tpu.memory_space<hbm>>) target(%dma_start3A_281 : memref<1x64xf32, #tpu.memory_space<vmem>>) target_semaphore(%arg14 : memref<!tpu.dma_semaphore, #tpu.memory_space<semaphore_mem>>)
      %slice3A_284 = vector.extract_strided_slice %get3A_104 {offsets = [13], sizes = [1], strides = [1]} : vector<16xi32> to vector<1xi32>
      %squeeze3A_285 = vector.extract %slice3A_284[0] : i32 from vector<1xi32>
      %mul3A_286 = arith.constant 16 : i32
      %mul3A_287 = arith.muli %scan3A_97, %mul3A_286 : i32
      %add3A_288 = arith.constant 13 : i32
      %add3A_289 = arith.addi %mul3A_287, %add3A_288 : i32
      %dma_start3A_290 = arith.constant 0 : i32
      %dma_start3A_291 = tpu.memref_slice %arg12[%add3A_289, %dma_start3A_290] : memref<256x64xf32, #tpu.memory_space<vmem>> -> memref<1x64xf32, #tpu.memory_space<vmem>>
      %dma_start3A_292 = arith.constant 0 : i32
      %dma_start3A_293 = tpu.memref_slice %arg5[%squeeze3A_285, %dma_start3A_292] : memref<1000000x64xf32, #tpu.memory_space<hbm>> -> memref<1x64xf32, #tpu.memory_space<hbm>>
      %dma_start3A_294 = arith.constant 0 : i32
      %dma_start3A_295 = tpu.memref_slice %arg12[%add3A_289, %dma_start3A_294] : memref<256x64xf32, #tpu.memory_space<vmem>> -> memref<1x64xf32, #tpu.memory_space<vmem>>
      %dma_start3A_296 = arith.constant 0 : i32
      %dma_start3A_297 = tpu.memref_slice %arg5[%squeeze3A_285, %dma_start3A_296] : memref<1000000x64xf32, #tpu.memory_space<hbm>> -> memref<1x64xf32, #tpu.memory_space<hbm>>
      tpu.enqueue_dma source(%dma_start3A_297 : memref<1x64xf32, #tpu.memory_space<hbm>>) target(%dma_start3A_295 : memref<1x64xf32, #tpu.memory_space<vmem>>) target_semaphore(%arg14 : memref<!tpu.dma_semaphore, #tpu.memory_space<semaphore_mem>>)
      %slice3A_298 = vector.extract_strided_slice %get3A_104 {offsets = [14], sizes = [1], strides = [1]} : vector<16xi32> to vector<1xi32>
      %squeeze3A_299 = vector.extract %slice3A_298[0] : i32 from vector<1xi32>
      %mul3A_300 = arith.constant 16 : i32
      %mul3A_301 = arith.muli %scan3A_97, %mul3A_300 : i32
      %add3A_302 = arith.constant 14 : i32
      %add3A_303 = arith.addi %mul3A_301, %add3A_302 : i32
      %dma_start3A_304 = arith.constant 0 : i32
      %dma_start3A_305 = tpu.memref_slice %arg12[%add3A_303, %dma_start3A_304] : memref<256x64xf32, #tpu.memory_space<vmem>> -> memref<1x64xf32, #tpu.memory_space<vmem>>
      %dma_start3A_306 = arith.constant 0 : i32
      %dma_start3A_307 = tpu.memref_slice %arg5[%squeeze3A_299, %dma_start3A_306] : memref<1000000x64xf32, #tpu.memory_space<hbm>> -> memref<1x64xf32, #tpu.memory_space<hbm>>
      %dma_start3A_308 = arith.constant 0 : i32
      %dma_start3A_309 = tpu.memref_slice %arg12[%add3A_303, %dma_start3A_308] : memref<256x64xf32, #tpu.memory_space<vmem>> -> memref<1x64xf32, #tpu.memory_space<vmem>>
      %dma_start3A_310 = arith.constant 0 : i32
      %dma_start3A_311 = tpu.memref_slice %arg5[%squeeze3A_299, %dma_start3A_310] : memref<1000000x64xf32, #tpu.memory_space<hbm>> -> memref<1x64xf32, #tpu.memory_space<hbm>>
      tpu.enqueue_dma source(%dma_start3A_311 : memref<1x64xf32, #tpu.memory_space<hbm>>) target(%dma_start3A_309 : memref<1x64xf32, #tpu.memory_space<vmem>>) target_semaphore(%arg14 : memref<!tpu.dma_semaphore, #tpu.memory_space<semaphore_mem>>)
      %slice3A_312 = vector.extract_strided_slice %get3A_104 {offsets = [15], sizes = [1], strides = [1]} : vector<16xi32> to vector<1xi32>
      %squeeze3A_313 = vector.extract %slice3A_312[0] : i32 from vector<1xi32>
      %mul3A_314 = arith.constant 16 : i32
      %mul3A_315 = arith.muli %scan3A_97, %mul3A_314 : i32
      %add3A_316 = arith.constant 15 : i32
      %add3A_317 = arith.addi %mul3A_315, %add3A_316 : i32
      %dma_start3A_318 = arith.constant 0 : i32
      %dma_start3A_319 = tpu.memref_slice %arg12[%add3A_317, %dma_start3A_318] : memref<256x64xf32, #tpu.memory_space<vmem>> -> memref<1x64xf32, #tpu.memory_space<vmem>>
      %dma_start3A_320 = arith.constant 0 : i32
      %dma_start3A_321 = tpu.memref_slice %arg5[%squeeze3A_313, %dma_start3A_320] : memref<1000000x64xf32, #tpu.memory_space<hbm>> -> memref<1x64xf32, #tpu.memory_space<hbm>>
      %dma_start3A_322 = arith.constant 0 : i32
      %dma_start3A_323 = tpu.memref_slice %arg12[%add3A_317, %dma_start3A_322] : memref<256x64xf32, #tpu.memory_space<vmem>> -> memref<1x64xf32, #tpu.memory_space<vmem>>
      %dma_start3A_324 = arith.constant 0 : i32
      %dma_start3A_325 = tpu.memref_slice %arg5[%squeeze3A_313, %dma_start3A_324] : memref<1000000x64xf32, #tpu.memory_space<hbm>> -> memref<1x64xf32, #tpu.memory_space<hbm>>
      tpu.enqueue_dma source(%dma_start3A_325 : memref<1x64xf32, #tpu.memory_space<hbm>>) target(%dma_start3A_323 : memref<1x64xf32, #tpu.memory_space<vmem>>) target_semaphore(%arg14 : memref<!tpu.dma_semaphore, #tpu.memory_space<semaphore_mem>>)
      %scan3A_326 = arith.constant 0 : i32
      scf.yield %scan3A_326 : i32
    }
    %scan3A_65 = arith.constant 16 : i32
    %scan3A_66 = arith.constant 0 : i32
    %scan3A_67 = arith.constant 0 : i32
    %scan3A_68 = arith.constant 16 : i32
    %scan3A_69 = arith.addi %scan3A_67, %scan3A_68 : i32
    %scan3A_70 = arith.constant 1 : i32
    %scan3A_71 = scf.for %scan3A_97 = %scan3A_67 to %scan3A_69 step %scan3A_70 iter_args(%scan3A_98 = %scan3A_66) -> (i32)  : i32 {
      %mul3A_99 = arith.constant 16 : i32
      %mul3A_100 = arith.muli %scan3A_97, %mul3A_99 : i32
      %add3A_101 = arith.constant 1280 : i32
      %add3A_102 = arith.addi %add3A_101, %mul3A_100 : i32
      %get3A = arith.index_cast %add3A_102 : i32 to index
      %get3A_103 = tpu.vector_load %arg10[%get3A] {strides = array<i32>} : memref<1536xi32, #tpu.memory_space<vmem>>, vector<16xi32>,
      %get3A_104 = vector.shape_cast %get3A_103 : vector<16xi32> to vector<16xi32>
      %slice3A = vector.extract_strided_slice %get3A_104 {offsets = [0], sizes = [1], strides = [1]} : vector<16xi32> to vector<1xi32>
      %squeeze3A = vector.extract %slice3A[0] : i32 from vector<1xi32>
      %mul3A_105 = arith.constant 16 : i32
      %mul3A_106 = arith.muli %scan3A_97, %mul3A_105 : i32
      %add3A_107 = arith.constant 0 : i32
      %add3A_108 = arith.addi %mul3A_106, %add3A_107 : i32
      %dma_start3A = arith.constant 0 : i32
      %dma_start3A_109 = tpu.memref_slice %arg13[%add3A_108, %dma_start3A] : memref<256x64xf32, #tpu.memory_space<vmem>> -> memref<1x64xf32, #tpu.memory_space<vmem>>
      %dma_start3A_110 = arith.constant 0 : i32
      %dma_start3A_111 = tpu.memref_slice %arg6[%squeeze3A, %dma_start3A_110] : memref<1000x64xf32, #tpu.memory_space<hbm>> -> memref<1x64xf32, #tpu.memory_space<hbm>>
      %dma_start3A_112 = arith.constant 0 : i32
      %dma_start3A_113 = tpu.memref_slice %arg13[%add3A_108, %dma_start3A_112] : memref<256x64xf32, #tpu.memory_space<vmem>> -> memref<1x64xf32, #tpu.memory_space<vmem>>
      %dma_start3A_114 = arith.constant 0 : i32
      %dma_start3A_115 = tpu.memref_slice %arg6[%squeeze3A, %dma_start3A_114] : memref<1000x64xf32, #tpu.memory_space<hbm>> -> memref<1x64xf32, #tpu.memory_space<hbm>>
      tpu.enqueue_dma source(%dma_start3A_115 : memref<1x64xf32, #tpu.memory_space<hbm>>) target(%dma_start3A_113 : memref<1x64xf32, #tpu.memory_space<vmem>>) target_semaphore(%arg14 : memref<!tpu.dma_semaphore, #tpu.memory_space<semaphore_mem>>)
      %slice3A_116 = vector.extract_strided_slice %get3A_104 {offsets = [1], sizes = [1], strides = [1]} : vector<16xi32> to vector<1xi32>
      %squeeze3A_117 = vector.extract %slice3A_116[0] : i32 from vector<1xi32>
      %mul3A_118 = arith.constant 16 : i32
      %mul3A_119 = arith.muli %scan3A_97, %mul3A_118 : i32
      %add3A_120 = arith.constant 1 : i32
      %add3A_121 = arith.addi %mul3A_119, %add3A_120 : i32
      %dma_start3A_122 = arith.constant 0 : i32
      %dma_start3A_123 = tpu.memref_slice %arg13[%add3A_121, %dma_start3A_122] : memref<256x64xf32, #tpu.memory_space<vmem>> -> memref<1x64xf32, #tpu.memory_space<vmem>>
      %dma_start3A_124 = arith.constant 0 : i32
      %dma_start3A_125 = tpu.memref_slice %arg6[%squeeze3A_117, %dma_start3A_124] : memref<1000x64xf32, #tpu.memory_space<hbm>> -> memref<1x64xf32, #tpu.memory_space<hbm>>
      %dma_start3A_126 = arith.constant 0 : i32
      %dma_start3A_127 = tpu.memref_slice %arg13[%add3A_121, %dma_start3A_126] : memref<256x64xf32, #tpu.memory_space<vmem>> -> memref<1x64xf32, #tpu.memory_space<vmem>>
      %dma_start3A_128 = arith.constant 0 : i32
      %dma_start3A_129 = tpu.memref_slice %arg6[%squeeze3A_117, %dma_start3A_128] : memref<1000x64xf32, #tpu.memory_space<hbm>> -> memref<1x64xf32, #tpu.memory_space<hbm>>
      tpu.enqueue_dma source(%dma_start3A_129 : memref<1x64xf32, #tpu.memory_space<hbm>>) target(%dma_start3A_127 : memref<1x64xf32, #tpu.memory_space<vmem>>) target_semaphore(%arg14 : memref<!tpu.dma_semaphore, #tpu.memory_space<semaphore_mem>>)
      %slice3A_130 = vector.extract_strided_slice %get3A_104 {offsets = [2], sizes = [1], strides = [1]} : vector<16xi32> to vector<1xi32>
      %squeeze3A_131 = vector.extract %slice3A_130[0] : i32 from vector<1xi32>
      %mul3A_132 = arith.constant 16 : i32
      %mul3A_133 = arith.muli %scan3A_97, %mul3A_132 : i32
      %add3A_134 = arith.constant 2 : i32
      %add3A_135 = arith.addi %mul3A_133, %add3A_134 : i32
      %dma_start3A_136 = arith.constant 0 : i32
      %dma_start3A_137 = tpu.memref_slice %arg13[%add3A_135, %dma_start3A_136] : memref<256x64xf32, #tpu.memory_space<vmem>> -> memref<1x64xf32, #tpu.memory_space<vmem>>
      %dma_start3A_138 = arith.constant 0 : i32
      %dma_start3A_139 = tpu.memref_slice %arg6[%squeeze3A_131, %dma_start3A_138] : memref<1000x64xf32, #tpu.memory_space<hbm>> -> memref<1x64xf32, #tpu.memory_space<hbm>>
      %dma_start3A_140 = arith.constant 0 : i32
      %dma_start3A_141 = tpu.memref_slice %arg13[%add3A_135, %dma_start3A_140] : memref<256x64xf32, #tpu.memory_space<vmem>> -> memref<1x64xf32, #tpu.memory_space<vmem>>
      %dma_start3A_142 = arith.constant 0 : i32
      %dma_start3A_143 = tpu.memref_slice %arg6[%squeeze3A_131, %dma_start3A_142] : memref<1000x64xf32, #tpu.memory_space<hbm>> -> memref<1x64xf32, #tpu.memory_space<hbm>>
      tpu.enqueue_dma source(%dma_start3A_143 : memref<1x64xf32, #tpu.memory_space<hbm>>) target(%dma_start3A_141 : memref<1x64xf32, #tpu.memory_space<vmem>>) target_semaphore(%arg14 : memref<!tpu.dma_semaphore, #tpu.memory_space<semaphore_mem>>)
      %slice3A_144 = vector.extract_strided_slice %get3A_104 {offsets = [3], sizes = [1], strides = [1]} : vector<16xi32> to vector<1xi32>
      %squeeze3A_145 = vector.extract %slice3A_144[0] : i32 from vector<1xi32>
      %mul3A_146 = arith.constant 16 : i32
      %mul3A_147 = arith.muli %scan3A_97, %mul3A_146 : i32
      %add3A_148 = arith.constant 3 : i32
      %add3A_149 = arith.addi %mul3A_147, %add3A_148 : i32
      %dma_start3A_150 = arith.constant 0 : i32
      %dma_start3A_151 = tpu.memref_slice %arg13[%add3A_149, %dma_start3A_150] : memref<256x64xf32, #tpu.memory_space<vmem>> -> memref<1x64xf32, #tpu.memory_space<vmem>>
      %dma_start3A_152 = arith.constant 0 : i32
      %dma_start3A_153 = tpu.memref_slice %arg6[%squeeze3A_145, %dma_start3A_152] : memref<1000x64xf32, #tpu.memory_space<hbm>> -> memref<1x64xf32, #tpu.memory_space<hbm>>
      %dma_start3A_154 = arith.constant 0 : i32
      %dma_start3A_155 = tpu.memref_slice %arg13[%add3A_149, %dma_start3A_154] : memref<256x64xf32, #tpu.memory_space<vmem>> -> memref<1x64xf32, #tpu.memory_space<vmem>>
      %dma_start3A_156 = arith.constant 0 : i32
      %dma_start3A_157 = tpu.memref_slice %arg6[%squeeze3A_145, %dma_start3A_156] : memref<1000x64xf32, #tpu.memory_space<hbm>> -> memref<1x64xf32, #tpu.memory_space<hbm>>
      tpu.enqueue_dma source(%dma_start3A_157 : memref<1x64xf32, #tpu.memory_space<hbm>>) target(%dma_start3A_155 : memref<1x64xf32, #tpu.memory_space<vmem>>) target_semaphore(%arg14 : memref<!tpu.dma_semaphore, #tpu.memory_space<semaphore_mem>>)
      %slice3A_158 = vector.extract_strided_slice %get3A_104 {offsets = [4], sizes = [1], strides = [1]} : vector<16xi32> to vector<1xi32>
      %squeeze3A_159 = vector.extract %slice3A_158[0] : i32 from vector<1xi32>
      %mul3A_160 = arith.constant 16 : i32
      %mul3A_161 = arith.muli %scan3A_97, %mul3A_160 : i32
      %add3A_162 = arith.constant 4 : i32
      %add3A_163 = arith.addi %mul3A_161, %add3A_162 : i32
      %dma_start3A_164 = arith.constant 0 : i32
      %dma_start3A_165 = tpu.memref_slice %arg13[%add3A_163, %dma_start3A_164] : memref<256x64xf32, #tpu.memory_space<vmem>> -> memref<1x64xf32, #tpu.memory_space<vmem>>
      %dma_start3A_166 = arith.constant 0 : i32
      %dma_start3A_167 = tpu.memref_slice %arg6[%squeeze3A_159, %dma_start3A_166] : memref<1000x64xf32, #tpu.memory_space<hbm>> -> memref<1x64xf32, #tpu.memory_space<hbm>>
      %dma_start3A_168 = arith.constant 0 : i32
      %dma_start3A_169 = tpu.memref_slice %arg13[%add3A_163, %dma_start3A_168] : memref<256x64xf32, #tpu.memory_space<vmem>> -> memref<1x64xf32, #tpu.memory_space<vmem>>
      %dma_start3A_170 = arith.constant 0 : i32
      %dma_start3A_171 = tpu.memref_slice %arg6[%squeeze3A_159, %dma_start3A_170] : memref<1000x64xf32, #tpu.memory_space<hbm>> -> memref<1x64xf32, #tpu.memory_space<hbm>>
      tpu.enqueue_dma source(%dma_start3A_171 : memref<1x64xf32, #tpu.memory_space<hbm>>) target(%dma_start3A_169 : memref<1x64xf32, #tpu.memory_space<vmem>>) target_semaphore(%arg14 : memref<!tpu.dma_semaphore, #tpu.memory_space<semaphore_mem>>)
      %slice3A_172 = vector.extract_strided_slice %get3A_104 {offsets = [5], sizes = [1], strides = [1]} : vector<16xi32> to vector<1xi32>
      %squeeze3A_173 = vector.extract %slice3A_172[0] : i32 from vector<1xi32>
      %mul3A_174 = arith.constant 16 : i32
      %mul3A_175 = arith.muli %scan3A_97, %mul3A_174 : i32
      %add3A_176 = arith.constant 5 : i32
      %add3A_177 = arith.addi %mul3A_175, %add3A_176 : i32
      %dma_start3A_178 = arith.constant 0 : i32
      %dma_start3A_179 = tpu.memref_slice %arg13[%add3A_177, %dma_start3A_178] : memref<256x64xf32, #tpu.memory_space<vmem>> -> memref<1x64xf32, #tpu.memory_space<vmem>>
      %dma_start3A_180 = arith.constant 0 : i32
      %dma_start3A_181 = tpu.memref_slice %arg6[%squeeze3A_173, %dma_start3A_180] : memref<1000x64xf32, #tpu.memory_space<hbm>> -> memref<1x64xf32, #tpu.memory_space<hbm>>
      %dma_start3A_182 = arith.constant 0 : i32
      %dma_start3A_183 = tpu.memref_slice %arg13[%add3A_177, %dma_start3A_182] : memref<256x64xf32, #tpu.memory_space<vmem>> -> memref<1x64xf32, #tpu.memory_space<vmem>>
      %dma_start3A_184 = arith.constant 0 : i32
      %dma_start3A_185 = tpu.memref_slice %arg6[%squeeze3A_173, %dma_start3A_184] : memref<1000x64xf32, #tpu.memory_space<hbm>> -> memref<1x64xf32, #tpu.memory_space<hbm>>
      tpu.enqueue_dma source(%dma_start3A_185 : memref<1x64xf32, #tpu.memory_space<hbm>>) target(%dma_start3A_183 : memref<1x64xf32, #tpu.memory_space<vmem>>) target_semaphore(%arg14 : memref<!tpu.dma_semaphore, #tpu.memory_space<semaphore_mem>>)
      %slice3A_186 = vector.extract_strided_slice %get3A_104 {offsets = [6], sizes = [1], strides = [1]} : vector<16xi32> to vector<1xi32>
      %squeeze3A_187 = vector.extract %slice3A_186[0] : i32 from vector<1xi32>
      %mul3A_188 = arith.constant 16 : i32
      %mul3A_189 = arith.muli %scan3A_97, %mul3A_188 : i32
      %add3A_190 = arith.constant 6 : i32
      %add3A_191 = arith.addi %mul3A_189, %add3A_190 : i32
      %dma_start3A_192 = arith.constant 0 : i32
      %dma_start3A_193 = tpu.memref_slice %arg13[%add3A_191, %dma_start3A_192] : memref<256x64xf32, #tpu.memory_space<vmem>> -> memref<1x64xf32, #tpu.memory_space<vmem>>
      %dma_start3A_194 = arith.constant 0 : i32
      %dma_start3A_195 = tpu.memref_slice %arg6[%squeeze3A_187, %dma_start3A_194] : memref<1000x64xf32, #tpu.memory_space<hbm>> -> memref<1x64xf32, #tpu.memory_space<hbm>>
      %dma_start3A_196 = arith.constant 0 : i32
      %dma_start3A_197 = tpu.memref_slice %arg13[%add3A_191, %dma_start3A_196] : memref<256x64xf32, #tpu.memory_space<vmem>> -> memref<1x64xf32, #tpu.memory_space<vmem>>
      %dma_start3A_198 = arith.constant 0 : i32
      %dma_start3A_199 = tpu.memref_slice %arg6[%squeeze3A_187, %dma_start3A_198] : memref<1000x64xf32, #tpu.memory_space<hbm>> -> memref<1x64xf32, #tpu.memory_space<hbm>>
      tpu.enqueue_dma source(%dma_start3A_199 : memref<1x64xf32, #tpu.memory_space<hbm>>) target(%dma_start3A_197 : memref<1x64xf32, #tpu.memory_space<vmem>>) target_semaphore(%arg14 : memref<!tpu.dma_semaphore, #tpu.memory_space<semaphore_mem>>)
      %slice3A_200 = vector.extract_strided_slice %get3A_104 {offsets = [7], sizes = [1], strides = [1]} : vector<16xi32> to vector<1xi32>
      %squeeze3A_201 = vector.extract %slice3A_200[0] : i32 from vector<1xi32>
      %mul3A_202 = arith.constant 16 : i32
      %mul3A_203 = arith.muli %scan3A_97, %mul3A_202 : i32
      %add3A_204 = arith.constant 7 : i32
      %add3A_205 = arith.addi %mul3A_203, %add3A_204 : i32
      %dma_start3A_206 = arith.constant 0 : i32
      %dma_start3A_207 = tpu.memref_slice %arg13[%add3A_205, %dma_start3A_206] : memref<256x64xf32, #tpu.memory_space<vmem>> -> memref<1x64xf32, #tpu.memory_space<vmem>>
      %dma_start3A_208 = arith.constant 0 : i32
      %dma_start3A_209 = tpu.memref_slice %arg6[%squeeze3A_201, %dma_start3A_208] : memref<1000x64xf32, #tpu.memory_space<hbm>> -> memref<1x64xf32, #tpu.memory_space<hbm>>
      %dma_start3A_210 = arith.constant 0 : i32
      %dma_start3A_211 = tpu.memref_slice %arg13[%add3A_205, %dma_start3A_210] : memref<256x64xf32, #tpu.memory_space<vmem>> -> memref<1x64xf32, #tpu.memory_space<vmem>>
      %dma_start3A_212 = arith.constant 0 : i32
      %dma_start3A_213 = tpu.memref_slice %arg6[%squeeze3A_201, %dma_start3A_212] : memref<1000x64xf32, #tpu.memory_space<hbm>> -> memref<1x64xf32, #tpu.memory_space<hbm>>
      tpu.enqueue_dma source(%dma_start3A_213 : memref<1x64xf32, #tpu.memory_space<hbm>>) target(%dma_start3A_211 : memref<1x64xf32, #tpu.memory_space<vmem>>) target_semaphore(%arg14 : memref<!tpu.dma_semaphore, #tpu.memory_space<semaphore_mem>>)
      %slice3A_214 = vector.extract_strided_slice %get3A_104 {offsets = [8], sizes = [1], strides = [1]} : vector<16xi32> to vector<1xi32>
      %squeeze3A_215 = vector.extract %slice3A_214[0] : i32 from vector<1xi32>
      %mul3A_216 = arith.constant 16 : i32
      %mul3A_217 = arith.muli %scan3A_97, %mul3A_216 : i32
      %add3A_218 = arith.constant 8 : i32
      %add3A_219 = arith.addi %mul3A_217, %add3A_218 : i32
      %dma_start3A_220 = arith.constant 0 : i32
      %dma_start3A_221 = tpu.memref_slice %arg13[%add3A_219, %dma_start3A_220] : memref<256x64xf32, #tpu.memory_space<vmem>> -> memref<1x64xf32, #tpu.memory_space<vmem>>
      %dma_start3A_222 = arith.constant 0 : i32
      %dma_start3A_223 = tpu.memref_slice %arg6[%squeeze3A_215, %dma_start3A_222] : memref<1000x64xf32, #tpu.memory_space<hbm>> -> memref<1x64xf32, #tpu.memory_space<hbm>>
      %dma_start3A_224 = arith.constant 0 : i32
      %dma_start3A_225 = tpu.memref_slice %arg13[%add3A_219, %dma_start3A_224] : memref<256x64xf32, #tpu.memory_space<vmem>> -> memref<1x64xf32, #tpu.memory_space<vmem>>
      %dma_start3A_226 = arith.constant 0 : i32
      %dma_start3A_227 = tpu.memref_slice %arg6[%squeeze3A_215, %dma_start3A_226] : memref<1000x64xf32, #tpu.memory_space<hbm>> -> memref<1x64xf32, #tpu.memory_space<hbm>>
      tpu.enqueue_dma source(%dma_start3A_227 : memref<1x64xf32, #tpu.memory_space<hbm>>) target(%dma_start3A_225 : memref<1x64xf32, #tpu.memory_space<vmem>>) target_semaphore(%arg14 : memref<!tpu.dma_semaphore, #tpu.memory_space<semaphore_mem>>)
      %slice3A_228 = vector.extract_strided_slice %get3A_104 {offsets = [9], sizes = [1], strides = [1]} : vector<16xi32> to vector<1xi32>
      %squeeze3A_229 = vector.extract %slice3A_228[0] : i32 from vector<1xi32>
      %mul3A_230 = arith.constant 16 : i32
      %mul3A_231 = arith.muli %scan3A_97, %mul3A_230 : i32
      %add3A_232 = arith.constant 9 : i32
      %add3A_233 = arith.addi %mul3A_231, %add3A_232 : i32
      %dma_start3A_234 = arith.constant 0 : i32
      %dma_start3A_235 = tpu.memref_slice %arg13[%add3A_233, %dma_start3A_234] : memref<256x64xf32, #tpu.memory_space<vmem>> -> memref<1x64xf32, #tpu.memory_space<vmem>>
      %dma_start3A_236 = arith.constant 0 : i32
      %dma_start3A_237 = tpu.memref_slice %arg6[%squeeze3A_229, %dma_start3A_236] : memref<1000x64xf32, #tpu.memory_space<hbm>> -> memref<1x64xf32, #tpu.memory_space<hbm>>
      %dma_start3A_238 = arith.constant 0 : i32
      %dma_start3A_239 = tpu.memref_slice %arg13[%add3A_233, %dma_start3A_238] : memref<256x64xf32, #tpu.memory_space<vmem>> -> memref<1x64xf32, #tpu.memory_space<vmem>>
      %dma_start3A_240 = arith.constant 0 : i32
      %dma_start3A_241 = tpu.memref_slice %arg6[%squeeze3A_229, %dma_start3A_240] : memref<1000x64xf32, #tpu.memory_space<hbm>> -> memref<1x64xf32, #tpu.memory_space<hbm>>
      tpu.enqueue_dma source(%dma_start3A_241 : memref<1x64xf32, #tpu.memory_space<hbm>>) target(%dma_start3A_239 : memref<1x64xf32, #tpu.memory_space<vmem>>) target_semaphore(%arg14 : memref<!tpu.dma_semaphore, #tpu.memory_space<semaphore_mem>>)
      %slice3A_242 = vector.extract_strided_slice %get3A_104 {offsets = [10], sizes = [1], strides = [1]} : vector<16xi32> to vector<1xi32>
      %squeeze3A_243 = vector.extract %slice3A_242[0] : i32 from vector<1xi32>
      %mul3A_244 = arith.constant 16 : i32
      %mul3A_245 = arith.muli %scan3A_97, %mul3A_244 : i32
      %add3A_246 = arith.constant 10 : i32
      %add3A_247 = arith.addi %mul3A_245, %add3A_246 : i32
      %dma_start3A_248 = arith.constant 0 : i32
      %dma_start3A_249 = tpu.memref_slice %arg13[%add3A_247, %dma_start3A_248] : memref<256x64xf32, #tpu.memory_space<vmem>> -> memref<1x64xf32, #tpu.memory_space<vmem>>
      %dma_start3A_250 = arith.constant 0 : i32
      %dma_start3A_251 = tpu.memref_slice %arg6[%squeeze3A_243, %dma_start3A_250] : memref<1000x64xf32, #tpu.memory_space<hbm>> -> memref<1x64xf32, #tpu.memory_space<hbm>>
      %dma_start3A_252 = arith.constant 0 : i32
      %dma_start3A_253 = tpu.memref_slice %arg13[%add3A_247, %dma_start3A_252] : memref<256x64xf32, #tpu.memory_space<vmem>> -> memref<1x64xf32, #tpu.memory_space<vmem>>
      %dma_start3A_254 = arith.constant 0 : i32
      %dma_start3A_255 = tpu.memref_slice %arg6[%squeeze3A_243, %dma_start3A_254] : memref<1000x64xf32, #tpu.memory_space<hbm>> -> memref<1x64xf32, #tpu.memory_space<hbm>>
      tpu.enqueue_dma source(%dma_start3A_255 : memref<1x64xf32, #tpu.memory_space<hbm>>) target(%dma_start3A_253 : memref<1x64xf32, #tpu.memory_space<vmem>>) target_semaphore(%arg14 : memref<!tpu.dma_semaphore, #tpu.memory_space<semaphore_mem>>)
      %slice3A_256 = vector.extract_strided_slice %get3A_104 {offsets = [11], sizes = [1], strides = [1]} : vector<16xi32> to vector<1xi32>
      %squeeze3A_257 = vector.extract %slice3A_256[0] : i32 from vector<1xi32>
      %mul3A_258 = arith.constant 16 : i32
      %mul3A_259 = arith.muli %scan3A_97, %mul3A_258 : i32
      %add3A_260 = arith.constant 11 : i32
      %add3A_261 = arith.addi %mul3A_259, %add3A_260 : i32
      %dma_start3A_262 = arith.constant 0 : i32
      %dma_start3A_263 = tpu.memref_slice %arg13[%add3A_261, %dma_start3A_262] : memref<256x64xf32, #tpu.memory_space<vmem>> -> memref<1x64xf32, #tpu.memory_space<vmem>>
      %dma_start3A_264 = arith.constant 0 : i32
      %dma_start3A_265 = tpu.memref_slice %arg6[%squeeze3A_257, %dma_start3A_264] : memref<1000x64xf32, #tpu.memory_space<hbm>> -> memref<1x64xf32, #tpu.memory_space<hbm>>
      %dma_start3A_266 = arith.constant 0 : i32
      %dma_start3A_267 = tpu.memref_slice %arg13[%add3A_261, %dma_start3A_266] : memref<256x64xf32, #tpu.memory_space<vmem>> -> memref<1x64xf32, #tpu.memory_space<vmem>>
      %dma_start3A_268 = arith.constant 0 : i32
      %dma_start3A_269 = tpu.memref_slice %arg6[%squeeze3A_257, %dma_start3A_268] : memref<1000x64xf32, #tpu.memory_space<hbm>> -> memref<1x64xf32, #tpu.memory_space<hbm>>
      tpu.enqueue_dma source(%dma_start3A_269 : memref<1x64xf32, #tpu.memory_space<hbm>>) target(%dma_start3A_267 : memref<1x64xf32, #tpu.memory_space<vmem>>) target_semaphore(%arg14 : memref<!tpu.dma_semaphore, #tpu.memory_space<semaphore_mem>>)
      %slice3A_270 = vector.extract_strided_slice %get3A_104 {offsets = [12], sizes = [1], strides = [1]} : vector<16xi32> to vector<1xi32>
      %squeeze3A_271 = vector.extract %slice3A_270[0] : i32 from vector<1xi32>
      %mul3A_272 = arith.constant 16 : i32
      %mul3A_273 = arith.muli %scan3A_97, %mul3A_272 : i32
      %add3A_274 = arith.constant 12 : i32
      %add3A_275 = arith.addi %mul3A_273, %add3A_274 : i32
      %dma_start3A_276 = arith.constant 0 : i32
      %dma_start3A_277 = tpu.memref_slice %arg13[%add3A_275, %dma_start3A_276] : memref<256x64xf32, #tpu.memory_space<vmem>> -> memref<1x64xf32, #tpu.memory_space<vmem>>
      %dma_start3A_278 = arith.constant 0 : i32
      %dma_start3A_279 = tpu.memref_slice %arg6[%squeeze3A_271, %dma_start3A_278] : memref<1000x64xf32, #tpu.memory_space<hbm>> -> memref<1x64xf32, #tpu.memory_space<hbm>>
      %dma_start3A_280 = arith.constant 0 : i32
      %dma_start3A_281 = tpu.memref_slice %arg13[%add3A_275, %dma_start3A_280] : memref<256x64xf32, #tpu.memory_space<vmem>> -> memref<1x64xf32, #tpu.memory_space<vmem>>
      %dma_start3A_282 = arith.constant 0 : i32
      %dma_start3A_283 = tpu.memref_slice %arg6[%squeeze3A_271, %dma_start3A_282] : memref<1000x64xf32, #tpu.memory_space<hbm>> -> memref<1x64xf32, #tpu.memory_space<hbm>>
      tpu.enqueue_dma source(%dma_start3A_283 : memref<1x64xf32, #tpu.memory_space<hbm>>) target(%dma_start3A_281 : memref<1x64xf32, #tpu.memory_space<vmem>>) target_semaphore(%arg14 : memref<!tpu.dma_semaphore, #tpu.memory_space<semaphore_mem>>)
      %slice3A_284 = vector.extract_strided_slice %get3A_104 {offsets = [13], sizes = [1], strides = [1]} : vector<16xi32> to vector<1xi32>
      %squeeze3A_285 = vector.extract %slice3A_284[0] : i32 from vector<1xi32>
      %mul3A_286 = arith.constant 16 : i32
      %mul3A_287 = arith.muli %scan3A_97, %mul3A_286 : i32
      %add3A_288 = arith.constant 13 : i32
      %add3A_289 = arith.addi %mul3A_287, %add3A_288 : i32
      %dma_start3A_290 = arith.constant 0 : i32
      %dma_start3A_291 = tpu.memref_slice %arg13[%add3A_289, %dma_start3A_290] : memref<256x64xf32, #tpu.memory_space<vmem>> -> memref<1x64xf32, #tpu.memory_space<vmem>>
      %dma_start3A_292 = arith.constant 0 : i32
      %dma_start3A_293 = tpu.memref_slice %arg6[%squeeze3A_285, %dma_start3A_292] : memref<1000x64xf32, #tpu.memory_space<hbm>> -> memref<1x64xf32, #tpu.memory_space<hbm>>
      %dma_start3A_294 = arith.constant 0 : i32
      %dma_start3A_295 = tpu.memref_slice %arg13[%add3A_289, %dma_start3A_294] : memref<256x64xf32, #tpu.memory_space<vmem>> -> memref<1x64xf32, #tpu.memory_space<vmem>>
      %dma_start3A_296 = arith.constant 0 : i32
      %dma_start3A_297 = tpu.memref_slice %arg6[%squeeze3A_285, %dma_start3A_296] : memref<1000x64xf32, #tpu.memory_space<hbm>> -> memref<1x64xf32, #tpu.memory_space<hbm>>
      tpu.enqueue_dma source(%dma_start3A_297 : memref<1x64xf32, #tpu.memory_space<hbm>>) target(%dma_start3A_295 : memref<1x64xf32, #tpu.memory_space<vmem>>) target_semaphore(%arg14 : memref<!tpu.dma_semaphore, #tpu.memory_space<semaphore_mem>>)
      %slice3A_298 = vector.extract_strided_slice %get3A_104 {offsets = [14], sizes = [1], strides = [1]} : vector<16xi32> to vector<1xi32>
      %squeeze3A_299 = vector.extract %slice3A_298[0] : i32 from vector<1xi32>
      %mul3A_300 = arith.constant 16 : i32
      %mul3A_301 = arith.muli %scan3A_97, %mul3A_300 : i32
      %add3A_302 = arith.constant 14 : i32
      %add3A_303 = arith.addi %mul3A_301, %add3A_302 : i32
      %dma_start3A_304 = arith.constant 0 : i32
      %dma_start3A_305 = tpu.memref_slice %arg13[%add3A_303, %dma_start3A_304] : memref<256x64xf32, #tpu.memory_space<vmem>> -> memref<1x64xf32, #tpu.memory_space<vmem>>
      %dma_start3A_306 = arith.constant 0 : i32
      %dma_start3A_307 = tpu.memref_slice %arg6[%squeeze3A_299, %dma_start3A_306] : memref<1000x64xf32, #tpu.memory_space<hbm>> -> memref<1x64xf32, #tpu.memory_space<hbm>>
      %dma_start3A_308 = arith.constant 0 : i32
      %dma_start3A_309 = tpu.memref_slice %arg13[%add3A_303, %dma_start3A_308] : memref<256x64xf32, #tpu.memory_space<vmem>> -> memref<1x64xf32, #tpu.memory_space<vmem>>
      %dma_start3A_310 = arith.constant 0 : i32
      %dma_start3A_311 = tpu.memref_slice %arg6[%squeeze3A_299, %dma_start3A_310] : memref<1000x64xf32, #tpu.memory_space<hbm>> -> memref<1x64xf32, #tpu.memory_space<hbm>>
      tpu.enqueue_dma source(%dma_start3A_311 : memref<1x64xf32, #tpu.memory_space<hbm>>) target(%dma_start3A_309 : memref<1x64xf32, #tpu.memory_space<vmem>>) target_semaphore(%arg14 : memref<!tpu.dma_semaphore, #tpu.memory_space<semaphore_mem>>)
      %slice3A_312 = vector.extract_strided_slice %get3A_104 {offsets = [15], sizes = [1], strides = [1]} : vector<16xi32> to vector<1xi32>
      %squeeze3A_313 = vector.extract %slice3A_312[0] : i32 from vector<1xi32>
      %mul3A_314 = arith.constant 16 : i32
      %mul3A_315 = arith.muli %scan3A_97, %mul3A_314 : i32
      %add3A_316 = arith.constant 15 : i32
      %add3A_317 = arith.addi %mul3A_315, %add3A_316 : i32
      %dma_start3A_318 = arith.constant 0 : i32
      %dma_start3A_319 = tpu.memref_slice %arg13[%add3A_317, %dma_start3A_318] : memref<256x64xf32, #tpu.memory_space<vmem>> -> memref<1x64xf32, #tpu.memory_space<vmem>>
      %dma_start3A_320 = arith.constant 0 : i32
      %dma_start3A_321 = tpu.memref_slice %arg6[%squeeze3A_313, %dma_start3A_320] : memref<1000x64xf32, #tpu.memory_space<hbm>> -> memref<1x64xf32, #tpu.memory_space<hbm>>
      %dma_start3A_322 = arith.constant 0 : i32
      %dma_start3A_323 = tpu.memref_slice %arg13[%add3A_317, %dma_start3A_322] : memref<256x64xf32, #tpu.memory_space<vmem>> -> memref<1x64xf32, #tpu.memory_space<vmem>>
      %dma_start3A_324 = arith.constant 0 : i32
      %dma_start3A_325 = tpu.memref_slice %arg6[%squeeze3A_313, %dma_start3A_324] : memref<1000x64xf32, #tpu.memory_space<hbm>> -> memref<1x64xf32, #tpu.memory_space<hbm>>
      tpu.enqueue_dma source(%dma_start3A_325 : memref<1x64xf32, #tpu.memory_space<hbm>>) target(%dma_start3A_323 : memref<1x64xf32, #tpu.memory_space<vmem>>) target_semaphore(%arg14 : memref<!tpu.dma_semaphore, #tpu.memory_space<semaphore_mem>>)
      %scan3A_326 = arith.constant 0 : i32
      scf.yield %scan3A_326 : i32
    }
    %scan3A_72 = arith.constant 16 : i32
    %dma_wait3A_73 = arith.constant 0 : i32
    %dma_wait3A_74 = arith.constant 0 : i32
    %dma_wait3A_75 = tpu.memref_slice %arg5[%dma_wait3A_73, %dma_wait3A_74] : memref<1000000x64xf32, #tpu.memory_space<hbm>> -> memref<256x64xf32, #tpu.memory_space<hbm>>
    %dma_wait3A_76 = arith.constant 0 : i32
    %dma_wait3A_77 = arith.constant 0 : i32
    %dma_wait3A_78 = tpu.memref_slice %arg5[%dma_wait3A_76, %dma_wait3A_77] : memref<1000000x64xf32, #tpu.memory_space<hbm>> -> memref<256x64xf32, #tpu.memory_space<hbm>>
    tpu.wait_dma2 semaphore(%arg14 : memref<!tpu.dma_semaphore, #tpu.memory_space<semaphore_mem>>) src(%dma_wait3A_78 : memref<256x64xf32, #tpu.memory_space<hbm>>) dst(%arg11 : memref<256x64xf32, #tpu.memory_space<vmem>>)
    %dma_wait3A_79 = arith.constant 0 : i32
    %dma_wait3A_80 = arith.constant 0 : i32
    %dma_wait3A_81 = tpu.memref_slice %arg5[%dma_wait3A_79, %dma_wait3A_80] : memref<1000000x64xf32, #tpu.memory_space<hbm>> -> memref<256x64xf32, #tpu.memory_space<hbm>>
    %dma_wait3A_82 = arith.constant 0 : i32
    %dma_wait3A_83 = arith.constant 0 : i32
    %dma_wait3A_84 = tpu.memref_slice %arg5[%dma_wait3A_82, %dma_wait3A_83] : memref<1000000x64xf32, #tpu.memory_space<hbm>> -> memref<256x64xf32, #tpu.memory_space<hbm>>
    tpu.wait_dma2 semaphore(%arg14 : memref<!tpu.dma_semaphore, #tpu.memory_space<semaphore_mem>>) src(%dma_wait3A_84 : memref<256x64xf32, #tpu.memory_space<hbm>>) dst(%arg12 : memref<256x64xf32, #tpu.memory_space<vmem>>)
    %dma_wait3A_85 = arith.constant 0 : i32
    %dma_wait3A_86 = arith.constant 0 : i32
    %dma_wait3A_87 = tpu.memref_slice %arg6[%dma_wait3A_85, %dma_wait3A_86] : memref<1000x64xf32, #tpu.memory_space<hbm>> -> memref<256x64xf32, #tpu.memory_space<hbm>>
    %dma_wait3A_88 = arith.constant 0 : i32
    %dma_wait3A_89 = arith.constant 0 : i32
    %dma_wait3A_90 = tpu.memref_slice %arg6[%dma_wait3A_88, %dma_wait3A_89] : memref<1000x64xf32, #tpu.memory_space<hbm>> -> memref<256x64xf32, #tpu.memory_space<hbm>>
    tpu.wait_dma2 semaphore(%arg14 : memref<!tpu.dma_semaphore, #tpu.memory_space<semaphore_mem>>) src(%dma_wait3A_90 : memref<256x64xf32, #tpu.memory_space<hbm>>) dst(%arg13 : memref<256x64xf32, #tpu.memory_space<vmem>>)
    %add3A_91 = arith.constant 256 : i32
    %add3A_92 = arith.addi %mul3A_2, %add3A_91 : i32
    "tpu.region"() ({
      %run_scoped3A = tpu.sem_alloc : memref<!tpu.dma_semaphore, #tpu.memory_space<semaphore_mem>>
      %dma_start3A = arith.constant 0 : i32
      %dma_start3A_97 = tpu.memref_slice %arg7[%add3A_92, %dma_start3A] : memref<16384x64xf32, #tpu.memory_space<hbm>> -> memref<256x64xf32, #tpu.memory_space<hbm>>
      %dma_start3A_98 = arith.constant 0 : i32
      %dma_start3A_99 = tpu.memref_slice %arg7[%add3A_92, %dma_start3A_98] : memref<16384x64xf32, #tpu.memory_space<hbm>> -> memref<256x64xf32, #tpu.memory_space<hbm>>
      tpu.enqueue_dma source(%arg11 : memref<256x64xf32, #tpu.memory_space<vmem>>) target(%dma_start3A_99 : memref<256x64xf32, #tpu.memory_space<hbm>>) target_semaphore(%run_scoped3A : memref<!tpu.dma_semaphore, #tpu.memory_space<semaphore_mem>>)
      %dma_wait3A_100 = arith.constant 0 : i32
      %dma_wait3A_101 = tpu.memref_slice %arg7[%add3A_92, %dma_wait3A_100] : memref<16384x64xf32, #tpu.memory_space<hbm>> -> memref<256x64xf32, #tpu.memory_space<hbm>>
      %dma_wait3A_102 = arith.constant 0 : i32
      %dma_wait3A_103 = tpu.memref_slice %arg7[%add3A_92, %dma_wait3A_102] : memref<16384x64xf32, #tpu.memory_space<hbm>> -> memref<256x64xf32, #tpu.memory_space<hbm>>
      tpu.wait_dma2 semaphore(%run_scoped3A : memref<!tpu.dma_semaphore, #tpu.memory_space<semaphore_mem>>) src(%arg11 : memref<256x64xf32, #tpu.memory_space<vmem>>) dst(%dma_wait3A_103 : memref<256x64xf32, #tpu.memory_space<hbm>>)
      tpu.yield
    }) : () -> ()
    %add3A_93 = arith.constant 256 : i32
    %add3A_94 = arith.addi %mul3A_2, %add3A_93 : i32
    "tpu.region"() ({
      %run_scoped3A = tpu.sem_alloc : memref<!tpu.dma_semaphore, #tpu.memory_space<semaphore_mem>>
      %dma_start3A = arith.constant 0 : i32
      %dma_start3A_97 = tpu.memref_slice %arg8[%add3A_94, %dma_start3A] : memref<16384x64xf32, #tpu.memory_space<hbm>> -> memref<256x64xf32, #tpu.memory_space<hbm>>
      %dma_start3A_98 = arith.constant 0 : i32
      %dma_start3A_99 = tpu.memref_slice %arg8[%add3A_94, %dma_start3A_98] : memref<16384x64xf32, #tpu.memory_space<hbm>> -> memref<256x64xf32, #tpu.memory_space<hbm>>
      tpu.enqueue_dma source(%arg12 : memref<256x64xf32, #tpu.memory_space<vmem>>) target(%dma_start3A_99 : memref<256x64xf32, #tpu.memory_space<hbm>>) target_semaphore(%run_scoped3A : memref<!tpu.dma_semaphore, #tpu.memory_space<semaphore_mem>>)
      %dma_wait3A_100 = arith.constant 0 : i32
      %dma_wait3A_101 = tpu.memref_slice %arg8[%add3A_94, %dma_wait3A_100] : memref<16384x64xf32, #tpu.memory_space<hbm>> -> memref<256x64xf32, #tpu.memory_space<hbm>>
      %dma_wait3A_102 = arith.constant 0 : i32
      %dma_wait3A_103 = tpu.memref_slice %arg8[%add3A_94, %dma_wait3A_102] : memref<16384x64xf32, #tpu.memory_space<hbm>> -> memref<256x64xf32, #tpu.memory_space<hbm>>
      tpu.wait_dma2 semaphore(%run_scoped3A : memref<!tpu.dma_semaphore, #tpu.memory_space<semaphore_mem>>) src(%arg12 : memref<256x64xf32, #tpu.memory_space<vmem>>) dst(%dma_wait3A_103 : memref<256x64xf32, #tpu.memory_space<hbm>>)
      tpu.yield
    }) : () -> ()
    %add3A_95 = arith.constant 256 : i32
    %add3A_96 = arith.addi %mul3A_2, %add3A_95 : i32
    "tpu.region"() ({
      %run_scoped3A = tpu.sem_alloc : memref<!tpu.dma_semaphore, #tpu.memory_space<semaphore_mem>>
      %dma_start3A = arith.constant 0 : i32
      %dma_start3A_97 = tpu.memref_slice %arg9[%add3A_96, %dma_start3A] : memref<16384x64xf32, #tpu.memory_space<hbm>> -> memref<256x64xf32, #tpu.memory_space<hbm>>
      %dma_start3A_98 = arith.constant 0 : i32
      %dma_start3A_99 = tpu.memref_slice %arg9[%add3A_96, %dma_start3A_98] : memref<16384x64xf32, #tpu.memory_space<hbm>> -> memref<256x64xf32, #tpu.memory_space<hbm>>
      tpu.enqueue_dma source(%arg13 : memref<256x64xf32, #tpu.memory_space<vmem>>) target(%dma_start3A_99 : memref<256x64xf32, #tpu.memory_space<hbm>>) target_semaphore(%run_scoped3A : memref<!tpu.dma_semaphore, #tpu.memory_space<semaphore_mem>>)
      %dma_wait3A_100 = arith.constant 0 : i32
      %dma_wait3A_101 = tpu.memref_slice %arg9[%add3A_96, %dma_wait3A_100] : memref<16384x64xf32, #tpu.memory_space<hbm>> -> memref<256x64xf32, #tpu.memory_space<hbm>>
      %dma_wait3A_102 = arith.constant 0 : i32
      %dma_wait3A_103 = tpu.memref_slice %arg9[%add3A_96, %dma_wait3A_102] : memref<16384x64xf32, #tpu.memory_space<hbm>> -> memref<256x64xf32, #tpu.memory_space<hbm>>
      tpu.wait_dma2 semaphore(%run_scoped3A : memref<!tpu.dma_semaphore, #tpu.memory_space<semaphore_mem>>) src(%arg13 : memref<256x64xf32, #tpu.memory_space<vmem>>) dst(%dma_wait3A_103 : memref<256x64xf32, #tpu.memory_space<hbm>>)
      tpu.yield
    }) : () -> ()
    return
  }
}

module attributes {stable_mosaic.version = 14 : i64} {
  func.func @_tc_loss_body(%arg0: memref<16384x64xf32, #tpu.memory_space<vmem>>, %arg1: memref<16384x64xf32, #tpu.memory_space<vmem>>, %arg2: memref<16384x64xf32, #tpu.memory_space<vmem>>, %arg3: memref<64x64xf32, #tpu.memory_space<vmem>>, %arg4: memref<16384x1xf32, #tpu.memory_space<vmem>>, %arg5: memref<1x1xf32, #tpu.memory_space<smem>>) attributes {dimension_semantics = [], scalar_prefetch = 0 : i64, scratch_operands = 0 : i64, tpu.core_type = #tpu.core_type<tc>} {
    %get3A = arith.constant 0 : index
    %get3A_0 = arith.constant 0 : index
    %get3A_1 = vector.load %arg0[%get3A, %get3A_0] : memref<16384x64xf32, #tpu.memory_space<vmem>>, vector<16384x64xf32>
    %get3A_2 = arith.constant 0 : index
    %get3A_3 = arith.constant 0 : index
    %get3A_4 = vector.load %arg1[%get3A_2, %get3A_3] : memref<16384x64xf32, #tpu.memory_space<vmem>>, vector<16384x64xf32>
    %sub3A = arith.subf %get3A_1, %get3A_4 : vector<16384x64xf32>
    %get3A_5 = arith.constant 0 : index
    %get3A_6 = arith.constant 0 : index
    %get3A_7 = vector.load %arg3[%get3A_5, %get3A_6] : memref<64x64xf32, #tpu.memory_space<vmem>>, vector<64x64xf32>
    %dot_general3A = arith.constant dense<0.000000e+00> : vector<16384x64xf32>
    %dot_general3A_8 = tpu.matmul %sub3A, %get3A_7, %dot_general3A {dimension_numbers = #tpu.dot_dimension_numbers<[1], [1], [0], [0], [0, 0, 1, 0], [], []>, transpose_lhs_hint = false} : vector<16384x64xf32>, vector<64x64xf32>, vector<16384x64xf32> -> vector<16384x64xf32>
    %get3A_9 = arith.constant 0 : index
    %get3A_10 = arith.constant 0 : index
    %get3A_11 = vector.load %arg2[%get3A_9, %get3A_10] : memref<16384x64xf32, #tpu.memory_space<vmem>>, vector<16384x64xf32>
    %mul3A = arith.mulf %get3A_11, %get3A_11 : vector<16384x64xf32>
    %reduce_sum3A = arith.constant dense<0.000000e+00> : vector<16384xf32>
    %reduce_sum3A_12 = vector.multi_reduction <add>, %mul3A, %reduce_sum3A [1] : vector<16384x64xf32> to vector<16384xf32>
    %broadcast_in_dim3A = vector.shape_cast %reduce_sum3A_12 : vector<16384xf32> to vector<16384x1xf32>
    %sqrt3A = math.sqrt %broadcast_in_dim3A : vector<16384x1xf32>
    %max3A = arith.constant 9.99999996E-13 : f32
    %max3A_13 = vector.broadcast %max3A : f32 to vector<16384x1xf32>
    %max3A_14 = arith.maximumf %sqrt3A, %max3A_13 : vector<16384x1xf32>
    %div3A = vector.broadcast %max3A_14 : vector<16384x1xf32> to vector<16384x64xf32>
    %div3A_15 = arith.divf %get3A_11, %div3A : vector<16384x64xf32>
    %add3A = arith.addf %dot_general3A_8, %div3A_15 : vector<16384x64xf32>
    %add3A_16 = arith.constant 9.99999997E-7 : f32
    %add3A_17 = vector.broadcast %add3A_16 : f32 to vector<16384x64xf32>
    %add3A_18 = arith.addf %add3A, %add3A_17 : vector<16384x64xf32>
    %mul3A_19 = arith.mulf %add3A_18, %add3A_18 : vector<16384x64xf32>
    %reduce_sum3A_20 = arith.constant dense<0.000000e+00> : vector<16384xf32>
    %reduce_sum3A_21 = vector.multi_reduction <add>, %mul3A_19, %reduce_sum3A_20 [1] : vector<16384x64xf32> to vector<16384xf32>
    %broadcast_in_dim3A_22 = vector.shape_cast %reduce_sum3A_21 : vector<16384xf32> to vector<16384x1xf32>
    %sqrt3A_23 = math.sqrt %broadcast_in_dim3A_22 : vector<16384x1xf32>
    %get3A_24 = arith.constant 0 : index
    %get3A_25 = arith.constant 0 : index
    %get3A_26 = vector.load %arg4[%get3A_24, %get3A_25] : memref<16384x1xf32, #tpu.memory_space<vmem>>, vector<16384x1xf32>
    %reduce_sum3A_27 = vector.shape_cast %get3A_26 : vector<16384x1xf32> to vector<1x16384x1xf32>
    %reduce_sum3A_28 = arith.constant dense<0.000000e+00> : vector<1xf32>
    %reduce_sum3A_29 = vector.multi_reduction <add>, %reduce_sum3A_27, %reduce_sum3A_28 [1, 2] : vector<1x16384x1xf32> to vector<1xf32>
    %reduce_sum3A_30 = vector.shape_cast %reduce_sum3A_29 : vector<1xf32> to vector<1x1x1xf32>
    %reduce_sum3A_31 = vector.extract %reduce_sum3A_30[0, 0, 0] : f32 from vector<1x1x1xf32>
    %sub3A_32 = arith.constant 1.638400e+04 : f32
    %sub3A_33 = arith.subf %sub3A_32, %reduce_sum3A_31 : f32
    %mul3A_34 = arith.mulf %sqrt3A_23, %get3A_26 : vector<16384x1xf32>
    %reduce_sum3A_35 = vector.shape_cast %mul3A_34 : vector<16384x1xf32> to vector<1x16384x1xf32>
    %reduce_sum3A_36 = arith.constant dense<0.000000e+00> : vector<1xf32>
    %reduce_sum3A_37 = vector.multi_reduction <add>, %reduce_sum3A_35, %reduce_sum3A_36 [1, 2] : vector<1x16384x1xf32> to vector<1xf32>
    %reduce_sum3A_38 = vector.shape_cast %reduce_sum3A_37 : vector<1xf32> to vector<1x1x1xf32>
    %reduce_sum3A_39 = vector.extract %reduce_sum3A_38[0, 0, 0] : f32 from vector<1x1x1xf32>
    %reduce_sum3A_40 = vector.shape_cast %sqrt3A_23 : vector<16384x1xf32> to vector<1x16384x1xf32>
    %reduce_sum3A_41 = arith.constant dense<0.000000e+00> : vector<1xf32>
    %reduce_sum3A_42 = vector.multi_reduction <add>, %reduce_sum3A_40, %reduce_sum3A_41 [1, 2] : vector<1x16384x1xf32> to vector<1xf32>
    %reduce_sum3A_43 = vector.shape_cast %reduce_sum3A_42 : vector<1xf32> to vector<1x1x1xf32>
    %reduce_sum3A_44 = vector.extract %reduce_sum3A_43[0, 0, 0] : f32 from vector<1x1x1xf32>
    %sub3A_45 = arith.subf %reduce_sum3A_44, %reduce_sum3A_39 : f32
    %gt3A = arith.constant 0.000000e+00 : f32
    %gt3A_46 = arith.cmpf ogt, %reduce_sum3A_31, %gt3A : f32
    %div3A_47 = arith.divf %reduce_sum3A_39, %reduce_sum3A_31 : f32
    %jit3A = arith.constant 0.000000e+00 : f32
    %select_n3A = arith.select %gt3A_46, %div3A_47, %jit3A : f32
    %gt3A_48 = arith.constant 0.000000e+00 : f32
    %gt3A_49 = arith.cmpf ogt, %sub3A_33, %gt3A_48 : f32
    %div3A_50 = arith.divf %sub3A_45, %sub3A_33 : f32
    %jit3A_51 = arith.constant 0.000000e+00 : f32
    %select_n3A_52 = arith.select %gt3A_49, %div3A_50, %jit3A_51 : f32
    %sub3A_53 = arith.subf %select_n3A, %select_n3A_52 : f32
    %add3A_54 = arith.constant 5.000000e+00 : f32
    %add3A_55 = arith.addf %sub3A_53, %add3A_54 : f32
    %max3A_56 = arith.constant 0.000000e+00 : f32
    %max3A_57 = arith.maximumf %max3A_56, %add3A_55 : f32
    %swap3A = arith.constant 0 : index
    %swap3A_58 = arith.constant 0 : index
    %swap3A_59 = memref.load %arg5[%swap3A, %swap3A_58] : memref<1x1xf32, #tpu.memory_space<smem>>
    memref.store %max3A_57, %arg5[%swap3A, %swap3A_58] : memref<1x1xf32, #tpu.memory_space<smem>>
    return
  }
}

</mosaic_0001>

<sc_bundles>
// kernel: kernel.4.cloned.1.call-start
scs
__scs_entry_jumppad:
0x0: {  	(pc) =	sbr.rel $0x88, $3  }
0x1: {  	(tag) =	ssettag $0x0;
	lr =	simm.s32 $0x1  }
0x2: {  	[smem:$0x3F9A] =	sst lr;
	_ =	strace $0xD0000000  }
0x3: {  	_ = 	snop  }
0x4: {  	_ = 	snop  }
0x5: {  	_ = 	snop  }
0x6: {  	_ = 	snop  }
0x7: {  	_ = 	snop  }
__scs_overlays_trampoline_lowered:
0x8: {  	[smem:$0x3FA9] =	sst s0  }
0x9: {  	[smem:$0x3FAA] =	sst s1  }
0xa: {  	[smem:$0x3FAB] =	sst s2  }
0xb: {  	[smem:$0x3FAC] =	sst s3  }
0xc: {  	[smem:$0x3FAD] =	sst s4  }
0xd: {  	[smem:$0x3FAE] =	sst s5  }
0xe: {  	[smem:$0x3FAF] =	sst s6  }
0xf: {  	[smem:$0x3FB0] =	sst s7  }
0x10: {  	[smem:$0x3FB1] =	sst s8  }
0x11: {  	[smem:$0x3FB2] =	sst s9;
	s0 =	simm.s32 @!p0 $0x0  }
0x12: {  	s1 =	sld [smem:$0x3F98];
	s0 =	simm.s32 @p0 $0x1  }
0x13: {  	[smem:$0x3FB3] =	sst s0;
	s0 =	simm.s32 @!p1 $0x0  }
0x14: {  	s2 =	sld [smem:$0x3F97];
	s0 =	simm.s32 @p1 $0x1  }
0x15: {  	[smem:$0x3FB4] =	sst s0;
	s0 =	simm.s32 @!p2 $0x0  }
0x16: {  	s3 =	sld [smem:$0x3FDB];
	s0 =	simm.s32 @p2 $0x1  }
0x17: {  	s4 =	simm.s32 $0x1BF5;
	[smem:$0x3FB6] =	sst s0  }
0x18: {  	s0 =	sld [smem:$0x3F99];
	_ =	swait.ge [sflag:s4], $0x0  }
0x19: {  	s7 =	sld [smem:$0x3F9A]  }
0x1a: {  	s8 =	sadd.s32 $0xFFFFE003, lr  }
0x1b: {  	s9 =	sadd.s32 $0xFFFFFEF7, lr;
	s5 =	simm.s32 $0xFFFFFFFF;
	p2 =	slt.u32 s8, $0xFFFFF086  }
0x1c: {  	p1 =	slt.u32 s9, $0xF7A;
	s5 =	simm.s32 @!p2 $0x0  }
0x1d: {  	s5 =	simm.s32 @p1 $0x1;
	p0 =	seq.s32 s7, s2  }
0x1e: {  	s7 =	smul.u32 @!p0 $0xF7A, s2;
	p2 =	seq.s32 @!p0 s5, $0x0  }
0x1f: {  	s9 =	smul.u32 $0xF7A, s1;
	s8 =	simm.s32 @!p0 $0x1BF5;
	p2 =	por !p2, p0  }
0x20: {  	[sflag:s8] =	ssyncset.s32 @!p0 $0xFFFFF086;
	s6 =	sadd.s32 @!p0 s3, s7;
	s7 =	simm.s32 @!p0 $0x108  }
0x21: {  	s3 =	sadd.s32 s3, s9;
	s6 =	sadd.s32 @!p0 $0x88, s6;
	s7 =	simm.s32 @p2 $0x1082  }
0x22: {  	[simem:s7], [sflag:s8] =	dma.local @!p0 [hbm:s6], $0xF7A  }
0x23: {  	s9 =	sor.u32 $0xD0000000, s2;
	s6 =	simm.s32 $0x108;
	_ =	swait.ge @!p0 [sflag:s8], $0x0  }
0x24: {  	s3 =	sadd.s32 $0x88, s3;
	s6 =	simm.s32 @!p1 $0x1082;
	[sflag:s4] =	ssyncset.s32 $0xFFFFF086  }
0x25: {  	[simem:s6], [sflag:s4] =	dma.local [hbm:s3], $0xF7A  }
0x26: {  	[smem:$0x3F9A] =	sst s1;
	(tag) =	ssettag s2;
	_ =	strace s9  }
0x27: {  	s1 =	sld [smem:$0x3FAA]  }
0x28: {  	s2 =	sld [smem:$0x3FAB]  }
0x29: {  	s4 =	sld [smem:$0x3FAD]  }
0x2a: {  	p0 =	seq.s32 s5, $0x0;
	s5 =	sld [smem:$0x3FAE]  }
0x2b: {  	s6 =	sld [smem:$0x3FAF]  }
0x2c: {  	s7 =	sld [smem:$0x3FB0]  }
0x2d: {  	s3 =	simm.s32 $0x108;
	s8 =	sld [smem:$0x3FB1]  }
0x2e: {  	s3 =	simm.s32 @!p0 $0x1082;
	s9 =	sld [smem:$0x3FB2]  }
0x2f: {  	lr =	sadd.s32 s0, s3;
	s0 =	sld [smem:$0x3FA9]  }
0x30: {  	s3 =	sld [smem:$0x3FAC]  }
0x31: {  	[smem:$0x3FB5] =	sst s10  }
0x32: {  	s10 =	sld [smem:$0x3FB3];
	_ =	sdelay $0x3  }
0x33: {  	p0 =	seq.s32 s10, $0x1;
	s10 =	sld [smem:$0x3FB5];
	_ =	sdelay $0x3  }
0x34: {  	[smem:$0x3FB5] =	sst s10  }
0x35: {  	s10 =	sld [smem:$0x3FB4];
	_ =	sdelay $0x3  }
0x36: {  	p1 =	seq.s32 s10, $0x1;
	s10 =	sld [smem:$0x3FB5];
	_ =	sdelay $0x3  }
0x37: {  	[smem:$0x3FB5] =	sst s10  }
0x38: {  	s10 =	sld [smem:$0x3FB6]  }
0x39: {  	_ = 	snop;
	(pc) =	sbr.ind lr, $3  }
0x3a: {  	_ = 	snop  }
0x3b: {  	_ = 	snop  }
0x3c: {  	p2 =	seq.s32 s10, $0x1;
	s10 =	sld [smem:$0x3FB5]  }
0x3d: {  	_ =	shalt  }
0x3e: {  	_ =	shalt  }
0x3f: {  	_ =	shalt  }
0x40: {  	_ =	shalt  }
0x41: {  	_ =	shalt  }
0x42: {  	_ =	shalt  }
0x43: {  	_ =	shalt  }
0x44: {  	_ =	shalt  }
0x45: {  	_ =	shalt  }
0x46: {  	_ =	shalt  }
0x47: {  	_ =	shalt  }
0x48: {  	_ =	shalt  }
0x49: {  	_ =	shalt  }
0x4a: {  	_ =	shalt  }
0x4b: {  	_ =	shalt  }
0x4c: {  	_ =	shalt  }
0x4d: {  	_ =	shalt  }
0x4e: {  	_ =	shalt  }
0x4f: {  	_ =	shalt  }
0x50: {  	_ =	shalt  }
0x51: {  	_ =	shalt  }
0x52: {  	_ =	shalt  }
0x53: {  	_ =	shalt  }
0x54: {  	_ =	shalt  }
0x55: {  	_ =	shalt  }
0x56: {  	_ =	shalt  }
0x57: {  	_ =	shalt  }
0x58: {  	_ =	shalt  }
0x59: {  	_ =	shalt  }
0x5a: {  	_ =	shalt  }
0x5b: {  	_ =	shalt  }
0x5c: {  	_ =	shalt  }
0x5d: {  	_ =	shalt  }
0x5e: {  	_ =	shalt  }
0x5f: {  	_ =	shalt  }
0x60: {  	_ =	shalt  }
0x61: {  	_ =	shalt  }
0x62: {  	_ =	shalt  }
0x63: {  	_ =	shalt  }
0x64: {  	_ =	shalt  }
0x65: {  	_ =	shalt  }
0x66: {  	_ =	shalt  }
0x67: {  	_ =	shalt  }
0x68: {  	_ =	shalt  }
0x69: {  	_ =	shalt  }
0x6a: {  	_ =	shalt  }
0x6b: {  	_ =	shalt  }
0x6c: {  	_ =	shalt  }
0x6d: {  	_ =	shalt  }
0x6e: {  	_ =	shalt  }
0x6f: {  	_ =	shalt  }
0x70: {  	_ =	shalt  }
0x71: {  	_ =	shalt  }
0x72: {  	_ =	shalt  }
0x73: {  	_ =	shalt  }
0x74: {  	_ =	shalt  }
0x75: {  	_ =	shalt  }
0x76: {  	_ =	shalt  }
0x77: {  	_ =	shalt  }
0x78: {  	_ =	shalt  }
0x79: {  	_ =	shalt  }
0x7a: {  	_ =	shalt  }
0x7b: {  	_ =	shalt  }
0x7c: {  	_ =	shalt  }
0x7d: {  	_ =	shalt  }
0x7e: {  	_ =	shalt  }
0x7f: {  	_ =	shalt  }
0x80: {  	_ =	shalt  }
0x81: {  	_ =	shalt  }
0x82: {  	_ =	shalt  }
0x83: {  	_ =	shalt  }
0x84: {  	_ =	shalt  }
0x85: {  	_ =	shalt  }
0x86: {  	_ =	shalt  }
0x87: {  	_ =	shalt  }
.Lfunc_end0:
.L_simem_size_0:
called_computation_lowered:
.L_overlay_start_0:
0x88: {  	s2 =	sld [smem:$0x3FD9]  }
0x89: {  	s3 =	sld [smem:$0x3FFE];
	_ =	sdelay $0x1  }
0x8a: {  	s1 =	srdreg.scid  }
0x8b: {  	s0 =	sand.u32 $0x1, s1  }
0x8c: {  	s17 =	sshll.u32 s0, $0xA;
	s2 =	sadd.s32 s3, s2  }
0x8d: {  	s2 =	sadd.s32 s2, s17  }
0x8e: {  	[smem:$0x3FC1] =	sst s2  }
0x8f: {  	_ = 	snop  }
0x90: {  	s2 =	sld [smem:$0x3FC9]  }
0x91: {  	s18 =	sld [smem:$0x3FC8]  }
0x92: {  	s4 =	sld [smem:$0x3FC7];
	(tm) =	ssettm $0x1  }
0x93: {  	s5 =	sld [smem:$0x3FFB];
	_ =	sdelay $0x3  }
0x94: {  	_ =	strace s5  }
0x95: {  	s5 =	sld [smem:$0x3FFC];
	_ =	sdelay $0x3  }
0x96: {  	_ =	strace s5  }
0x97: {  	s5 =	sld [smem:$0x3FFD];
	_ =	sdelay $0x3  }
0x98: {  	_ =	strace s5  }
0x99: {  	_ =	strace $0x8FFFFFFF  }
0x9a: {  	s19 =	sld [smem:$0x3FDB];
	_ =	sdelay $0x1  }
0x9b: {  	s6 =	simm.s32 $_scs_section_size  }
0x9c: {  	s7 =	simm.s32 $_size__tile_overlayer_lowered;
	s8 =	simm.s32 $_tile_overlayer_lowered  }
0x9d: {  	s22 =	simm.s32 $0x1BFF;
	s21 =	sshll.u32 s8, $0x1;
	s5 =	sadd.s32 s6, s19  }
0x9e: {  	s9 =	simm.s32 $0x0;
	s20 =	sshll.u32 s7, $0x1;
	s7 =	sadd.s32 s21, s5  }
0x9f: {  	[timem:s9], [sflag:s22] =	dma.local [hbm:s7], s20  }
0xa0: {  	_ =	swait.ge [sflag:s22], s20  }
0xa1: {  	s6 =	ssub.s32 $0x0, s20;
	[sflag:s22] =	ssyncset.done $0x0  }
0xa2: {  	[sflag:s22] =	ssyncadd.s32 s6;
	_ =	sdelay $0x1  }
0xa3: {  	s23 =	simm.s32 $0x1B8B  }
0xa4: {  	_ =	swait.ge [sflag:s23], $0x1  }
0xa5: {  	[sflag:s23] =	ssyncset.done $0x0  }
0xa6: {  	s25 =	simm.s32 $0x1B8E;
	s24 =	sld [smem:$0x3FFE];
	[sflag:s23] =	ssyncadd.s32 $0xFFFFFFFF  }
0xa7: {  	s26 =	simm.s32 $execute0_lowered;
	[smem:$0x3FD2] =	sst s25  }
0xa8: {  	s7 =	sshll.u32 s26, $0x1;
	_ =	strace $0x80000046;
	[dreg:$0x1] =	wrdreg $0xFFFFFFFF  }
0xa9: {  	s28 =	simm.s32 $_size_execute0_lowered;
	s5 =	sadd.s32 s5, s7;
	[dreg:$0x0] =	wrdreg $0x0  }
0xaa: {  	s7 =	sshll.u32 s28, $0x1;
	[dreg:$0x2] =	wrdreg s5  }
0xab: {  	[dreg:$0x3] =	wrdreg s7  }
0xac: {  	[dreg:$0x4] =	wrdreg $0xC0  }
0xad: {  	_ =	task [dreg:s9], $0x5FFFF  }
0xae: {  	[dreg:$0x1] =	wrdreg $0xFFFFFFFF  }
0xaf: {  	[dreg:$0x0] =	wrdreg $0x60  }
0xb0: {  	[dreg:$0x2] =	wrdreg s2  }
0xb1: {  	[dreg:$0x3] =	wrdreg s18  }
0xb2: {  	[dreg:$0x4] =	wrdreg s4  }
0xb3: {  	[dreg:$0x5] =	wrdreg s24  }
0xb4: {  	[dreg:$0x6] =	wrdreg $0x9  }
0xb5: {  	_ =	task.clear_ibuf [dreg:s9], $0x7FFFF;
	_ =	strace $0x90000046  }
0xb6: {  	s29 =	simm.s32 $0x9;
	_ =	strace $0x80000048  }
0xb7: {  	_ =	swait.ge [sflag:s29], $0x1  }
0xb8: {  	[sflag:s29] =	ssyncadd.s32 $0xFFFFFFFF  }
0xb9: {  	_ =	strace $0x90000048  }
0xba: {  	_ =	sfence  }
0xbb: {  	s30 =	sld [smem:$0x0];
	_ =	sdelay $0x2  }
0xbc: {  	s31 =	sshll.u32 s1, $0xD;
	s1 =	sshrl.u32 s1, $0x2  }
0xbd: {  	s3 =	sand.u32 $0x4000, s31;
	s1 =	sadd.s32 s1, s30  }
0xbe: {  	s0 =	sor.u32 s3, s0;
	s1 =	sshll.u32 s1, $0x11  }
0xbf: {  	s0 =	sor.u32 s1, s0  }
0xc0: {  	s0 =	sadd.s32 $0x8F2B, s0  }
0xc1: {  	[sflag:s0] =	ssyncadd.remote.s32 $0x1  }
0xc2: {  	_ =	sfence.sel $0xFFFF  }
0xc3: {  	[dreg:$0x0] =	wrdreg $0xFFFFFFFF;
	(pc) =	sbr.abs _section_cstart, $3  }
0xc4: {  	[dreg:$0x1] =	wrdreg $0xFFFFFFFF  }
0xc5: {  	_ =	task.clear_ibuf [dreg:s9], $0x2FFFF;
	_ =	strace $0x9FFFFFFF  }
0xc6: {  	(tm) =	ssettm $0x7FFFFFFF  }
0xc7: {  	_ =	shalt  }
tec
execute0_lowered:
.L_overlay_start_1:
0x0: {  	(tag) =	ssettag $0x1  }
0x1: {  	s0 =	rddreg [dreg:$0x0]  }
0x2: {  	s2 =	rddreg [dreg:$0x1]  }
0x3: {  	s7 =	rddreg [dreg:$0x2]  }
0x4: {  	s5 =	rddreg [dreg:$0x3];
	s1 =	simm.s32 $0x0  }
0x5: {  	s6 =	srdreg.scid;
	s8 =	stileid.u32;
	s15 =	simm.s32 $0x2  }
0x6: {  	s18 =	simm.s32 $0x1;
	s22 =	simm.s32 $0x0;
	s6 =	sand.u32 $0x1, s6  }
0x7: {  	[smem:$0x7FF] =	sst s1;
	s8 =	sshll.u32 s8, $0xA;
	s9 =	sshll.u32 s6, $0x9  }
0x8: {  	s3 =	sadd.s32 $0x1200, s5;
	s4 =	sadd.s32 $0xF43600, s5;
	s8 =	sor.u32 s9, s8  }
0x9: {  	s11 =	sadd.s32 $0xF47600, s5;
	s12 =	sadd.s32 $0xF87600, s5;
	s9 =	sshrl.u32 s8, $0x3  }
0xa: {  	s13 =	sadd.s32 $0xFC7600, s5;
	_ =	strace $0x80000047;
	s0 =	sadd.s32 s0, s9  }
0xb: {  	s6 =	ssub.s32 $0x2, s6;
	s2 =	sadd.s32 s2, s9;
	[dreg:$0x5] =	wrdreg s0  }
0xc: {  	s25 =	sshll.u32 s8, $0x4;
	s26 =	sadd.s32 s7, s9;
	[dreg:$0x6] =	wrdreg s2  }
0xd: {  	s24 =	sshrl.u32 s6, $0x1;
	s28 =	sadd.s32 s11, s25;
	[dreg:$0x7] =	wrdreg s26  }
0xe: {  	s14 =	ssub.s32 s6, s24;
	s29 =	sadd.s32 s12, s25;
	[dreg:$0x8] =	wrdreg s28  }
0xf: {  	s30 =	sadd.s32 s13, s25;
	[dreg:$0x9] =	wrdreg s29;
	s0 =	sor.u32 $0x1000, s25  }
0x10: {  	s14 =	smax.u32 s14, $0x1;
	[dreg:$0xa] =	wrdreg s30;
	s31 =	sadd.s32 s11, s0  }
0x11: {  	s12 =	sadd.s32 s12, s0;
	s13 =	sadd.s32 s13, s0;
	[dreg:$0xb] =	wrdreg s31  }
.LBB2_1:
0x12: {  	s0 =	rddreg [dreg:$0x5]  }
0x13: {  	[tilespmem:s1], [sflag:$0x2] =	stream.linear.gather [hbm4b:s0+s1], $0x200, $0x38;
	[tilespmem:$0x18600] =	vst v63  }
0x14: {  	_ =	swait.ge [sflag:s15], $0x200  }
0x15: {  	[sflag:s15] =	ssyncset.done $0x0  }
0x16: {  	s2 =	simm.s32 $0x200;
	s29 =	rddreg [dreg:$0x6];
	[sflag:s15] =	ssyncadd.s32 $0xFFFFFE00  }
0x17: {  	[tilespmem:s2], [sflag:$0x2] =	stream.linear.gather [hbm4b:s29+s1], $0x200, $0x38;
	[tilespmem:$0x18600] =	vst v63  }
0x18: {  	_ =	swait.ge [sflag:s15], $0x200  }
0x19: {  	[sflag:s15] =	ssyncset.done $0x0  }
0x1a: {  	s31 =	simm.s32 $0x400;
	s30 =	rddreg [dreg:$0x7];
	[sflag:s15] =	ssyncadd.s32 $0xFFFFFE00  }
0x1b: {  	[tilespmem:s31], [sflag:$0x2] =	stream.linear.gather [hbm4b:s30+s1], $0x200, $0x38;
	[tilespmem:$0x18600] =	vst v63  }
0x1c: {  	_ =	swait.ge [sflag:s15], $0x200  }
0x1d: {  	[sflag:s15] =	ssyncset.done $0x0  }
0x1e: {  	[sflag:s15] =	ssyncadd.s32 $0xFFFFFE00  }
0x1f: {  	v0 =	vld [tilespmem:s1+$0x0];
	_ =	sdelay $0x4  }
0x20: {  	v0 =	vshll.u32 v0, $0x4  }
0x21: {  	(v2sf) =	vpush v0, $0x0  }
0x22: {  	(v2sf) =	vpush v0, $0x1  }
0x23: {  	(v2sf) =	vpush v0, $0x2;
	_ =	sdelay $0x1  }
0x24: {  	(v2sf) =	vpush v0, $0x4;
	_ =	sdelay $0x1  }
0x25: {  	(v2sf) =	vpush v0, $0x3  }
0x26: {  	(v2sf) =	vpush v0, $0x5  }
0x27: {  	s25 =	simm.s32 $0x2000;
	s24 =	simm.s32 $0x0;
	s26 =	simm.s32 $0x0;
	(v2sf) =	vpush v0, $0x6  }
.LBB2_2:
0x28: {  	p0 =	sne.s32 s25, $0x1E000  }
0x29: {  	s20 =	sadd.s32 $0x680, s24;
	s31 =	sadd.s32 $0xB80, s24;
	s28 =	smov.u32 s25  }
0x2a: {  	s25 =	sadd.s32 $0x2000, s25;
	s16 =	sadd.s32 $0x980, s24;
	s29 =	sadd.s32 $0xC00, s24;
	(v2sf) =	vpush v0, $0x7  }
0x2b: {  	s19 =	sadd.s32 $0x880, s24;
	s0 =	sadd.s32 $0xA00, s24;
	s30 =	sadd.s32 $0xC80, s24  }
0x2c: {  	s21 =	sadd.s32 $0x600, s24;
	s5 =	sadd.s32 $0x800, s24;
	(v2sf) =	vpush v0, $0x8  }
0x2d: {  	s23 =	simm.s32 $0x0;
	s6 =	sadd.s32 $0x900, s24;
	s26 =	sadd.s32 $0x10, s26  }
0x2e: {  	s7 =	sadd.s32 $0x700, s24;
	s2 =	sadd.s32 $0xB00, s24;
	s17 =	spop (v2sf);
	(v2sf) =	vpush v0, $0x9  }
0x2f: {  	s8 =	sand.u32 $0x1FFFFFF0, s17;
	s17 =	sadd.s32 $0xA80, s24;
	s9 =	spop (v2sf)  }
0x30: {  	s8 =	sadd.s32 s3, s8;
	s9 =	sand.u32 $0x1FFFFFF0, s9;
	s10 =	spop (v2sf);
	(v2sf) =	vpush v0, $0xA  }
0x31: {  	[tilespmem:s21], [sflag:$0x1] =	stream.linear.gather [hbm4b:s8+s23], $0x80, $0x38;
	[tilespmem:$0x18600] =	vst v63  }
0x32: {  	s8 =	sadd.s32 s3, s9;
	s9 =	sadd.s32 $0x780, s24;
	s21 =	spop (v2sf);
	(v2sf) =	vpush v0, $0xB  }
0x33: {  	[tilespmem:s20], [sflag:$0x1] =	stream.linear.gather [hbm4b:s8+s23], $0x80, $0x38;
	[tilespmem:$0x18600] =	vst v63  }
0x34: {  	s8 =	sand.u32 $0x1FFFFFF0, s10;
	s10 =	sand.u32 $0x1FFFFFF0, s21;
	s20 =	spop (v2sf);
	(v2sf) =	vpush v0, $0xC  }
0x35: {  	s8 =	sadd.s32 s3, s8;
	s20 =	sand.u32 $0x1FFFFFF0, s20;
	s21 =	spop (v2sf)  }
0x36: {  	[tilespmem:s7], [sflag:$0x1] =	stream.linear.gather [hbm4b:s8+s23], $0x80, $0x38;
	(v2sf) =	vpush v0, $0xD;
	[tilespmem:$0x18600] =	vst v63  }
0x37: {  	s7 =	sadd.s32 s3, s20;
	s8 =	sand.u32 $0x1FFFFFF0, s21;
	s20 =	spop (v2sf)  }
0x38: {  	[tilespmem:s9], [sflag:$0x1] =	stream.linear.gather [hbm4b:s7+s23], $0x80, $0x38;
	(v2sf) =	vpush v0, $0xE;
	[tilespmem:$0x18600] =	vst v63  }
0x39: {  	s7 =	sadd.s32 s3, s10;
	s9 =	sand.u32 $0x1FFFFFF0, s20;
	s10 =	spop (v2sf)  }
0x3a: {  	[tilespmem:s5], [sflag:$0x1] =	stream.linear.gather [hbm4b:s7+s23], $0x80, $0x38;
	(v2sf) =	vpush v0, $0xF;
	[tilespmem:$0x18600] =	vst v63  }
0x3b: {  	s5 =	sadd.s32 s3, s8;
	s7 =	sand.u32 $0x1FFFFFF0, s10;
	s8 =	spop (v2sf)  }
0x3c: {  	[tilespmem:s19], [sflag:$0x1] =	stream.linear.gather [hbm4b:s5+s23], $0x80, $0x38;
	[tilespmem:$0x18600] =	vst v63  }
0x3d: {  	s5 =	sadd.s32 s3, s9;
	s8 =	sand.u32 $0x1FFFFFF0, s8;
	s9 =	spop (v2sf)  }
0x3e: {  	[tilespmem:s6], [sflag:$0x1] =	stream.linear.gather [hbm4b:s5+s23], $0x80, $0x38;
	[tilespmem:$0x18600] =	vst v63  }
0x3f: {  	s5 =	sadd.s32 s3, s7;
	s6 =	sand.u32 $0x1FFFFFF0, s9;
	s7 =	spop (v2sf)  }
0x40: {  	[tilespmem:s16], [sflag:$0x1] =	stream.linear.gather [hbm4b:s5+s23], $0x80, $0x38;
	[tilespmem:$0x18600] =	vst v63  }
0x41: {  	s5 =	sadd.s32 s3, s8;
	s7 =	sand.u32 $0x1FFFFFF0, s7;
	s8 =	spop (v2sf)  }
0x42: {  	[tilespmem:s0], [sflag:$0x1] =	stream.linear.gather [hbm4b:s5+s23], $0x80, $0x38;
	[tilespmem:$0x18600] =	vst v63  }
0x43: {  	s0 =	sadd.s32 s3, s6;
	s5 =	sand.u32 $0x1FFFFFF0, s8;
	s6 =	spop (v2sf)  }
0x44: {  	[tilespmem:s17], [sflag:$0x1] =	stream.linear.gather [hbm4b:s0+s23], $0x80, $0x38;
	[tilespmem:$0x18600] =	vst v63  }
0x45: {  	s0 =	sadd.s32 s3, s7;
	s6 =	sand.u32 $0x1FFFFFF0, s6;
	s7 =	spop (v2sf)  }
0x46: {  	[tilespmem:s2], [sflag:$0x1] =	stream.linear.gather [hbm4b:s0+s23], $0x80, $0x38;
	[tilespmem:$0x18600] =	vst v63  }
0x47: {  	s0 =	sadd.s32 s3, s5;
	s2 =	sand.u32 $0x1FFFFFF0, s7;
	s5 =	spop (v2sf)  }
0x48: {  	[tilespmem:s31], [sflag:$0x1] =	stream.linear.gather [hbm4b:s0+s23], $0x80, $0x38;
	[tilespmem:$0x18600] =	vst v63  }
0x49: {  	s0 =	sadd.s32 s3, s6;
	s5 =	sand.u32 $0x1FFFFFF0, s5;
	s6 =	spop (v2sf)  }
0x4a: {  	[tilespmem:s29], [sflag:$0x1] =	stream.linear.gather [hbm4b:s0+s23], $0x80, $0x38;
	[tilespmem:$0x18600] =	vst v63  }
0x4b: {  	s0 =	sadd.s32 s3, s2;
	s2 =	sand.u32 $0x1FFFFFF0, s6  }
0x4c: {  	[tilespmem:s30], [sflag:$0x1] =	stream.linear.gather [hbm4b:s0+s23], $0x80, $0x38;
	[tilespmem:$0x18600] =	vst v63  }
0x4d: {  	s5 =	sadd.s32 s3, s5;
	s0 =	sadd.s32 $0xD00, s24  }
0x4e: {  	[tilespmem:s0], [sflag:$0x1] =	stream.linear.gather [hbm4b:s5+s23], $0x80, $0x38;
	[tilespmem:$0x18600] =	vst v63  }
0x4f: {  	s2 =	sadd.s32 s3, s2;
	s0 =	sadd.s32 $0xD80, s24  }
0x50: {  	[tilespmem:s0], [sflag:$0x1] =	stream.linear.gather [hbm4b:s2+s23], $0x80, $0x38;
	[tilespmem:$0x18600] =	vst v63  }
0x51: {  	v0 =	vld [tilespmem:s26+$0x0];
	_ =	sdelay $0x4  }
0x52: {  	v0 =	vshll.u32 v0, $0x4  }
0x53: {  	(v2sf) =	vpush v0, $0x0  }
0x54: {  	(v2sf) =	vpush v0, $0x1  }
0x55: {  	(v2sf) =	vpush v0, $0x2;
	_ =	sdelay $0x1  }
0x56: {  	(v2sf) =	vpush v0, $0x4  }
.Ltmp0:
0x57: {  	(pc) =	sbr.rel @p0 .LBB2_2-.Ltmp0, $3  }
0x58: {  	(v2sf) =	vpush v0, $0x3  }
0x59: {  	(v2sf) =	vpush v0, $0x5;
	_ =	sdelay $0x1  }
0x5a: {  	s24 =	sshra.s32 s28, $0x2;
	(v2sf) =	vpush v0, $0x6  }
0x5b: {  	_ =	sdelay $0x1  }
0x5c: {  	s5 =	sadd.s32 $0x680, s24;
	s16 =	sadd.s32 $0xB80, s24  }
0x5d: {  	s6 =	sadd.s32 $0x980, s24;
	s0 =	sadd.s32 $0xC00, s24;
	(v2sf) =	vpush v0, $0x7;
	s7 =	sadd.s32 $0x880, s24  }
0x5e: {  	s8 =	sadd.s32 $0xA00, s24;
	s2 =	sadd.s32 $0xC80, s24;
	s9 =	sadd.s32 $0x600, s24  }
0x5f: {  	s10 =	sadd.s32 $0x800, s24;
	s17 =	sadd.s32 $0x900, s24;
	(v2sf) =	vpush v0, $0x8;
	s19 =	spop (v2sf)  }
0x60: {  	s20 =	sadd.s32 $0x700, s24;
	s19 =	sand.u32 $0x1FFFFFF0, s19;
	s21 =	spop (v2sf)  }
0x61: {  	(v2sf) =	vpush v0, $0x9;
	s19 =	sadd.s32 s3, s19;
	s21 =	sand.u32 $0x1FFFFFF0, s21;
	s25 =	spop (v2sf)  }
0x62: {  	[tilespmem:s9], [sflag:$0x1] =	stream.linear.gather [hbm4b:s19+s23], $0x80, $0x38;
	[tilespmem:$0x18600] =	vst v63  }
0x63: {  	s26 =	sadd.s32 $0x780, s24;
	(v2sf) =	vpush v0, $0xA;
	s31 =	sadd.s32 s3, s21;
	s11 =	spop (v2sf)  }
0x64: {  	[tilespmem:s5], [sflag:$0x1] =	stream.linear.gather [hbm4b:s31+s23], $0x80, $0x38;
	[tilespmem:$0x18600] =	vst v63  }
0x65: {  	s9 =	sadd.s32 $0xB00, s24;
	s29 =	sand.u32 $0x1FFFFFF0, s25;
	(v2sf) =	vpush v0, $0xB;
	s30 =	spop (v2sf)  }
0x66: {  	s19 =	sadd.s32 s3, s29;
	s5 =	sadd.s32 $0xA80, s24;
	s25 =	sand.u32 $0x1FFFFFF0, s30  }
0x67: {  	(v2sf) =	vpush v0, $0xC;
	[tilespmem:s20], [sflag:$0x1] =	stream.linear.gather [hbm4b:s19+s23], $0x80, $0x38;
	[tilespmem:$0x18600] =	vst v63  }
0x68: {  	s31 =	sand.u32 $0x1FFFFFF0, s11;
	s11 =	spop (v2sf);
	s29 =	sadd.s32 s3, s25  }
0x69: {  	(v2sf) =	vpush v0, $0xD;
	[tilespmem:s26], [sflag:$0x1] =	stream.linear.gather [hbm4b:s29+s23], $0x80, $0x38;
	[tilespmem:$0x18600] =	vst v63  }
0x6a: {  	s19 =	sadd.s32 s3, s31;
	s20 =	sand.u32 $0x1FFFFFF0, s11;
	s30 =	spop (v2sf)  }
0x6b: {  	(v2sf) =	vpush v0, $0xE;
	[tilespmem:s10], [sflag:$0x1] =	stream.linear.gather [hbm4b:s19+s23], $0x80, $0x38;
	[tilespmem:$0x18600] =	vst v63  }
0x6c: {  	s20 =	sadd.s32 s3, s20;
	s31 =	sand.u32 $0x1FFFFFF0, s30;
	s11 =	spop (v2sf)  }
0x6d: {  	(v2sf) =	vpush v0, $0xF;
	[tilespmem:s7], [sflag:$0x1] =	stream.linear.gather [hbm4b:s20+s23], $0x80, $0x38;
	[tilespmem:$0x18600] =	vst v63  }
0x6e: {  	s21 =	sand.u32 $0x1FFFFFF0, s11;
	s25 =	spop (v2sf);
	s10 =	sadd.s32 s3, s31  }
0x6f: {  	[tilespmem:s17], [sflag:$0x1] =	stream.linear.gather [hbm4b:s10+s23], $0x80, $0x38;
	[tilespmem:$0x18600] =	vst v63  }
0x70: {  	s26 =	sand.u32 $0x1FFFFFF0, s25;
	s7 =	sadd.s32 s3, s21;
	s29 =	spop (v2sf)  }
0x71: {  	[tilespmem:s6], [sflag:$0x1] =	stream.linear.gather [hbm4b:s7+s23], $0x80, $0x38;
	[tilespmem:$0x18600] =	vst v63  }
0x72: {  	s10 =	sadd.s32 s3, s26;
	s30 =	sand.u32 $0x1FFFFFF0, s29;
	s31 =	spop (v2sf)  }
0x73: {  	[tilespmem:s8], [sflag:$0x1] =	stream.linear.gather [hbm4b:s10+s23], $0x80, $0x38;
	[tilespmem:$0x18600] =	vst v63  }
0x74: {  	s7 =	sand.u32 $0x1FFFFFF0, s31;
	s6 =	sadd.s32 s3, s30;
	s10 =	spop (v2sf)  }
0x75: {  	[tilespmem:s5], [sflag:$0x1] =	stream.linear.gather [hbm4b:s6+s23], $0x80, $0x38;
	[tilespmem:$0x18600] =	vst v63  }
0x76: {  	s7 =	sadd.s32 s3, s7;
	s11 =	sand.u32 $0x1FFFFFF0, s10;
	s17 =	spop (v2sf)  }
0x77: {  	[tilespmem:s9], [sflag:$0x1] =	stream.linear.gather [hbm4b:s7+s23], $0x80, $0x38;
	[tilespmem:$0x18600] =	vst v63  }
0x78: {  	s5 =	sadd.s32 s3, s11;
	s6 =	sand.u32 $0x1FFFFFF0, s17;
	s19 =	spop (v2sf)  }
0x79: {  	[tilespmem:s16], [sflag:$0x1] =	stream.linear.gather [hbm4b:s5+s23], $0x80, $0x38;
	[tilespmem:$0x18600] =	vst v63  }
0x7a: {  	s20 =	sand.u32 $0x1FFFFFF0, s19;
	s6 =	sadd.s32 s3, s6;
	s21 =	spop (v2sf)  }
0x7b: {  	[tilespmem:s0], [sflag:$0x1] =	stream.linear.gather [hbm4b:s6+s23], $0x80, $0x38;
	[tilespmem:$0x18600] =	vst v63  }
0x7c: {  	s25 =	sand.u32 $0x1FFFFFF0, s21;
	s26 =	spop (v2sf);
	s5 =	sadd.s32 s3, s20  }
0x7d: {  	[tilespmem:s2], [sflag:$0x1] =	stream.linear.gather [hbm4b:s5+s23], $0x80, $0x38;
	[tilespmem:$0x18600] =	vst v63  }
0x7e: {  	s30 =	sadd.s32 $0xD00, s24;
	s29 =	sand.u32 $0x1FFFFFF0, s26;
	s0 =	sadd.s32 s3, s25  }
0x7f: {  	[tilespmem:s30], [sflag:$0x1] =	stream.linear.gather [hbm4b:s0+s23], $0x80, $0x38;
	[tilespmem:$0x18600] =	vst v63  }
0x80: {  	s31 =	sadd.s32 $0xD80, s24;
	s24 =	sand.u32 $0xF0, s23;
	s2 =	sadd.s32 s3, s29  }
0x81: {  	[tilespmem:s31], [sflag:$0x1] =	stream.linear.gather [hbm4b:s2+s23], $0x80, $0x38;
	[tilespmem:$0x18600] =	vst v63  }
0x82: {  	v0 =	vld [tilespmem:s24+$0x200];
	_ =	sdelay $0x4  }
0x83: {  	v0 =	vshll.u32 v0, $0x4  }
0x84: {  	(v2sf) =	vpush v0, $0x0  }
0x85: {  	(v2sf) =	vpush v0, $0x2  }
0x86: {  	(v2sf) =	vpush v0, $0x1;
	_ =	sdelay $0x1  }
0x87: {  	(v2sf) =	vpush v0, $0x3  }
0x88: {  	(v2sf) =	vpush v0, $0x4;
	_ =	sdelay $0x2  }
0x89: {  	s28 =	simm.s32 $0x10;
	s26 =	simm.s32 $0x0;
	s25 =	simm.s32 $0x2000  }
.LBB2_4:
0x8a: {  	p0 =	sne.s32 s25, $0x1E000;
	(v2sf) =	vpush v0, $0x5;
	s0 =	smov.u32 s25;
	s25 =	sadd.s32 $0x2000, s25  }
0x8b: {  	s29 =	sshra.s32 s26, $0x2;
	s26 =	smov.u32 s0  }
0x8c: {  	s5 =	sadd.s32 $0x8680, s29;
	(v2sf) =	vpush v0, $0x6  }
0x8d: {  	s6 =	sadd.s32 $0x8600, s29  }
0x8e: {  	s0 =	sadd.s32 $0x8B80, s29;
	s31 =	sadd.s32 $0x8C00, s29;
	s30 =	sadd.s32 $0x8C80, s29;
	(v2sf) =	vpush v0, $0x7  }
0x8f: {  	s17 =	sadd.s32 $0x8A00, s29;
	s16 =	sadd.s32 $0x8A80, s29;
	s2 =	sadd.s32 $0x8B00, s29  }
0x90: {  	s7 =	sadd.s32 $0x8900, s29;
	s19 =	sadd.s32 $0x8980, s29;
	s8 =	spop (v2sf);
	(v2sf) =	vpush v0, $0x8  }
0x91: {  	s9 =	sadd.s32 $0x8700, s29;
	s8 =	sand.u32 $0x1FFFFFF0, s8;
	s10 =	spop (v2sf)  }
0x92: {  	s20 =	sadd.s32 $0x8880, s29;
	s8 =	sadd.s32 s3, s8;
	s21 =	spop (v2sf);
	(v2sf) =	vpush v0, $0x9  }
0x93: {  	[tilespmem:s6], [sflag:$0x1] =	stream.linear.gather [hbm4b:s8+s23], $0x80, $0x38;
	[tilespmem:$0x18600] =	vst v63  }
0x94: {  	s6 =	sand.u32 $0x1FFFFFF0, s21;
	s8 =	sand.u32 $0x1FFFFFF0, s10;
	s10 =	spop (v2sf);
	(v2sf) =	vpush v0, $0xA  }
0x95: {  	s21 =	sadd.s32 $0x8800, s29;
	s6 =	sadd.s32 s3, s6;
	s11 =	spop (v2sf)  }
0x96: {  	[tilespmem:s5], [sflag:$0x1] =	stream.linear.gather [hbm4b:s6+s23], $0x80, $0x38;
	(v2sf) =	vpush v0, $0xB;
	[tilespmem:$0x18600] =	vst v63  }
0x97: {  	s5 =	sadd.s32 s3, s8;
	s6 =	sand.u32 $0x1FFFFFF0, s10;
	s8 =	sand.u32 $0x1FFFFFF0, s11  }
0x98: {  	[tilespmem:s9], [sflag:$0x1] =	stream.linear.gather [hbm4b:s5+s23], $0x80, $0x38;
	(v2sf) =	vpush v0, $0xC;
	[tilespmem:$0x18600] =	vst v63  }
0x99: {  	s6 =	sadd.s32 s3, s6;
	s5 =	sadd.s32 $0x8780, s29;
	s9 =	spop (v2sf)  }
0x9a: {  	[tilespmem:s5], [sflag:$0x1] =	stream.linear.gather [hbm4b:s6+s23], $0x80, $0x38;
	(v2sf) =	vpush v0, $0xD;
	[tilespmem:$0x18600] =	vst v63  }
0x9b: {  	s5 =	sadd.s32 s3, s8;
	s6 =	sand.u32 $0x1FFFFFF0, s9;
	s8 =	spop (v2sf)  }
0x9c: {  	[tilespmem:s21], [sflag:$0x1] =	stream.linear.gather [hbm4b:s5+s23], $0x80, $0x38;
	(v2sf) =	vpush v0, $0xE;
	[tilespmem:$0x18600] =	vst v63  }
0x9d: {  	s5 =	sadd.s32 s3, s6;
	s6 =	sand.u32 $0x1FFFFFF0, s8;
	s8 =	spop (v2sf)  }
0x9e: {  	[tilespmem:s20], [sflag:$0x1] =	stream.linear.gather [hbm4b:s5+s23], $0x80, $0x38;
	(v2sf) =	vpush v0, $0xF;
	[tilespmem:$0x18600] =	vst v63  }
0x9f: {  	s5 =	sadd.s32 s3, s6;
	s6 =	sand.u32 $0x1FFFFFF0, s8;
	s8 =	spop (v2sf)  }
0xa0: {  	[tilespmem:s7], [sflag:$0x1] =	stream.linear.gather [hbm4b:s5+s23], $0x80, $0x38;
	[tilespmem:$0x18600] =	vst v63  }
0xa1: {  	s5 =	sadd.s32 s3, s6;
	s6 =	sand.u32 $0x1FFFFFF0, s8;
	s7 =	spop (v2sf)  }
0xa2: {  	[tilespmem:s19], [sflag:$0x1] =	stream.linear.gather [hbm4b:s5+s23], $0x80, $0x38;
	[tilespmem:$0x18600] =	vst v63  }
0xa3: {  	s5 =	sadd.s32 s3, s6;
	s6 =	sand.u32 $0x1FFFFFF0, s7;
	s7 =	spop (v2sf)  }
0xa4: {  	[tilespmem:s17], [sflag:$0x1] =	stream.linear.gather [hbm4b:s5+s23], $0x80, $0x38;
	[tilespmem:$0x18600] =	vst v63  }
0xa5: {  	s5 =	sadd.s32 s3, s6;
	s6 =	sand.u32 $0x1FFFFFF0, s7;
	s7 =	spop (v2sf)  }
0xa6: {  	[tilespmem:s16], [sflag:$0x1] =	stream.linear.gather [hbm4b:s5+s23], $0x80, $0x38;
	[tilespmem:$0x18600] =	vst v63  }
0xa7: {  	s5 =	sadd.s32 s3, s6;
	s6 =	sand.u32 $0x1FFFFFF0, s7;
	s7 =	spop (v2sf)  }
0xa8: {  	[tilespmem:s2], [sflag:$0x1] =	stream.linear.gather [hbm4b:s5+s23], $0x80, $0x38;
	[tilespmem:$0x18600] =	vst v63  }
0xa9: {  	s2 =	sadd.s32 s3, s6;
	s5 =	sand.u32 $0x1FFFFFF0, s7;
	s6 =	spop (v2sf)  }
0xaa: {  	[tilespmem:s0], [sflag:$0x1] =	stream.linear.gather [hbm4b:s2+s23], $0x80, $0x38;
	[tilespmem:$0x18600] =	vst v63  }
0xab: {  	s0 =	sadd.s32 s3, s5;
	s2 =	sand.u32 $0x1FFFFFF0, s6;
	s5 =	spop (v2sf)  }
0xac: {  	[tilespmem:s31], [sflag:$0x1] =	stream.linear.gather [hbm4b:s0+s23], $0x80, $0x38;
	[tilespmem:$0x18600] =	vst v63  }
0xad: {  	s0 =	sadd.s32 s3, s2;
	s2 =	sand.u32 $0x1FFFFFF0, s5;
	s5 =	spop (v2sf)  }
0xae: {  	[tilespmem:s30], [sflag:$0x1] =	stream.linear.gather [hbm4b:s0+s23], $0x80, $0x38;
	[tilespmem:$0x18600] =	vst v63  }
0xaf: {  	s2 =	sadd.s32 s3, s2;
	s0 =	sadd.s32 $0x8D00, s29;
	s5 =	sand.u32 $0x1FFFFFF0, s5  }
0xb0: {  	[tilespmem:s0], [sflag:$0x1] =	stream.linear.gather [hbm4b:s2+s23], $0x80, $0x38;
	[tilespmem:$0x18600] =	vst v63  }
0xb1: {  	s5 =	sadd.s32 s3, s5;
	s0 =	sand.u32 $0xF0, s28;
	s2 =	sadd.s32 $0x8D80, s29  }
0xb2: {  	[tilespmem:s2], [sflag:$0x1] =	stream.linear.gather [hbm4b:s5+s23], $0x80, $0x38;
	[tilespmem:$0x18600] =	vst v63  }
0xb3: {  	v0 =	vld [tilespmem:s0+$0x200];
	_ =	sdelay $0x4  }
0xb4: {  	v0 =	vshll.u32 v0, $0x4  }
0xb5: {  	(v2sf) =	vpush v0, $0x0  }
0xb6: {  	(v2sf) =	vpush v0, $0x2  }
0xb7: {  	(v2sf) =	vpush v0, $0x1;
	_ =	sdelay $0x1  }
.Ltmp1:
0xb8: {  	(v2sf) =	vpush v0, $0x3;
	(pc) =	sbr.rel @p0 .LBB2_4-.Ltmp1, $2  }
0xb9: {  	(v2sf) =	vpush v0, $0x4;
	_ =	sdelay $0x2  }
0xba: {  	s28 =	sadd.s32 $0x10, s28  }
0xbb: {  	(v2sf) =	vpush v0, $0x5;
	_ =	sdelay $0x1  }
0xbc: {  	s0 =	sshra.s32 s26, $0x2;
	(v2sf) =	vpush v0, $0x6  }
0xbd: {  	s5 =	sadd.s32 $0x8680, s0;
	s6 =	sadd.s32 $0x8600, s0  }
0xbe: {  	s17 =	sadd.s32 $0x8B80, s0;
	s16 =	sadd.s32 $0x8C00, s0;
	s2 =	sadd.s32 $0x8C80, s0;
	(v2sf) =	vpush v0, $0x7  }
0xbf: {  	s7 =	sadd.s32 $0x8A00, s0;
	s8 =	sadd.s32 $0x8A80, s0;
	s9 =	sadd.s32 $0x8B00, s0  }
0xc0: {  	s10 =	sadd.s32 $0x8900, s0;
	s11 =	sadd.s32 $0x8980, s0;
	s19 =	spop (v2sf);
	(v2sf) =	vpush v0, $0x8  }
0xc1: {  	s20 =	sadd.s32 $0x8700, s0;
	s19 =	sand.u32 $0x1FFFFFF0, s19;
	s21 =	spop (v2sf)  }
0xc2: {  	s25 =	sadd.s32 $0x8880, s0;
	s19 =	sadd.s32 s3, s19;
	s28 =	spop (v2sf);
	(v2sf) =	vpush v0, $0x9  }
0xc3: {  	[tilespmem:s6], [sflag:$0x1] =	stream.linear.gather [hbm4b:s19+s23], $0x80, $0x38;
	[tilespmem:$0x18600] =	vst v63  }
0xc4: {  	s26 =	sadd.s32 $0x8800, s0;
	s29 =	sand.u32 $0x1FFFFFF0, s28;
	s31 =	spop (v2sf);
	(v2sf) =	vpush v0, $0xA  }
0xc5: {  	s30 =	sand.u32 $0x1FFFFFF0, s21;
	s6 =	sadd.s32 s3, s29;
	s28 =	spop (v2sf)  }
0xc6: {  	[tilespmem:s5], [sflag:$0x1] =	stream.linear.gather [hbm4b:s6+s23], $0x80, $0x38;
	(v2sf) =	vpush v0, $0xB;
	[tilespmem:$0x18600] =	vst v63  }
0xc7: {  	s19 =	sadd.s32 s3, s30;
	s30 =	sadd.s32 $0x8780, s0;
	s21 =	sand.u32 $0x1FFFFFF0, s31  }
0xc8: {  	(v2sf) =	vpush v0, $0xC;
	[tilespmem:s20], [sflag:$0x1] =	stream.linear.gather [hbm4b:s19+s23], $0x80, $0x38;
	[tilespmem:$0x18600] =	vst v63  }
0xc9: {  	s29 =	sand.u32 $0x1FFFFFF0, s28;
	s6 =	sadd.s32 s3, s21;
	s31 =	spop (v2sf)  }
0xca: {  	[tilespmem:s30], [sflag:$0x1] =	stream.linear.gather [hbm4b:s6+s23], $0x80, $0x38;
	(v2sf) =	vpush v0, $0xD;
	[tilespmem:$0x18600] =	vst v63  }
0xcb: {  	s6 =	sadd.s32 s3, s29;
	s19 =	sand.u32 $0x1FFFFFF0, s31;
	s20 =	spop (v2sf)  }
0xcc: {  	(v2sf) =	vpush v0, $0xE;
	[tilespmem:s26], [sflag:$0x1] =	stream.linear.gather [hbm4b:s6+s23], $0x80, $0x38;
	[tilespmem:$0x18600] =	vst v63  }
0xcd: {  	s21 =	sadd.s32 s3, s19;
	s26 =	sand.u32 $0x1FFFFFF0, s20;
	s28 =	spop (v2sf)  }
0xce: {  	(v2sf) =	vpush v0, $0xF;
	[tilespmem:s25], [sflag:$0x1] =	stream.linear.gather [hbm4b:s21+s23], $0x80, $0x38;
	[tilespmem:$0x18600] =	vst v63  }
0xcf: {  	s29 =	sadd.s32 s3, s26;
	s30 =	sand.u32 $0x1FFFFFF0, s28;
	s31 =	spop (v2sf)  }
0xd0: {  	[tilespmem:s10], [sflag:$0x1] =	stream.linear.gather [hbm4b:s29+s23], $0x80, $0x38;
	[tilespmem:$0x18600] =	vst v63  }
0xd1: {  	s10 =	sadd.s32 s3, s30;
	s20 =	sand.u32 $0x1FFFFFF0, s31;
	s21 =	spop (v2sf)  }
0xd2: {  	[tilespmem:s11], [sflag:$0x1] =	stream.linear.gather [hbm4b:s10+s23], $0x80, $0x38;
	[tilespmem:$0x18600] =	vst v63  }
0xd3: {  	s25 =	sadd.s32 s3, s20;
	s26 =	sand.u32 $0x1FFFFFF0, s21;
	s28 =	spop (v2sf)  }
0xd4: {  	[tilespmem:s7], [sflag:$0x1] =	stream.linear.gather [hbm4b:s25+s23], $0x80, $0x38;
	[tilespmem:$0x18600] =	vst v63  }
0xd5: {  	s29 =	sadd.s32 s3, s26;
	s30 =	sand.u32 $0x1FFFFFF0, s28;
	s31 =	spop (v2sf)  }
0xd6: {  	[tilespmem:s8], [sflag:$0x1] =	stream.linear.gather [hbm4b:s29+s23], $0x80, $0x38;
	[tilespmem:$0x18600] =	vst v63  }
0xd7: {  	s6 =	sadd.s32 s3, s30;
	s7 =	sand.u32 $0x1FFFFFF0, s31;
	s8 =	spop (v2sf)  }
0xd8: {  	[tilespmem:s9], [sflag:$0x1] =	stream.linear.gather [hbm4b:s6+s23], $0x80, $0x38;
	[tilespmem:$0x18600] =	vst v63  }
0xd9: {  	s10 =	sand.u32 $0x1FFFFFF0, s8;
	s9 =	sadd.s32 s3, s7;
	s11 =	spop (v2sf)  }
0xda: {  	[tilespmem:s17], [sflag:$0x1] =	stream.linear.gather [hbm4b:s9+s23], $0x80, $0x38;
	[tilespmem:$0x18600] =	vst v63  }
0xdb: {  	s17 =	sadd.s32 s3, s10;
	s19 =	sand.u32 $0x1FFFFFF0, s11;
	s20 =	spop (v2sf)  }
0xdc: {  	[tilespmem:s16], [sflag:$0x1] =	stream.linear.gather [hbm4b:s17+s23], $0x80, $0x38;
	[tilespmem:$0x18600] =	vst v63  }
0xdd: {  	s21 =	sadd.s32 s3, s19;
	s25 =	sand.u32 $0x1FFFFFF0, s20;
	s26 =	spop (v2sf)  }
0xde: {  	[tilespmem:s2], [sflag:$0x1] =	stream.linear.gather [hbm4b:s21+s23], $0x80, $0x38;
	[tilespmem:$0x18600] =	vst v63  }
0xdf: {  	s28 =	sadd.s32 $0x8D00, s0;
	s29 =	sadd.s32 s3, s25;
	s30 =	sand.u32 $0x1FFFFFF0, s26  }
0xe0: {  	[tilespmem:s28], [sflag:$0x1] =	stream.linear.gather [hbm4b:s29+s23], $0x80, $0x38;
	[tilespmem:$0x18600] =	vst v63  }
0xe1: {  	s0 =	sadd.s32 $0x8D80, s0;
	s31 =	sadd.s32 s3, s30  }
0xe2: {  	[tilespmem:s0], [sflag:$0x1] =	stream.linear.gather [hbm4b:s31+s23], $0x80, $0x38;
	[tilespmem:$0x18600] =	vst v63  }
0xe3: {  	v0 =	vld [tilespmem:s24+$0x400];
	_ =	sdelay $0x4  }
0xe4: {  	v0 =	vshll.u32 v0, $0x4  }
0xe5: {  	(v2sf) =	vpush v0, $0x0  }
0xe6: {  	(v2sf) =	vpush v0, $0x2  }
0xe7: {  	(v2sf) =	vpush v0, $0x1;
	_ =	sdelay $0x1  }
0xe8: {  	(v2sf) =	vpush v0, $0x3  }
0xe9: {  	(v2sf) =	vpush v0, $0x4;
	_ =	sdelay $0x2  }
0xea: {  	s25 =	simm.s32 $0x10;
	s24 =	simm.s32 $0x2000  }
.LBB2_6:
0xeb: {  	p0 =	sne.s32 s24, $0x1E000;
	(v2sf) =	vpush v0, $0x5;
	s0 =	smov.u32 s24;
	s24 =	sadd.s32 $0x2000, s24  }
0xec: {  	s26 =	sshra.s32 s23, $0x2;
	s23 =	smov.u32 s0  }
0xed: {  	s5 =	sadd.s32 $0x10680, s26;
	(v2sf) =	vpush v0, $0x6  }
0xee: {  	s6 =	sadd.s32 $0x10600, s26  }
0xef: {  	s0 =	sadd.s32 $0x10B80, s26;
	s29 =	sadd.s32 $0x10C00, s26;
	s28 =	sadd.s32 $0x10C80, s26;
	(v2sf) =	vpush v0, $0x7  }
0xf0: {  	s17 =	sadd.s32 $0x10A00, s26;
	s16 =	sadd.s32 $0x10A80, s26;
	s2 =	sadd.s32 $0x10B00, s26  }
0xf1: {  	s7 =	sadd.s32 $0x10900, s26;
	s19 =	sadd.s32 $0x10980, s26;
	s8 =	spop (v2sf);
	(v2sf) =	vpush v0, $0x8  }
0xf2: {  	s9 =	sadd.s32 $0x10700, s26;
	s8 =	sand.u32 $0x1FFFFFF0, s8;
	s10 =	spop (v2sf)  }
0xf3: {  	s11 =	sadd.s32 $0x10880, s26;
	s8 =	sadd.s32 s4, s8;
	s20 =	spop (v2sf);
	(v2sf) =	vpush v0, $0x9  }
0xf4: {  	[tilespmem:s6], [sflag:$0x1] =	stream.linear.gather [hbm4b:s8+s1], $0x80, $0x38;
	[tilespmem:$0x18600] =	vst v63  }
0xf5: {  	s6 =	sand.u32 $0x1FFFFFF0, s20;
	s8 =	sand.u32 $0x1FFFFFF0, s10;
	s10 =	spop (v2sf);
	(v2sf) =	vpush v0, $0xA  }
0xf6: {  	s20 =	sadd.s32 $0x10800, s26;
	s6 =	sadd.s32 s4, s6;
	s21 =	spop (v2sf)  }
0xf7: {  	[tilespmem:s5], [sflag:$0x1] =	stream.linear.gather [hbm4b:s6+s1], $0x80, $0x38;
	(v2sf) =	vpush v0, $0xB;
	[tilespmem:$0x18600] =	vst v63  }
0xf8: {  	s5 =	sadd.s32 s4, s8;
	s6 =	sand.u32 $0x1FFFFFF0, s10;
	s8 =	sand.u32 $0x1FFFFFF0, s21  }
0xf9: {  	[tilespmem:s9], [sflag:$0x1] =	stream.linear.gather [hbm4b:s5+s1], $0x80, $0x38;
	(v2sf) =	vpush v0, $0xC;
	[tilespmem:$0x18600] =	vst v63  }
0xfa: {  	s6 =	sadd.s32 s4, s6;
	s5 =	sadd.s32 $0x10780, s26;
	s9 =	spop (v2sf)  }
0xfb: {  	[tilespmem:s5], [sflag:$0x1] =	stream.linear.gather [hbm4b:s6+s1], $0x80, $0x38;
	(v2sf) =	vpush v0, $0xD;
	[tilespmem:$0x18600] =	vst v63  }
0xfc: {  	s5 =	sadd.s32 s4, s8;
	s6 =	sand.u32 $0x1FFFFFF0, s9;
	s8 =	spop (v2sf)  }
0xfd: {  	[tilespmem:s20], [sflag:$0x1] =	stream.linear.gather [hbm4b:s5+s1], $0x80, $0x38;
	(v2sf) =	vpush v0, $0xE;
	[tilespmem:$0x18600] =	vst v63  }
0xfe: {  	s5 =	sadd.s32 s4, s6;
	s6 =	sand.u32 $0x1FFFFFF0, s8;
	s8 =	spop (v2sf)  }
0xff: {  	[tilespmem:s11], [sflag:$0x1] =	stream.linear.gather [hbm4b:s5+s1], $0x80, $0x38;
	(v2sf) =	vpush v0, $0xF;
	[tilespmem:$0x18600] =	vst v63  }
0x100: {  	s5 =	sadd.s32 s4, s6;
	s6 =	sand.u32 $0x1FFFFFF0, s8;
	s8 =	spop (v2sf)  }
0x101: {  	[tilespmem:s7], [sflag:$0x1] =	stream.linear.gather [hbm4b:s5+s1], $0x80, $0x38;
	[tilespmem:$0x18600] =	vst v63  }
0x102: {  	s5 =	sadd.s32 s4, s6;
	s6 =	sand.u32 $0x1FFFFFF0, s8;
	s7 =	spop (v2sf)  }
0x103: {  	[tilespmem:s19], [sflag:$0x1] =	stream.linear.gather [hbm4b:s5+s1], $0x80, $0x38;
	[tilespmem:$0x18600] =	vst v63  }
0x104: {  	s5 =	sadd.s32 s4, s6;
	s6 =	sand.u32 $0x1FFFFFF0, s7;
	s7 =	spop (v2sf)  }
0x105: {  	[tilespmem:s17], [sflag:$0x1] =	stream.linear.gather [hbm4b:s5+s1], $0x80, $0x38;
	[tilespmem:$0x18600] =	vst v63  }
0x106: {  	s5 =	sadd.s32 s4, s6;
	s6 =	sand.u32 $0x1FFFFFF0, s7;
	s7 =	spop (v2sf)  }
0x107: {  	[tilespmem:s16], [sflag:$0x1] =	stream.linear.gather [hbm4b:s5+s1], $0x80, $0x38;
	[tilespmem:$0x18600] =	vst v63  }
0x108: {  	s5 =	sadd.s32 s4, s6;
	s6 =	sand.u32 $0x1FFFFFF0, s7;
	s7 =	spop (v2sf)  }
0x109: {  	[tilespmem:s2], [sflag:$0x1] =	stream.linear.gather [hbm4b:s5+s1], $0x80, $0x38;
	[tilespmem:$0x18600] =	vst v63  }
0x10a: {  	s2 =	sadd.s32 s4, s6;
	s5 =	sand.u32 $0x1FFFFFF0, s7;
	s6 =	spop (v2sf)  }
0x10b: {  	[tilespmem:s0], [sflag:$0x1] =	stream.linear.gather [hbm4b:s2+s1], $0x80, $0x38;
	[tilespmem:$0x18600] =	vst v63  }
0x10c: {  	s0 =	sadd.s32 s4, s5;
	s2 =	sand.u32 $0x1FFFFFF0, s6;
	s5 =	spop (v2sf)  }
0x10d: {  	[tilespmem:s29], [sflag:$0x1] =	stream.linear.gather [hbm4b:s0+s1], $0x80, $0x38;
	[tilespmem:$0x18600] =	vst v63  }
0x10e: {  	s0 =	sadd.s32 s4, s2;
	s2 =	sand.u32 $0x1FFFFFF0, s5;
	s5 =	spop (v2sf)  }
0x10f: {  	[tilespmem:s28], [sflag:$0x1] =	stream.linear.gather [hbm4b:s0+s1], $0x80, $0x38;
	[tilespmem:$0x18600] =	vst v63  }
0x110: {  	s2 =	sadd.s32 s4, s2;
	s0 =	sadd.s32 $0x10D00, s26;
	s5 =	sand.u32 $0x1FFFFFF0, s5  }
0x111: {  	[tilespmem:s0], [sflag:$0x1] =	stream.linear.gather [hbm4b:s2+s1], $0x80, $0x38;
	[tilespmem:$0x18600] =	vst v63  }
0x112: {  	s5 =	sadd.s32 s4, s5;
	s0 =	sand.u32 $0xF0, s25;
	s2 =	sadd.s32 $0x10D80, s26  }
0x113: {  	[tilespmem:s2], [sflag:$0x1] =	stream.linear.gather [hbm4b:s5+s1], $0x80, $0x38;
	[tilespmem:$0x18600] =	vst v63  }
0x114: {  	v0 =	vld [tilespmem:s0+$0x400];
	_ =	sdelay $0x4  }
0x115: {  	v0 =	vshll.u32 v0, $0x4  }
0x116: {  	(v2sf) =	vpush v0, $0x0  }
0x117: {  	(v2sf) =	vpush v0, $0x2  }
0x118: {  	(v2sf) =	vpush v0, $0x1;
	_ =	sdelay $0x1  }
.Ltmp2:
0x119: {  	(v2sf) =	vpush v0, $0x3;
	(pc) =	sbr.rel @p0 .LBB2_6-.Ltmp2, $2  }
0x11a: {  	(v2sf) =	vpush v0, $0x4;
	_ =	sdelay $0x2  }
0x11b: {  	s25 =	sadd.s32 $0x10, s25  }
0x11c: {  	_ =	sdelay $0x1  }
0x11d: {  	(v2sf) =	vpush v0, $0x5  }
0x11e: {  	(v2sf) =	vpush v0, $0x6;
	_ =	sdelay $0x2  }
0x11f: {  	s2 =	spop (v2sf)  }
0x120: {  	s0 =	sshra.s32 s23, $0x2;
	(v2sf) =	vpush v0, $0x7;
	s2 =	sand.u32 $0x1FFFFFF0, s2;
	s5 =	spop (v2sf)  }
0x121: {  	s6 =	sadd.s32 $0x10600, s0;
	s2 =	sadd.s32 s4, s2;
	s7 =	spop (v2sf)  }
0x122: {  	(v2sf) =	vpush v0, $0x8;
	[tilespmem:s6], [sflag:$0x1] =	stream.linear.gather [hbm4b:s2+s1], $0x80, $0x38;
	[tilespmem:$0x18600] =	vst v63  }
0x123: {  	s19 =	sadd.s32 $0x10680, s0;
	s23 =	sadd.s32 $0x10700, s0;
	(v2sf) =	vpush v0, $0x9;
	s20 =	sand.u32 $0x1FFFFFF0, s7  }
0x124: {  	s5 =	sand.u32 $0x1FFFFFF0, s5;
	s21 =	spop (v2sf);
	s6 =	sadd.s32 s4, s20  }
0x125: {  	(v2sf) =	vpush v0, $0xA;
	[tilespmem:s19], [sflag:$0x1] =	stream.linear.gather [hbm4b:s6+s1], $0x80, $0x38;
	[tilespmem:$0x18600] =	vst v63  }
0x126: {  	s5 =	sadd.s32 s4, s5;
	s24 =	sand.u32 $0x1FFFFFF0, s21;
	s25 =	spop (v2sf)  }
0x127: {  	(v2sf) =	vpush v0, $0xB;
	[tilespmem:s23], [sflag:$0x1] =	stream.linear.gather [hbm4b:s5+s1], $0x80, $0x38;
	[tilespmem:$0x18600] =	vst v63  }
0x128: {  	s26 =	sadd.s32 $0x10780, s0;
	s29 =	sadd.s32 $0x10800, s0;
	s6 =	sadd.s32 s4, s24;
	(v2sf) =	vpush v0, $0xC  }
0x129: {  	[tilespmem:s26], [sflag:$0x1] =	stream.linear.gather [hbm4b:s6+s1], $0x80, $0x38;
	[tilespmem:$0x18600] =	vst v63  }
0x12a: {  	s8 =	sadd.s32 $0x10880, s0;
	s2 =	sand.u32 $0x1FFFFFF0, s25;
	s30 =	spop (v2sf)  }
0x12b: {  	s2 =	sadd.s32 s4, s2;
	s6 =	sand.u32 $0x1FFFFFF0, s30;
	s31 =	spop (v2sf)  }
0x12c: {  	(v2sf) =	vpush v0, $0xD;
	[tilespmem:s29], [sflag:$0x1] =	stream.linear.gather [hbm4b:s2+s1], $0x80, $0x38;
	[tilespmem:$0x18600] =	vst v63  }
0x12d: {  	s11 =	sadd.s32 $0x10900, s0;
	s9 =	sadd.s32 s4, s6;
	s10 =	sand.u32 $0x1FFFFFF0, s31  }
0x12e: {  	[tilespmem:s8], [sflag:$0x1] =	stream.linear.gather [hbm4b:s9+s1], $0x80, $0x38;
	[tilespmem:$0x18600] =	vst v63  }
0x12f: {  	s17 =	sadd.s32 $0x10980, s0;
	s6 =	sadd.s32 s4, s10;
	s16 =	spop (v2sf)  }
0x130: {  	(v2sf) =	vpush v0, $0xE;
	[tilespmem:s11], [sflag:$0x1] =	stream.linear.gather [hbm4b:s6+s1], $0x80, $0x38;
	[tilespmem:$0x18600] =	vst v63  }
0x131: {  	s21 =	sadd.s32 $0x10A00, s0;
	s5 =	sand.u32 $0x1FFFFFF0, s16;
	s19 =	spop (v2sf)  }
0x132: {  	(v2sf) =	vpush v0, $0xF;
	s5 =	sadd.s32 s4, s5;
	s6 =	sand.u32 $0x1FFFFFF0, s19;
	s20 =	spop (v2sf)  }
0x133: {  	[tilespmem:s17], [sflag:$0x1] =	stream.linear.gather [hbm4b:s5+s1], $0x80, $0x38;
	[tilespmem:$0x18600] =	vst v63  }
0x134: {  	s25 =	sadd.s32 $0x10A80, s0;
	s23 =	sadd.s32 s4, s6;
	s26 =	spop (v2sf)  }
0x135: {  	[tilespmem:s21], [sflag:$0x1] =	stream.linear.gather [hbm4b:s23+s1], $0x80, $0x38;
	[tilespmem:$0x18600] =	vst v63  }
0x136: {  	s29 =	sadd.s32 $0x10B00, s0;
	s24 =	sand.u32 $0x1FFFFFF0, s20;
	s30 =	spop (v2sf)  }
0x137: {  	s6 =	sadd.s32 s4, s24;
	s5 =	sand.u32 $0x1FFFFFF0, s26;
	s31 =	spop (v2sf)  }
0x138: {  	[tilespmem:s25], [sflag:$0x1] =	stream.linear.gather [hbm4b:s6+s1], $0x80, $0x38;
	[tilespmem:$0x18600] =	vst v63  }
0x139: {  	s5 =	sadd.s32 s4, s5;
	s6 =	sand.u32 $0x1FFFFFF0, s30;
	s8 =	sand.u32 $0x1FFFFFF0, s31  }
0x13a: {  	[tilespmem:s29], [sflag:$0x1] =	stream.linear.gather [hbm4b:s5+s1], $0x80, $0x38;
	[tilespmem:$0x18600] =	vst v63  }
0x13b: {  	s6 =	sadd.s32 s4, s6;
	s5 =	sadd.s32 $0x10B80, s0;
	s10 =	spop (v2sf)  }
0x13c: {  	[tilespmem:s5], [sflag:$0x1] =	stream.linear.gather [hbm4b:s6+s1], $0x80, $0x38;
	[tilespmem:$0x18600] =	vst v63  }
0x13d: {  	s9 =	sadd.s32 $0x10C00, s0;
	s6 =	sadd.s32 s4, s8;
	s5 =	sand.u32 $0x1FFFFFF0, s10  }
0x13e: {  	[tilespmem:s9], [sflag:$0x1] =	stream.linear.gather [hbm4b:s6+s1], $0x80, $0x38;
	[tilespmem:$0x18600] =	vst v63  }
0x13f: {  	s11 =	sadd.s32 $0x10C80, s0;
	s5 =	sadd.s32 s4, s5;
	s16 =	spop (v2sf)  }
0x140: {  	[tilespmem:s11], [sflag:$0x1] =	stream.linear.gather [hbm4b:s5+s1], $0x80, $0x38;
	[tilespmem:$0x18600] =	vst v63  }
0x141: {  	s6 =	sand.u32 $0x1FFFFFF0, s16;
	s17 =	spop (v2sf)  }
0x142: {  	s19 =	sadd.s32 $0x10D00, s0;
	s20 =	sadd.s32 s4, s6;
	s21 =	sand.u32 $0x1FFFFFF0, s17  }
0x143: {  	[tilespmem:s19], [sflag:$0x1] =	stream.linear.gather [hbm4b:s20+s1], $0x80, $0x38;
	[tilespmem:$0x18600] =	vst v63  }
0x144: {  	s0 =	sadd.s32 $0x10D80, s0;
	s23 =	sadd.s32 s4, s21  }
0x145: {  	[tilespmem:s0], [sflag:$0x1] =	stream.linear.gather [hbm4b:s23+s1], $0x80, $0x38;
	[tilespmem:$0x18600] =	vst v63  }
0x146: {  	_ =	swait.ge [sflag:s18], $0x8000  }
0x147: {  	[sflag:s18] =	ssyncset.done $0x0  }
0x148: {  	[sflag:s18] =	ssyncadd.s32 $0xFFFF8000  }
0x149: {  	_ =	swait.ge [sflag:s18], $0x8000  }
0x14a: {  	[sflag:s18] =	ssyncset.done $0x0  }
0x14b: {  	[sflag:s18] =	ssyncadd.s32 $0xFFFF8000  }
0x14c: {  	_ =	swait.ge [sflag:s18], $0x8000  }
0x14d: {  	s25 =	simm.s32 $0x600;
	[sflag:s18] =	ssyncset.done $0x0  }
0x14e: {  	s23 =	simm.s32 $0x0;
	s24 =	rddreg [dreg:$0x8];
	[sflag:s18] =	ssyncadd.s32 $0xFFFF8000  }
0x14f: {  	[hbm4b:s24+s23] =	stream.linear.scatter [tilespmem:s25], [sflag:$0x2], $0x8000, $0x38;
	[tilespmem:$0x18600] =	vst v63  }
0x150: {  	_ =	swait.ge [sflag:s15], $0x8000  }
0x151: {  	[sflag:s15] =	ssyncset.done $0x0  }
0x152: {  	s29 =	simm.s32 $0x8600;
	s26 =	rddreg [dreg:$0x9];
	[sflag:s15] =	ssyncadd.s32 $0xFFFF8000  }
0x153: {  	[hbm4b:s26+s23] =	stream.linear.scatter [tilespmem:s29], [sflag:$0x2], $0x8000, $0x38;
	[tilespmem:$0x18600] =	vst v63  }
0x154: {  	_ =	swait.ge [sflag:s15], $0x8000  }
0x155: {  	[sflag:s15] =	ssyncset.done $0x0  }
0x156: {  	s31 =	simm.s32 $0x10600;
	s30 =	rddreg [dreg:$0xa];
	[sflag:s15] =	ssyncadd.s32 $0xFFFF8000  }
0x157: {  	[hbm4b:s30+s23] =	stream.linear.scatter [tilespmem:s31], [sflag:$0x2], $0x8000, $0x38;
	[tilespmem:$0x18600] =	vst v63  }
0x158: {  	_ =	swait.ge [sflag:s15], $0x8000  }
0x159: {  	[sflag:s15] =	ssyncset.done $0x0  }
0x15a: {  	s24 =	sand.u32 $0xF0, s23;
	[sflag:s15] =	ssyncadd.s32 $0xFFFF8000  }
0x15b: {  	v0 =	vld [tilespmem:s24+$0x100];
	_ =	sdelay $0x4  }
0x15c: {  	v0 =	vshll.u32 v0, $0x4  }
0x15d: {  	(v2sf) =	vpush v0, $0x0  }
0x15e: {  	(v2sf) =	vpush v0, $0x2  }
0x15f: {  	(v2sf) =	vpush v0, $0x1;
	_ =	sdelay $0x1  }
0x160: {  	(v2sf) =	vpush v0, $0x3  }
0x161: {  	(v2sf) =	vpush v0, $0x4;
	_ =	sdelay $0x2  }
0x162: {  	s28 =	simm.s32 $0x10;
	s25 =	simm.s32 $0x2000;
	s26 =	simm.s32 $0x0  }
.LBB2_8:
0x163: {  	p0 =	sne.s32 s25, $0x1E000;
	(v2sf) =	vpush v0, $0x5;
	s0 =	smov.u32 s25;
	s25 =	sadd.s32 $0x2000, s25  }
0x164: {  	s29 =	sshra.s32 s26, $0x2;
	s26 =	smov.u32 s0  }
0x165: {  	s5 =	sadd.s32 $0x680, s29;
	(v2sf) =	vpush v0, $0x6  }
0x166: {  	s6 =	sadd.s32 $0x600, s29  }
0x167: {  	s0 =	sadd.s32 $0xB80, s29;
	s31 =	sadd.s32 $0xC00, s29;
	s30 =	sadd.s32 $0xC80, s29;
	(v2sf) =	vpush v0, $0x7  }
0x168: {  	s17 =	sadd.s32 $0xA00, s29;
	s16 =	sadd.s32 $0xA80, s29;
	s2 =	sadd.s32 $0xB00, s29  }
0x169: {  	s7 =	sadd.s32 $0x900, s29;
	s19 =	sadd.s32 $0x980, s29;
	s8 =	spop (v2sf);
	(v2sf) =	vpush v0, $0x8  }
0x16a: {  	s9 =	sadd.s32 $0x700, s29;
	s8 =	sand.u32 $0x1FFFFFF0, s8;
	s10 =	spop (v2sf)  }
0x16b: {  	s11 =	sadd.s32 $0x880, s29;
	s8 =	sadd.s32 s3, s8;
	s20 =	spop (v2sf);
	(v2sf) =	vpush v0, $0x9  }
0x16c: {  	[tilespmem:s6], [sflag:$0x1] =	stream.linear.gather [hbm4b:s8+s23], $0x80, $0x38;
	[tilespmem:$0x18600] =	vst v63  }
0x16d: {  	s6 =	sand.u32 $0x1FFFFFF0, s20;
	s8 =	sand.u32 $0x1FFFFFF0, s10;
	s10 =	spop (v2sf);
	(v2sf) =	vpush v0, $0xA  }
0x16e: {  	s20 =	sadd.s32 $0x800, s29;
	s6 =	sadd.s32 s3, s6;
	s21 =	spop (v2sf)  }
0x16f: {  	[tilespmem:s5], [sflag:$0x1] =	stream.linear.gather [hbm4b:s6+s23], $0x80, $0x38;
	(v2sf) =	vpush v0, $0xB;
	[tilespmem:$0x18600] =	vst v63  }
0x170: {  	s5 =	sadd.s32 s3, s8;
	s6 =	sand.u32 $0x1FFFFFF0, s10;
	s8 =	sand.u32 $0x1FFFFFF0, s21  }
0x171: {  	[tilespmem:s9], [sflag:$0x1] =	stream.linear.gather [hbm4b:s5+s23], $0x80, $0x38;
	(v2sf) =	vpush v0, $0xC;
	[tilespmem:$0x18600] =	vst v63  }
0x172: {  	s6 =	sadd.s32 s3, s6;
	s5 =	sadd.s32 $0x780, s29;
	s9 =	spop (v2sf)  }
0x173: {  	[tilespmem:s5], [sflag:$0x1] =	stream.linear.gather [hbm4b:s6+s23], $0x80, $0x38;
	(v2sf) =	vpush v0, $0xD;
	[tilespmem:$0x18600] =	vst v63  }
0x174: {  	s5 =	sadd.s32 s3, s8;
	s6 =	sand.u32 $0x1FFFFFF0, s9;
	s8 =	spop (v2sf)  }
0x175: {  	[tilespmem:s20], [sflag:$0x1] =	stream.linear.gather [hbm4b:s5+s23], $0x80, $0x38;
	(v2sf) =	vpush v0, $0xE;
	[tilespmem:$0x18600] =	vst v63  }
0x176: {  	s5 =	sadd.s32 s3, s6;
	s6 =	sand.u32 $0x1FFFFFF0, s8;
	s8 =	spop (v2sf)  }
0x177: {  	[tilespmem:s11], [sflag:$0x1] =	stream.linear.gather [hbm4b:s5+s23], $0x80, $0x38;
	(v2sf) =	vpush v0, $0xF;
	[tilespmem:$0x18600] =	vst v63  }
0x178: {  	s5 =	sadd.s32 s3, s6;
	s6 =	sand.u32 $0x1FFFFFF0, s8;
	s8 =	spop (v2sf)  }
0x179: {  	[tilespmem:s7], [sflag:$0x1] =	stream.linear.gather [hbm4b:s5+s23], $0x80, $0x38;
	[tilespmem:$0x18600] =	vst v63  }
0x17a: {  	s5 =	sadd.s32 s3, s6;
	s6 =	sand.u32 $0x1FFFFFF0, s8;
	s7 =	spop (v2sf)  }
0x17b: {  	[tilespmem:s19], [sflag:$0x1] =	stream.linear.gather [hbm4b:s5+s23], $0x80, $0x38;
	[tilespmem:$0x18600] =	vst v63  }
0x17c: {  	s5 =	sadd.s32 s3, s6;
	s6 =	sand.u32 $0x1FFFFFF0, s7;
	s7 =	spop (v2sf)  }
0x17d: {  	[tilespmem:s17], [sflag:$0x1] =	stream.linear.gather [hbm4b:s5+s23], $0x80, $0x38;
	[tilespmem:$0x18600] =	vst v63  }
0x17e: {  	s5 =	sadd.s32 s3, s6;
	s6 =	sand.u32 $0x1FFFFFF0, s7;
	s7 =	spop (v2sf)  }
0x17f: {  	[tilespmem:s16], [sflag:$0x1] =	stream.linear.gather [hbm4b:s5+s23], $0x80, $0x38;
	[tilespmem:$0x18600] =	vst v63  }
0x180: {  	s5 =	sadd.s32 s3, s6;
	s6 =	sand.u32 $0x1FFFFFF0, s7;
	s7 =	spop (v2sf)  }
0x181: {  	[tilespmem:s2], [sflag:$0x1] =	stream.linear.gather [hbm4b:s5+s23], $0x80, $0x38;
	[tilespmem:$0x18600] =	vst v63  }
0x182: {  	s2 =	sadd.s32 s3, s6;
	s5 =	sand.u32 $0x1FFFFFF0, s7;
	s6 =	spop (v2sf)  }
0x183: {  	[tilespmem:s0], [sflag:$0x1] =	stream.linear.gather [hbm4b:s2+s23], $0x80, $0x38;
	[tilespmem:$0x18600] =	vst v63  }
0x184: {  	s0 =	sadd.s32 s3, s5;
	s2 =	sand.u32 $0x1FFFFFF0, s6;
	s5 =	spop (v2sf)  }
0x185: {  	[tilespmem:s31], [sflag:$0x1] =	stream.linear.gather [hbm4b:s0+s23], $0x80, $0x38;
	[tilespmem:$0x18600] =	vst v63  }
0x186: {  	s0 =	sadd.s32 s3, s2;
	s2 =	sand.u32 $0x1FFFFFF0, s5;
	s5 =	spop (v2sf)  }
0x187: {  	[tilespmem:s30], [sflag:$0x1] =	stream.linear.gather [hbm4b:s0+s23], $0x80, $0x38;
	[tilespmem:$0x18600] =	vst v63  }
0x188: {  	s2 =	sadd.s32 s3, s2;
	s0 =	sadd.s32 $0xD00, s29;
	s5 =	sand.u32 $0x1FFFFFF0, s5  }
0x189: {  	[tilespmem:s0], [sflag:$0x1] =	stream.linear.gather [hbm4b:s2+s23], $0x80, $0x38;
	[tilespmem:$0x18600] =	vst v63  }
0x18a: {  	s5 =	sadd.s32 s3, s5;
	s0 =	sand.u32 $0xF0, s28;
	s2 =	sadd.s32 $0xD80, s29  }
0x18b: {  	[tilespmem:s2], [sflag:$0x1] =	stream.linear.gather [hbm4b:s5+s23], $0x80, $0x38;
	[tilespmem:$0x18600] =	vst v63  }
0x18c: {  	v0 =	vld [tilespmem:s0+$0x100];
	_ =	sdelay $0x4  }
0x18d: {  	v0 =	vshll.u32 v0, $0x4  }
0x18e: {  	(v2sf) =	vpush v0, $0x0  }
0x18f: {  	(v2sf) =	vpush v0, $0x2  }
0x190: {  	(v2sf) =	vpush v0, $0x1;
	_ =	sdelay $0x1  }
.Ltmp3:
0x191: {  	(v2sf) =	vpush v0, $0x3;
	(pc) =	sbr.rel @p0 .LBB2_8-.Ltmp3, $2  }
0x192: {  	(v2sf) =	vpush v0, $0x4;
	_ =	sdelay $0x2  }
0x193: {  	s28 =	sadd.s32 $0x10, s28  }
0x194: {  	(v2sf) =	vpush v0, $0x5;
	_ =	sdelay $0x1  }
0x195: {  	s0 =	sshra.s32 s26, $0x2;
	(v2sf) =	vpush v0, $0x6  }
0x196: {  	s5 =	sadd.s32 $0x680, s0;
	s6 =	sadd.s32 $0x600, s0  }
0x197: {  	s17 =	sadd.s32 $0xB80, s0;
	s16 =	sadd.s32 $0xC00, s0;
	s2 =	sadd.s32 $0xC80, s0;
	(v2sf) =	vpush v0, $0x7  }
0x198: {  	s7 =	sadd.s32 $0xA00, s0;
	s8 =	sadd.s32 $0xA80, s0;
	s9 =	sadd.s32 $0xB00, s0  }
0x199: {  	s10 =	sadd.s32 $0x900, s0;
	s11 =	sadd.s32 $0x980, s0;
	s19 =	spop (v2sf);
	(v2sf) =	vpush v0, $0x8  }
0x19a: {  	s20 =	sadd.s32 $0x700, s0;
	s19 =	sand.u32 $0x1FFFFFF0, s19;
	s21 =	spop (v2sf)  }
0x19b: {  	s25 =	sadd.s32 $0x880, s0;
	s19 =	sadd.s32 s3, s19;
	s28 =	spop (v2sf);
	(v2sf) =	vpush v0, $0x9  }
0x19c: {  	[tilespmem:s6], [sflag:$0x1] =	stream.linear.gather [hbm4b:s19+s23], $0x80, $0x38;
	[tilespmem:$0x18600] =	vst v63  }
0x19d: {  	s26 =	sadd.s32 $0x800, s0;
	s29 =	sand.u32 $0x1FFFFFF0, s28;
	s31 =	spop (v2sf);
	(v2sf) =	vpush v0, $0xA  }
0x19e: {  	s30 =	sand.u32 $0x1FFFFFF0, s21;
	s6 =	sadd.s32 s3, s29;
	s28 =	spop (v2sf)  }
0x19f: {  	[tilespmem:s5], [sflag:$0x1] =	stream.linear.gather [hbm4b:s6+s23], $0x80, $0x38;
	(v2sf) =	vpush v0, $0xB;
	[tilespmem:$0x18600] =	vst v63  }
0x1a0: {  	s19 =	sadd.s32 s3, s30;
	s30 =	sadd.s32 $0x780, s0;
	s21 =	sand.u32 $0x1FFFFFF0, s31  }
0x1a1: {  	(v2sf) =	vpush v0, $0xC;
	[tilespmem:s20], [sflag:$0x1] =	stream.linear.gather [hbm4b:s19+s23], $0x80, $0x38;
	[tilespmem:$0x18600] =	vst v63  }
0x1a2: {  	s29 =	sand.u32 $0x1FFFFFF0, s28;
	s6 =	sadd.s32 s3, s21;
	s31 =	spop (v2sf)  }
0x1a3: {  	[tilespmem:s30], [sflag:$0x1] =	stream.linear.gather [hbm4b:s6+s23], $0x80, $0x38;
	(v2sf) =	vpush v0, $0xD;
	[tilespmem:$0x18600] =	vst v63  }
0x1a4: {  	s6 =	sadd.s32 s3, s29;
	s19 =	sand.u32 $0x1FFFFFF0, s31;
	s20 =	spop (v2sf)  }
0x1a5: {  	(v2sf) =	vpush v0, $0xE;
	[tilespmem:s26], [sflag:$0x1] =	stream.linear.gather [hbm4b:s6+s23], $0x80, $0x38;
	[tilespmem:$0x18600] =	vst v63  }
0x1a6: {  	s21 =	sadd.s32 s3, s19;
	s26 =	sand.u32 $0x1FFFFFF0, s20;
	s28 =	spop (v2sf)  }
0x1a7: {  	(v2sf) =	vpush v0, $0xF;
	[tilespmem:s25], [sflag:$0x1] =	stream.linear.gather [hbm4b:s21+s23], $0x80, $0x38;
	[tilespmem:$0x18600] =	vst v63  }
0x1a8: {  	s29 =	sadd.s32 s3, s26;
	s30 =	sand.u32 $0x1FFFFFF0, s28;
	s31 =	spop (v2sf)  }
0x1a9: {  	[tilespmem:s10], [sflag:$0x1] =	stream.linear.gather [hbm4b:s29+s23], $0x80, $0x38;
	[tilespmem:$0x18600] =	vst v63  }
0x1aa: {  	s10 =	sadd.s32 s3, s30;
	s20 =	sand.u32 $0x1FFFFFF0, s31;
	s21 =	spop (v2sf)  }
0x1ab: {  	[tilespmem:s11], [sflag:$0x1] =	stream.linear.gather [hbm4b:s10+s23], $0x80, $0x38;
	[tilespmem:$0x18600] =	vst v63  }
0x1ac: {  	s25 =	sadd.s32 s3, s20;
	s26 =	sand.u32 $0x1FFFFFF0, s21;
	s28 =	spop (v2sf)  }
0x1ad: {  	[tilespmem:s7], [sflag:$0x1] =	stream.linear.gather [hbm4b:s25+s23], $0x80, $0x38;
	[tilespmem:$0x18600] =	vst v63  }
0x1ae: {  	s29 =	sadd.s32 s3, s26;
	s30 =	sand.u32 $0x1FFFFFF0, s28;
	s31 =	spop (v2sf)  }
0x1af: {  	[tilespmem:s8], [sflag:$0x1] =	stream.linear.gather [hbm4b:s29+s23], $0x80, $0x38;
	[tilespmem:$0x18600] =	vst v63  }
0x1b0: {  	s6 =	sadd.s32 s3, s30;
	s7 =	sand.u32 $0x1FFFFFF0, s31;
	s8 =	spop (v2sf)  }
0x1b1: {  	[tilespmem:s9], [sflag:$0x1] =	stream.linear.gather [hbm4b:s6+s23], $0x80, $0x38;
	[tilespmem:$0x18600] =	vst v63  }
0x1b2: {  	s10 =	sand.u32 $0x1FFFFFF0, s8;
	s9 =	sadd.s32 s3, s7;
	s11 =	spop (v2sf)  }
0x1b3: {  	[tilespmem:s17], [sflag:$0x1] =	stream.linear.gather [hbm4b:s9+s23], $0x80, $0x38;
	[tilespmem:$0x18600] =	vst v63  }
0x1b4: {  	s17 =	sadd.s32 s3, s10;
	s19 =	sand.u32 $0x1FFFFFF0, s11;
	s20 =	spop (v2sf)  }
0x1b5: {  	[tilespmem:s16], [sflag:$0x1] =	stream.linear.gather [hbm4b:s17+s23], $0x80, $0x38;
	[tilespmem:$0x18600] =	vst v63  }
0x1b6: {  	s21 =	sadd.s32 s3, s19;
	s25 =	sand.u32 $0x1FFFFFF0, s20;
	s26 =	spop (v2sf)  }
0x1b7: {  	[tilespmem:s2], [sflag:$0x1] =	stream.linear.gather [hbm4b:s21+s23], $0x80, $0x38;
	[tilespmem:$0x18600] =	vst v63  }
0x1b8: {  	s28 =	sadd.s32 $0xD00, s0;
	s29 =	sadd.s32 s3, s25;
	s30 =	sand.u32 $0x1FFFFFF0, s26  }
0x1b9: {  	[tilespmem:s28], [sflag:$0x1] =	stream.linear.gather [hbm4b:s29+s23], $0x80, $0x38;
	[tilespmem:$0x18600] =	vst v63  }
0x1ba: {  	s0 =	sadd.s32 $0xD80, s0;
	s31 =	sadd.s32 s3, s30  }
0x1bb: {  	[tilespmem:s0], [sflag:$0x1] =	stream.linear.gather [hbm4b:s31+s23], $0x80, $0x38;
	[tilespmem:$0x18600] =	vst v63  }
0x1bc: {  	v0 =	vld [tilespmem:s24+$0x300];
	_ =	sdelay $0x4  }
0x1bd: {  	v0 =	vshll.u32 v0, $0x4  }
0x1be: {  	(v2sf) =	vpush v0, $0x0  }
0x1bf: {  	(v2sf) =	vpush v0, $0x2  }
0x1c0: {  	(v2sf) =	vpush v0, $0x1;
	_ =	sdelay $0x1  }
0x1c1: {  	(v2sf) =	vpush v0, $0x3  }
0x1c2: {  	(v2sf) =	vpush v0, $0x4;
	_ =	sdelay $0x2  }
0x1c3: {  	s25 =	simm.s32 $0x2000;
	s26 =	simm.s32 $0x10  }
.LBB2_10:
0x1c4: {  	p0 =	sne.s32 s25, $0x1E000;
	(v2sf) =	vpush v0, $0x5;
	s0 =	smov.u32 s25;
	s25 =	sadd.s32 $0x2000, s25  }
0x1c5: {  	s28 =	sshra.s32 s23, $0x2;
	s23 =	smov.u32 s0  }
0x1c6: {  	s5 =	sadd.s32 $0x8680, s28;
	(v2sf) =	vpush v0, $0x6  }
0x1c7: {  	s24 =	simm.s32 $0x0;
	s6 =	sadd.s32 $0x8600, s28  }
0x1c8: {  	s0 =	sadd.s32 $0x8B80, s28;
	s30 =	sadd.s32 $0x8C00, s28;
	s29 =	sadd.s32 $0x8C80, s28;
	(v2sf) =	vpush v0, $0x7  }
0x1c9: {  	s17 =	sadd.s32 $0x8A00, s28;
	s16 =	sadd.s32 $0x8A80, s28;
	s2 =	sadd.s32 $0x8B00, s28  }
0x1ca: {  	s7 =	sadd.s32 $0x8900, s28;
	s19 =	sadd.s32 $0x8980, s28;
	s8 =	spop (v2sf);
	(v2sf) =	vpush v0, $0x8  }
0x1cb: {  	s9 =	sadd.s32 $0x8700, s28;
	s8 =	sand.u32 $0x1FFFFFF0, s8;
	s10 =	spop (v2sf)  }
0x1cc: {  	s11 =	sadd.s32 $0x8880, s28;
	s8 =	sadd.s32 s3, s8;
	s20 =	spop (v2sf);
	(v2sf) =	vpush v0, $0x9  }
0x1cd: {  	[tilespmem:s6], [sflag:$0x1] =	stream.linear.gather [hbm4b:s8+s24], $0x80, $0x38;
	[tilespmem:$0x18600] =	vst v63  }
0x1ce: {  	s6 =	sand.u32 $0x1FFFFFF0, s20;
	s8 =	sand.u32 $0x1FFFFFF0, s10;
	s10 =	spop (v2sf);
	(v2sf) =	vpush v0, $0xA  }
0x1cf: {  	s20 =	sadd.s32 $0x8800, s28;
	s6 =	sadd.s32 s3, s6;
	s21 =	spop (v2sf)  }
0x1d0: {  	[tilespmem:s5], [sflag:$0x1] =	stream.linear.gather [hbm4b:s6+s24], $0x80, $0x38;
	(v2sf) =	vpush v0, $0xB;
	[tilespmem:$0x18600] =	vst v63  }
0x1d1: {  	s5 =	sadd.s32 s3, s8;
	s6 =	sand.u32 $0x1FFFFFF0, s10;
	s8 =	sand.u32 $0x1FFFFFF0, s21  }
0x1d2: {  	[tilespmem:s9], [sflag:$0x1] =	stream.linear.gather [hbm4b:s5+s24], $0x80, $0x38;
	(v2sf) =	vpush v0, $0xC;
	[tilespmem:$0x18600] =	vst v63  }
0x1d3: {  	s6 =	sadd.s32 s3, s6;
	s5 =	sadd.s32 $0x8780, s28;
	s9 =	spop (v2sf)  }
0x1d4: {  	[tilespmem:s5], [sflag:$0x1] =	stream.linear.gather [hbm4b:s6+s24], $0x80, $0x38;
	(v2sf) =	vpush v0, $0xD;
	[tilespmem:$0x18600] =	vst v63  }
0x1d5: {  	s5 =	sadd.s32 s3, s8;
	s6 =	sand.u32 $0x1FFFFFF0, s9;
	s8 =	spop (v2sf)  }
0x1d6: {  	[tilespmem:s20], [sflag:$0x1] =	stream.linear.gather [hbm4b:s5+s24], $0x80, $0x38;
	(v2sf) =	vpush v0, $0xE;
	[tilespmem:$0x18600] =	vst v63  }
0x1d7: {  	s5 =	sadd.s32 s3, s6;
	s6 =	sand.u32 $0x1FFFFFF0, s8;
	s8 =	spop (v2sf)  }
0x1d8: {  	[tilespmem:s11], [sflag:$0x1] =	stream.linear.gather [hbm4b:s5+s24], $0x80, $0x38;
	(v2sf) =	vpush v0, $0xF;
	[tilespmem:$0x18600] =	vst v63  }
0x1d9: {  	s5 =	sadd.s32 s3, s6;
	s6 =	sand.u32 $0x1FFFFFF0, s8;
	s8 =	spop (v2sf)  }
0x1da: {  	[tilespmem:s7], [sflag:$0x1] =	stream.linear.gather [hbm4b:s5+s24], $0x80, $0x38;
	[tilespmem:$0x18600] =	vst v63  }
0x1db: {  	s5 =	sadd.s32 s3, s6;
	s6 =	sand.u32 $0x1FFFFFF0, s8;
	s7 =	spop (v2sf)  }
0x1dc: {  	[tilespmem:s19], [sflag:$0x1] =	stream.linear.gather [hbm4b:s5+s24], $0x80, $0x38;
	[tilespmem:$0x18600] =	vst v63  }
0x1dd: {  	s5 =	sadd.s32 s3, s6;
	s6 =	sand.u32 $0x1FFFFFF0, s7;
	s7 =	spop (v2sf)  }
0x1de: {  	[tilespmem:s17], [sflag:$0x1] =	stream.linear.gather [hbm4b:s5+s24], $0x80, $0x38;
	[tilespmem:$0x18600] =	vst v63  }
0x1df: {  	s5 =	sadd.s32 s3, s6;
	s6 =	sand.u32 $0x1FFFFFF0, s7;
	s7 =	spop (v2sf)  }
0x1e0: {  	[tilespmem:s16], [sflag:$0x1] =	stream.linear.gather [hbm4b:s5+s24], $0x80, $0x38;
	[tilespmem:$0x18600] =	vst v63  }
0x1e1: {  	s5 =	sadd.s32 s3, s6;
	s6 =	sand.u32 $0x1FFFFFF0, s7;
	s7 =	spop (v2sf)  }
0x1e2: {  	[tilespmem:s2], [sflag:$0x1] =	stream.linear.gather [hbm4b:s5+s24], $0x80, $0x38;
	[tilespmem:$0x18600] =	vst v63  }
0x1e3: {  	s2 =	sadd.s32 s3, s6;
	s5 =	sand.u32 $0x1FFFFFF0, s7;
	s6 =	spop (v2sf)  }
0x1e4: {  	[tilespmem:s0], [sflag:$0x1] =	stream.linear.gather [hbm4b:s2+s24], $0x80, $0x38;
	[tilespmem:$0x18600] =	vst v63  }
0x1e5: {  	s0 =	sadd.s32 s3, s5;
	s2 =	sand.u32 $0x1FFFFFF0, s6;
	s5 =	spop (v2sf)  }
0x1e6: {  	[tilespmem:s30], [sflag:$0x1] =	stream.linear.gather [hbm4b:s0+s24], $0x80, $0x38;
	[tilespmem:$0x18600] =	vst v63  }
0x1e7: {  	s0 =	sadd.s32 s3, s2;
	s2 =	sand.u32 $0x1FFFFFF0, s5;
	s5 =	spop (v2sf)  }
0x1e8: {  	[tilespmem:s29], [sflag:$0x1] =	stream.linear.gather [hbm4b:s0+s24], $0x80, $0x38;
	[tilespmem:$0x18600] =	vst v63  }
0x1e9: {  	s2 =	sadd.s32 s3, s2;
	s0 =	sadd.s32 $0x8D00, s28;
	s5 =	sand.u32 $0x1FFFFFF0, s5  }
0x1ea: {  	[tilespmem:s0], [sflag:$0x1] =	stream.linear.gather [hbm4b:s2+s24], $0x80, $0x38;
	[tilespmem:$0x18600] =	vst v63  }
0x1eb: {  	s5 =	sadd.s32 s3, s5;
	s0 =	sand.u32 $0xF0, s26;
	s2 =	sadd.s32 $0x8D80, s28  }
0x1ec: {  	[tilespmem:s2], [sflag:$0x1] =	stream.linear.gather [hbm4b:s5+s24], $0x80, $0x38;
	[tilespmem:$0x18600] =	vst v63  }
0x1ed: {  	v0 =	vld [tilespmem:s0+$0x300];
	_ =	sdelay $0x4  }
0x1ee: {  	v0 =	vshll.u32 v0, $0x4  }
0x1ef: {  	(v2sf) =	vpush v0, $0x0  }
0x1f0: {  	(v2sf) =	vpush v0, $0x2  }
0x1f1: {  	(v2sf) =	vpush v0, $0x1;
	_ =	sdelay $0x1  }
.Ltmp4:
0x1f2: {  	(v2sf) =	vpush v0, $0x3;
	(pc) =	sbr.rel @p0 .LBB2_10-.Ltmp4, $2  }
0x1f3: {  	(v2sf) =	vpush v0, $0x4;
	_ =	sdelay $0x2  }
0x1f4: {  	s26 =	sadd.s32 $0x10, s26  }
0x1f5: {  	(v2sf) =	vpush v0, $0x5;
	_ =	sdelay $0x1  }
0x1f6: {  	s0 =	sshra.s32 s23, $0x2;
	(v2sf) =	vpush v0, $0x6  }
0x1f7: {  	s5 =	sadd.s32 $0x8680, s0;
	s6 =	sadd.s32 $0x8600, s0  }
0x1f8: {  	s17 =	sadd.s32 $0x8B80, s0;
	s16 =	sadd.s32 $0x8C00, s0;
	s2 =	sadd.s32 $0x8C80, s0;
	(v2sf) =	vpush v0, $0x7  }
0x1f9: {  	s7 =	sadd.s32 $0x8A00, s0;
	s8 =	sadd.s32 $0x8A80, s0;
	s9 =	sadd.s32 $0x8B00, s0  }
0x1fa: {  	s10 =	sadd.s32 $0x8900, s0;
	s11 =	sadd.s32 $0x8980, s0;
	s19 =	spop (v2sf);
	(v2sf) =	vpush v0, $0x8  }
0x1fb: {  	s20 =	sadd.s32 $0x8700, s0;
	s19 =	sand.u32 $0x1FFFFFF0, s19;
	s21 =	spop (v2sf)  }
0x1fc: {  	s23 =	sadd.s32 $0x8880, s0;
	s19 =	sadd.s32 s3, s19;
	s25 =	spop (v2sf);
	(v2sf) =	vpush v0, $0x9  }
0x1fd: {  	[tilespmem:s6], [sflag:$0x1] =	stream.linear.gather [hbm4b:s19+s24], $0x80, $0x38;
	[tilespmem:$0x18600] =	vst v63  }
0x1fe: {  	s30 =	sand.u32 $0x1FFFFFF0, s21;
	s29 =	sand.u32 $0x1FFFFFF0, s25;
	s31 =	spop (v2sf);
	(v2sf) =	vpush v0, $0xA  }
0x1ff: {  	s25 =	sadd.s32 $0x8800, s0;
	s6 =	sadd.s32 s3, s29;
	s26 =	spop (v2sf)  }
0x200: {  	[tilespmem:s5], [sflag:$0x1] =	stream.linear.gather [hbm4b:s6+s24], $0x80, $0x38;
	(v2sf) =	vpush v0, $0xB;
	[tilespmem:$0x18600] =	vst v63  }
0x201: {  	s19 =	sadd.s32 s3, s30;
	s30 =	sadd.s32 $0x8780, s0;
	s28 =	sand.u32 $0x1FFFFFF0, s31  }
0x202: {  	(v2sf) =	vpush v0, $0xC;
	[tilespmem:s20], [sflag:$0x1] =	stream.linear.gather [hbm4b:s19+s24], $0x80, $0x38;
	[tilespmem:$0x18600] =	vst v63  }
0x203: {  	s29 =	sand.u32 $0x1FFFFFF0, s26;
	s6 =	sadd.s32 s3, s28;
	s31 =	spop (v2sf)  }
0x204: {  	[tilespmem:s30], [sflag:$0x1] =	stream.linear.gather [hbm4b:s6+s24], $0x80, $0x38;
	(v2sf) =	vpush v0, $0xD;
	[tilespmem:$0x18600] =	vst v63  }
0x205: {  	s19 =	sadd.s32 s3, s29;
	s20 =	sand.u32 $0x1FFFFFF0, s31;
	s21 =	spop (v2sf)  }
0x206: {  	(v2sf) =	vpush v0, $0xE;
	[tilespmem:s25], [sflag:$0x1] =	stream.linear.gather [hbm4b:s19+s24], $0x80, $0x38;
	[tilespmem:$0x18600] =	vst v63  }
0x207: {  	s25 =	sadd.s32 s3, s20;
	s26 =	sand.u32 $0x1FFFFFF0, s21;
	s28 =	spop (v2sf)  }
0x208: {  	(v2sf) =	vpush v0, $0xF;
	[tilespmem:s23], [sflag:$0x1] =	stream.linear.gather [hbm4b:s25+s24], $0x80, $0x38;
	[tilespmem:$0x18600] =	vst v63  }
0x209: {  	s29 =	sadd.s32 s3, s26;
	s30 =	sand.u32 $0x1FFFFFF0, s28;
	s31 =	spop (v2sf)  }
0x20a: {  	[tilespmem:s10], [sflag:$0x1] =	stream.linear.gather [hbm4b:s29+s24], $0x80, $0x38;
	[tilespmem:$0x18600] =	vst v63  }
0x20b: {  	s20 =	sadd.s32 s3, s30;
	s21 =	sand.u32 $0x1FFFFFF0, s31;
	s23 =	spop (v2sf)  }
0x20c: {  	[tilespmem:s11], [sflag:$0x1] =	stream.linear.gather [hbm4b:s20+s24], $0x80, $0x38;
	[tilespmem:$0x18600] =	vst v63  }
0x20d: {  	s25 =	sadd.s32 s3, s21;
	s26 =	sand.u32 $0x1FFFFFF0, s23;
	s28 =	spop (v2sf)  }
0x20e: {  	[tilespmem:s7], [sflag:$0x1] =	stream.linear.gather [hbm4b:s25+s24], $0x80, $0x38;
	[tilespmem:$0x18600] =	vst v63  }
0x20f: {  	s29 =	sadd.s32 s3, s26;
	s30 =	sand.u32 $0x1FFFFFF0, s28;
	s31 =	spop (v2sf)  }
0x210: {  	[tilespmem:s8], [sflag:$0x1] =	stream.linear.gather [hbm4b:s29+s24], $0x80, $0x38;
	[tilespmem:$0x18600] =	vst v63  }
0x211: {  	s6 =	sadd.s32 s3, s30;
	s7 =	sand.u32 $0x1FFFFFF0, s31;
	s8 =	spop (v2sf)  }
0x212: {  	[tilespmem:s9], [sflag:$0x1] =	stream.linear.gather [hbm4b:s6+s24], $0x80, $0x38;
	[tilespmem:$0x18600] =	vst v63  }
0x213: {  	s10 =	sand.u32 $0x1FFFFFF0, s8;
	s9 =	sadd.s32 s3, s7;
	s11 =	spop (v2sf)  }
0x214: {  	[tilespmem:s17], [sflag:$0x1] =	stream.linear.gather [hbm4b:s9+s24], $0x80, $0x38;
	[tilespmem:$0x18600] =	vst v63  }
0x215: {  	s17 =	sadd.s32 s3, s10;
	s19 =	sand.u32 $0x1FFFFFF0, s11;
	s20 =	spop (v2sf)  }
0x216: {  	[tilespmem:s16], [sflag:$0x1] =	stream.linear.gather [hbm4b:s17+s24], $0x80, $0x38;
	[tilespmem:$0x18600] =	vst v63  }
0x217: {  	s21 =	sadd.s32 s3, s19;
	s23 =	sand.u32 $0x1FFFFFF0, s20;
	s25 =	spop (v2sf)  }
0x218: {  	[tilespmem:s2], [sflag:$0x1] =	stream.linear.gather [hbm4b:s21+s24], $0x80, $0x38;
	[tilespmem:$0x18600] =	vst v63  }
0x219: {  	s26 =	sadd.s32 $0x8D00, s0;
	s28 =	sadd.s32 s3, s23;
	s29 =	sand.u32 $0x1FFFFFF0, s25  }
0x21a: {  	[tilespmem:s26], [sflag:$0x1] =	stream.linear.gather [hbm4b:s28+s24], $0x80, $0x38;
	[tilespmem:$0x18600] =	vst v63  }
0x21b: {  	s0 =	sadd.s32 $0x8D80, s0;
	s31 =	sand.u32 $0xF0, s24;
	s30 =	sadd.s32 s3, s29  }
0x21c: {  	[tilespmem:s0], [sflag:$0x1] =	stream.linear.gather [hbm4b:s30+s24], $0x80, $0x38;
	[tilespmem:$0x18600] =	vst v63  }
0x21d: {  	v0 =	vld [tilespmem:s31+$0x500];
	_ =	sdelay $0x4  }
0x21e: {  	v0 =	vshll.u32 v0, $0x4  }
0x21f: {  	(v2sf) =	vpush v0, $0x0  }
0x220: {  	(v2sf) =	vpush v0, $0x2  }
0x221: {  	(v2sf) =	vpush v0, $0x1;
	_ =	sdelay $0x1  }
0x222: {  	(v2sf) =	vpush v0, $0x3  }
0x223: {  	(v2sf) =	vpush v0, $0x4;
	_ =	sdelay $0x2  }
0x224: {  	s23 =	simm.s32 $0x2000;
	s25 =	simm.s32 $0x10  }
.LBB2_12:
0x225: {  	p0 =	sne.s32 s23, $0x1E000;
	(v2sf) =	vpush v0, $0x5;
	s0 =	smov.u32 s23;
	s23 =	sadd.s32 $0x2000, s23  }
0x226: {  	s26 =	sshra.s32 s24, $0x2;
	s24 =	smov.u32 s0  }
0x227: {  	s5 =	sadd.s32 $0x10680, s26;
	(v2sf) =	vpush v0, $0x6  }
0x228: {  	s6 =	sadd.s32 $0x10600, s26  }
0x229: {  	s0 =	sadd.s32 $0x10B80, s26;
	s29 =	sadd.s32 $0x10C00, s26;
	s28 =	sadd.s32 $0x10C80, s26;
	(v2sf) =	vpush v0, $0x7  }
0x22a: {  	s17 =	sadd.s32 $0x10A00, s26;
	s16 =	sadd.s32 $0x10A80, s26;
	s2 =	sadd.s32 $0x10B00, s26  }
0x22b: {  	s7 =	sadd.s32 $0x10900, s26;
	s19 =	sadd.s32 $0x10980, s26;
	s8 =	spop (v2sf);
	(v2sf) =	vpush v0, $0x8  }
0x22c: {  	s9 =	sadd.s32 $0x10700, s26;
	s8 =	sand.u32 $0x1FFFFFF0, s8;
	s10 =	spop (v2sf)  }
0x22d: {  	s11 =	sadd.s32 $0x10880, s26;
	s8 =	sadd.s32 s4, s8;
	s20 =	spop (v2sf);
	(v2sf) =	vpush v0, $0x9  }
0x22e: {  	[tilespmem:s6], [sflag:$0x1] =	stream.linear.gather [hbm4b:s8+s1], $0x80, $0x38;
	[tilespmem:$0x18600] =	vst v63  }
0x22f: {  	s6 =	sand.u32 $0x1FFFFFF0, s20;
	s8 =	sand.u32 $0x1FFFFFF0, s10;
	s10 =	spop (v2sf);
	(v2sf) =	vpush v0, $0xA  }
0x230: {  	s20 =	sadd.s32 $0x10800, s26;
	s6 =	sadd.s32 s4, s6;
	s21 =	spop (v2sf)  }
0x231: {  	[tilespmem:s5], [sflag:$0x1] =	stream.linear.gather [hbm4b:s6+s1], $0x80, $0x38;
	(v2sf) =	vpush v0, $0xB;
	[tilespmem:$0x18600] =	vst v63  }
0x232: {  	s5 =	sadd.s32 s4, s8;
	s6 =	sand.u32 $0x1FFFFFF0, s10;
	s8 =	sand.u32 $0x1FFFFFF0, s21  }
0x233: {  	[tilespmem:s9], [sflag:$0x1] =	stream.linear.gather [hbm4b:s5+s1], $0x80, $0x38;
	(v2sf) =	vpush v0, $0xC;
	[tilespmem:$0x18600] =	vst v63  }
0x234: {  	s6 =	sadd.s32 s4, s6;
	s5 =	sadd.s32 $0x10780, s26;
	s9 =	spop (v2sf)  }
0x235: {  	[tilespmem:s5], [sflag:$0x1] =	stream.linear.gather [hbm4b:s6+s1], $0x80, $0x38;
	(v2sf) =	vpush v0, $0xD;
	[tilespmem:$0x18600] =	vst v63  }
0x236: {  	s5 =	sadd.s32 s4, s8;
	s6 =	sand.u32 $0x1FFFFFF0, s9;
	s8 =	spop (v2sf)  }
0x237: {  	[tilespmem:s20], [sflag:$0x1] =	stream.linear.gather [hbm4b:s5+s1], $0x80, $0x38;
	(v2sf) =	vpush v0, $0xE;
	[tilespmem:$0x18600] =	vst v63  }
0x238: {  	s5 =	sadd.s32 s4, s6;
	s6 =	sand.u32 $0x1FFFFFF0, s8;
	s8 =	spop (v2sf)  }
0x239: {  	[tilespmem:s11], [sflag:$0x1] =	stream.linear.gather [hbm4b:s5+s1], $0x80, $0x38;
	(v2sf) =	vpush v0, $0xF;
	[tilespmem:$0x18600] =	vst v63  }
0x23a: {  	s5 =	sadd.s32 s4, s6;
	s6 =	sand.u32 $0x1FFFFFF0, s8;
	s8 =	spop (v2sf)  }
0x23b: {  	[tilespmem:s7], [sflag:$0x1] =	stream.linear.gather [hbm4b:s5+s1], $0x80, $0x38;
	[tilespmem:$0x18600] =	vst v63  }
0x23c: {  	s5 =	sadd.s32 s4, s6;
	s6 =	sand.u32 $0x1FFFFFF0, s8;
	s7 =	spop (v2sf)  }
0x23d: {  	[tilespmem:s19], [sflag:$0x1] =	stream.linear.gather [hbm4b:s5+s1], $0x80, $0x38;
	[tilespmem:$0x18600] =	vst v63  }
0x23e: {  	s5 =	sadd.s32 s4, s6;
	s6 =	sand.u32 $0x1FFFFFF0, s7;
	s7 =	spop (v2sf)  }
0x23f: {  	[tilespmem:s17], [sflag:$0x1] =	stream.linear.gather [hbm4b:s5+s1], $0x80, $0x38;
	[tilespmem:$0x18600] =	vst v63  }
0x240: {  	s5 =	sadd.s32 s4, s6;
	s6 =	sand.u32 $0x1FFFFFF0, s7;
	s7 =	spop (v2sf)  }
0x241: {  	[tilespmem:s16], [sflag:$0x1] =	stream.linear.gather [hbm4b:s5+s1], $0x80, $0x38;
	[tilespmem:$0x18600] =	vst v63  }
0x242: {  	s5 =	sadd.s32 s4, s6;
	s6 =	sand.u32 $0x1FFFFFF0, s7;
	s7 =	spop (v2sf)  }
0x243: {  	[tilespmem:s2], [sflag:$0x1] =	stream.linear.gather [hbm4b:s5+s1], $0x80, $0x38;
	[tilespmem:$0x18600] =	vst v63  }
0x244: {  	s2 =	sadd.s32 s4, s6;
	s5 =	sand.u32 $0x1FFFFFF0, s7;
	s6 =	spop (v2sf)  }
0x245: {  	[tilespmem:s0], [sflag:$0x1] =	stream.linear.gather [hbm4b:s2+s1], $0x80, $0x38;
	[tilespmem:$0x18600] =	vst v63  }
0x246: {  	s0 =	sadd.s32 s4, s5;
	s2 =	sand.u32 $0x1FFFFFF0, s6;
	s5 =	spop (v2sf)  }
0x247: {  	[tilespmem:s29], [sflag:$0x1] =	stream.linear.gather [hbm4b:s0+s1], $0x80, $0x38;
	[tilespmem:$0x18600] =	vst v63  }
0x248: {  	s0 =	sadd.s32 s4, s2;
	s2 =	sand.u32 $0x1FFFFFF0, s5;
	s5 =	spop (v2sf)  }
0x249: {  	[tilespmem:s28], [sflag:$0x1] =	stream.linear.gather [hbm4b:s0+s1], $0x80, $0x38;
	[tilespmem:$0x18600] =	vst v63  }
0x24a: {  	s2 =	sadd.s32 s4, s2;
	s0 =	sadd.s32 $0x10D00, s26;
	s5 =	sand.u32 $0x1FFFFFF0, s5  }
0x24b: {  	[tilespmem:s0], [sflag:$0x1] =	stream.linear.gather [hbm4b:s2+s1], $0x80, $0x38;
	[tilespmem:$0x18600] =	vst v63  }
0x24c: {  	s5 =	sadd.s32 s4, s5;
	s0 =	sand.u32 $0xF0, s25;
	s2 =	sadd.s32 $0x10D80, s26  }
0x24d: {  	[tilespmem:s2], [sflag:$0x1] =	stream.linear.gather [hbm4b:s5+s1], $0x80, $0x38;
	[tilespmem:$0x18600] =	vst v63  }
0x24e: {  	v0 =	vld [tilespmem:s0+$0x500];
	_ =	sdelay $0x4  }
0x24f: {  	v0 =	vshll.u32 v0, $0x4  }
0x250: {  	(v2sf) =	vpush v0, $0x0  }
0x251: {  	(v2sf) =	vpush v0, $0x2  }
0x252: {  	(v2sf) =	vpush v0, $0x1;
	_ =	sdelay $0x1  }
.Ltmp5:
0x253: {  	(v2sf) =	vpush v0, $0x3;
	(pc) =	sbr.rel @p0 .LBB2_12-.Ltmp5, $2  }
0x254: {  	(v2sf) =	vpush v0, $0x4;
	_ =	sdelay $0x2  }
0x255: {  	s25 =	sadd.s32 $0x10, s25  }
0x256: {  	_ =	sdelay $0x5  }
0x257: {  	s2 =	spop (v2sf)  }
0x258: {  	s6 =	spop (v2sf);
	(v2sf) =	vpush v0, $0x5;
	_ =	sdelay $0x1  }
0x259: {  	s11 =	spop (v2sf);
	(v2sf) =	vpush v0, $0x6;
	_ =	sdelay $0x2  }
0x25a: {  	s20 =	spop (v2sf);
	(v2sf) =	vpush v0, $0x7  }
0x25b: {  	s0 =	sshra.s32 s24, $0x2;
	s2 =	sand.u32 $0x1FFFFFF0, s2  }
0x25c: {  	s5 =	sadd.s32 $0x10600, s0;
	s2 =	sadd.s32 s4, s2  }
0x25d: {  	[tilespmem:s5], [sflag:$0x1] =	stream.linear.gather [hbm4b:s2+s1], $0x80, $0x38;
	[tilespmem:$0x18600] =	vst v63  }
0x25e: {  	s2 =	sand.u32 $0x1FFFFFF0, s11;
	s23 =	spop (v2sf);
	(v2sf) =	vpush v0, $0x8  }
0x25f: {  	s16 =	sadd.s32 $0x10680, s0;
	s17 =	sand.u32 $0x1FFFFFF0, s6;
	s2 =	sadd.s32 s4, s2  }
0x260: {  	[tilespmem:s16], [sflag:$0x1] =	stream.linear.gather [hbm4b:s2+s1], $0x80, $0x38;
	[tilespmem:$0x18600] =	vst v63  }
0x261: {  	s19 =	sadd.s32 $0x10700, s0;
	s2 =	sadd.s32 s4, s17  }
0x262: {  	[tilespmem:s19], [sflag:$0x1] =	stream.linear.gather [hbm4b:s2+s1], $0x80, $0x38;
	[tilespmem:$0x18600] =	vst v63  }
0x263: {  	s2 =	sand.u32 $0x1FFFFFF0, s20  }
0x264: {  	s21 =	sadd.s32 $0x10780, s0;
	s2 =	sadd.s32 s4, s2;
	s25 =	spop (v2sf);
	(v2sf) =	vpush v0, $0x9  }
0x265: {  	[tilespmem:s21], [sflag:$0x1] =	stream.linear.gather [hbm4b:s2+s1], $0x80, $0x38;
	[tilespmem:$0x18600] =	vst v63  }
0x266: {  	s2 =	sand.u32 $0x1FFFFFF0, s23;
	s28 =	spop (v2sf);
	(v2sf) =	vpush v0, $0xA  }
0x267: {  	s24 =	sadd.s32 $0x10800, s0;
	s2 =	sadd.s32 s4, s2  }
0x268: {  	[tilespmem:s24], [sflag:$0x1] =	stream.linear.gather [hbm4b:s2+s1], $0x80, $0x38;
	[tilespmem:$0x18600] =	vst v63  }
0x269: {  	s2 =	sand.u32 $0x1FFFFFF0, s25;
	s30 =	spop (v2sf);
	(v2sf) =	vpush v0, $0xB  }
0x26a: {  	s26 =	sadd.s32 $0x10880, s0;
	s2 =	sadd.s32 s4, s2  }
0x26b: {  	[tilespmem:s26], [sflag:$0x1] =	stream.linear.gather [hbm4b:s2+s1], $0x80, $0x38;
	[tilespmem:$0x18600] =	vst v63  }
0x26c: {  	s2 =	sand.u32 $0x1FFFFFF0, s28  }
0x26d: {  	s29 =	sadd.s32 $0x10900, s0;
	s2 =	sadd.s32 s4, s2;
	s6 =	spop (v2sf)  }
0x26e: {  	(v2sf) =	vpush v0, $0xC;
	[tilespmem:s29], [sflag:$0x1] =	stream.linear.gather [hbm4b:s2+s1], $0x80, $0x38;
	[tilespmem:$0x18600] =	vst v63  }
0x26f: {  	s2 =	sand.u32 $0x1FFFFFF0, s30  }
0x270: {  	s31 =	sadd.s32 $0x10980, s0;
	s2 =	sadd.s32 s4, s2  }
0x271: {  	[tilespmem:s31], [sflag:$0x1] =	stream.linear.gather [hbm4b:s2+s1], $0x80, $0x38;
	[tilespmem:$0x18600] =	vst v63  }
0x272: {  	s2 =	sand.u32 $0x1FFFFFF0, s6  }
0x273: {  	s7 =	sadd.s32 $0x10A00, s0;
	s2 =	sadd.s32 s4, s2;
	s8 =	spop (v2sf);
	(v2sf) =	vpush v0, $0xD  }
0x274: {  	[tilespmem:s7], [sflag:$0x1] =	stream.linear.gather [hbm4b:s2+s1], $0x80, $0x38;
	[tilespmem:$0x18600] =	vst v63  }
0x275: {  	s2 =	sand.u32 $0x1FFFFFF0, s8;
	s10 =	spop (v2sf);
	(v2sf) =	vpush v0, $0xE  }
0x276: {  	s9 =	sadd.s32 $0x10A80, s0;
	s2 =	sadd.s32 s4, s2  }
0x277: {  	[tilespmem:s9], [sflag:$0x1] =	stream.linear.gather [hbm4b:s2+s1], $0x80, $0x38;
	[tilespmem:$0x18600] =	vst v63  }
0x278: {  	s16 =	spop (v2sf);
	(v2sf) =	vpush v0, $0xF  }
0x279: {  	s2 =	sand.u32 $0x1FFFFFF0, s10  }
0x27a: {  	s11 =	sadd.s32 $0x10B00, s0;
	s2 =	sadd.s32 s4, s2  }
0x27b: {  	[tilespmem:s11], [sflag:$0x1] =	stream.linear.gather [hbm4b:s2+s1], $0x80, $0x38;
	[tilespmem:$0x18600] =	vst v63  }
0x27c: {  	s2 =	sand.u32 $0x1FFFFFF0, s16  }
0x27d: {  	s17 =	sadd.s32 $0x10B80, s0;
	s19 =	spop (v2sf);
	s2 =	sadd.s32 s4, s2  }
0x27e: {  	[tilespmem:s17], [sflag:$0x1] =	stream.linear.gather [hbm4b:s2+s1], $0x80, $0x38;
	[tilespmem:$0x18600] =	vst v63  }
0x27f: {  	s2 =	sand.u32 $0x1FFFFFF0, s19  }
0x280: {  	s20 =	sadd.s32 $0x10C00, s0;
	s2 =	sadd.s32 s4, s2  }
0x281: {  	[tilespmem:s20], [sflag:$0x1] =	stream.linear.gather [hbm4b:s2+s1], $0x80, $0x38;
	[tilespmem:$0x18600] =	vst v63  }
0x282: {  	s21 =	spop (v2sf)  }
0x283: {  	s2 =	sand.u32 $0x1FFFFFF0, s21  }
0x284: {  	s23 =	sadd.s32 $0x10C80, s0;
	s24 =	spop (v2sf);
	s2 =	sadd.s32 s4, s2  }
0x285: {  	[tilespmem:s23], [sflag:$0x1] =	stream.linear.gather [hbm4b:s2+s1], $0x80, $0x38;
	[tilespmem:$0x18600] =	vst v63  }
0x286: {  	s2 =	sand.u32 $0x1FFFFFF0, s24  }
0x287: {  	s25 =	sadd.s32 $0x10D00, s0;
	s26 =	spop (v2sf);
	s2 =	sadd.s32 s4, s2  }
0x288: {  	[tilespmem:s25], [sflag:$0x1] =	stream.linear.gather [hbm4b:s2+s1], $0x80, $0x38;
	[tilespmem:$0x18600] =	vst v63  }
0x289: {  	s2 =	sand.u32 $0x1FFFFFF0, s26  }
0x28a: {  	s0 =	sadd.s32 $0x10D80, s0;
	s2 =	sadd.s32 s4, s2  }
0x28b: {  	[tilespmem:s0], [sflag:$0x1] =	stream.linear.gather [hbm4b:s2+s1], $0x80, $0x38;
	[tilespmem:$0x18600] =	vst v63  }
0x28c: {  	_ =	swait.ge [sflag:s18], $0x8000  }
0x28d: {  	[sflag:s18] =	ssyncset.done $0x0  }
0x28e: {  	[sflag:s18] =	ssyncadd.s32 $0xFFFF8000  }
0x28f: {  	_ =	swait.ge [sflag:s18], $0x8000  }
0x290: {  	[sflag:s18] =	ssyncset.done $0x0  }
0x291: {  	[sflag:s18] =	ssyncadd.s32 $0xFFFF8000  }
0x292: {  	_ =	swait.ge [sflag:s18], $0x8000  }
0x293: {  	[sflag:s18] =	ssyncset.done $0x0  }
0x294: {  	s29 =	simm.s32 $0x600;
	s28 =	rddreg [dreg:$0xb];
	[sflag:s18] =	ssyncadd.s32 $0xFFFF8000  }
0x295: {  	[hbm4b:s28+s1] =	stream.linear.scatter [tilespmem:s29], [sflag:$0x2], $0x8000, $0x38;
	[tilespmem:$0x18600] =	vst v63  }
0x296: {  	_ =	swait.ge [sflag:s15], $0x8000  }
0x297: {  	[sflag:s15] =	ssyncset.done $0x0  }
0x298: {  	s30 =	simm.s32 $0x8600;
	[sflag:s15] =	ssyncadd.s32 $0xFFFF8000  }
0x299: {  	[hbm4b:s12+s1] =	stream.linear.scatter [tilespmem:s30], [sflag:$0x2], $0x8000, $0x38;
	[tilespmem:$0x18600] =	vst v63  }
0x29a: {  	s22 =	sadd.s32 $0x1, s22;
	_ =	swait.ge [sflag:s15], $0x8000  }
0x29b: {  	p0 =	sne.s32 s22, s14;
	[sflag:s15] =	ssyncset.done $0x0  }
.Ltmp6:
0x29c: {  	s31 =	simm.s32 $0x10600;
	[sflag:s15] =	ssyncadd.s32 $0xFFFF8000;
	(pc) =	sbr.rel @p0 .LBB2_1-.Ltmp6, $4  }
0x29d: {  	[hbm4b:s13+s1] =	stream.linear.scatter [tilespmem:s31], [sflag:$0x2], $0x8000, $0x38;
	[tilespmem:$0x18600] =	vst v63  }
0x29e: {  	_ =	swait.ge [sflag:s15], $0x8000  }
0x29f: {  	[sflag:s15] =	ssyncset.done $0x0  }
0x2a0: {  	[sflag:s15] =	ssyncadd.s32 $0xFFFF8000  }
0x2a1: {  	_ =	sfence.sel $0x180000  }
0x2a2: {  	[bflag:$0x0] =	sbarrier.arrive $0xFFFF  }
0x2a3: {  	_ =	strace $0x90000047  }
0x2a4: {  	s0 =	stileid.u32;
	[bflag:$0x2] =	sbarrier.arrive $0xFFFF  }
0x2a5: {  	p0 =	sne.s32 s0, $0x0;
	s0 =	rddreg [dreg:$0x4]  }
0x2a6: {  	s0 =	sadd.s32 @!p0 $0x100000, s0  }
0x2a7: {  	[sflag:s0] =	ssyncadd.tile.s32 @!p0 $0x1;
	_ =	shalt  }
.Lfunc_end2:
_tile_overlayer_lowered:
.L_overlay_start_2:
0x2a8: {  	(tag) =	ssettag $0x2  }
0x2a9: {  	s0 =	rddreg [dreg:$0x0];
	s2 =	stileid.u32  }
0x2aa: {  	s1 =	rddreg [dreg:$0x1];
	p0 =	sne.s32 s2, $0x0  }
0x2ab: {  	s3 =	rddreg [dreg:$0x2];
	[bflag:$0x3] =	sbarrier.arrive $0xFFFF;
	s2 =	simm.s32 @!p0 $0x1C02  }
0x2ac: {  	[timem:s3], [sflag:s2] =	dma.local @!p0 [hbm:s0], s1  }
0x2ad: {  	s0 =	simm.s32 @!p0 $0x2  }
0x2ae: {  	_ =	swait.ge @!p0 [sflag:s0], s1  }
0x2af: {  	s1 =	ssub.s32 @!p0 $0x0, s1;
	[sflag:s0] =	ssyncset.done @!p0 $0x0  }
0x2b0: {  	[sflag:s0] =	ssyncadd.s32 @!p0 s1  }
0x2b1: {  	[bflag:$0x3] =	sbarrier.arrive $0xFFFF  }
0x2b2: {  	_ =	shalt  }

</sc_bundles>
